<compile_context>
chip_gen: v7x
topology: tpu7x:2x2x1
jax: 0.10.2.dev20260603
libtpu: 0.0.44.dev20260713+nightly
codegen_flags: <defaults>
</compile_context>

<pallas_src>
import functools

import jax
import jax.numpy as jnp
from jax import lax
from jax.experimental import pallas as pl
from jax.experimental.pallas import tpu as pltpu
from jax.experimental.pallas import tpu_sc as plsc

_N = 10000
_E = 320000
_G = 128
_HID = 128
_EMB = 64
_IN_CH = 8

_NC = 2
_NS = 16
_NW = _NC * _NS
_CHUNK = 80
_NBUF = 3
_EPW = _E // _NW
_NCH = _EPW // _CHUNK
_MAIN = _NCH - (_NCH % _NBUF)
_NROWS = _N
_RPT = 1000
_NZT = _N // _RPT

_BN = 2000
_NB = _N // _BN


def _make_edge_agg(C):
  mesh = plsc.VectorSubcoreMesh(core_axis_name="c", subcore_axis_name="s")

  @functools.partial(
      pl.kernel,
      out_type=jax.ShapeDtypeStruct((_NC, _N, C), jnp.float32),
      mesh=mesh,
      scratch_types=[
          pltpu.VMEM((_NCH, _CHUNK), jnp.int32),
          pltpu.VMEM((_NCH, _CHUNK), jnp.int32),
          pltpu.VMEM((_NBUF, _CHUNK, C), jnp.float32),
          pltpu.VMEM_SHARED((_NROWS, C), jnp.float32),
          pltpu.SemaphoreType.DMA,
          pltpu.SemaphoreType.DMA,
          pltpu.SemaphoreType.DMA,
      ],
      compiler_params=pltpu.CompilerParams(use_tc_tiling_on_sc=False),
  )
  def agg(h_hbm, src_hbm, dst_hbm, zeros_hbm, out_hbm,
          idx_s, idx_d, rows, acc_sh, sem0, sem1, sem2):
    sems = (sem0, sem1, sem2)
    c = lax.axis_index("c")
    s = lax.axis_index("s")
    @pl.when(s < _NZT)
    def _():
      pltpu.sync_copy(zeros_hbm.at[pl.ds(s * _RPT, _RPT)],
                      acc_sh.at[pl.ds(s * _RPT, _RPT)])
    pltpu.sync_copy(src_hbm.at[c, s], idx_s)
    pltpu.sync_copy(dst_hbm.at[c, s], idx_d)
    plsc.subcore_barrier()

    def start_gather(j, b):
      pltpu.make_async_copy(h_hbm.at[idx_s.at[j]], rows.at[b], sems[b]).start()

    def wait_gather(j, b):
      pltpu.make_async_copy(h_hbm.at[idx_s.at[j]], rows.at[b], sems[b]).wait()

    for b in range(_NBUF):
      start_gather(b, b)

    @pl.loop(0, _MAIN, step=_NBUF)
    def _(jj):
      for b in range(_NBUF):
        j = jj + b
        wait_gather(j, b)
        pltpu.sync_copy(rows.at[b], acc_sh.at[idx_d.at[j]], add=True)

        @pl.when(jj < _NCH - _NBUF - b)
        def _():
          start_gather(j + _NBUF, b)

    for j in range(_MAIN, _NCH):
      wait_gather(j, j % _NBUF)
      pltpu.sync_copy(rows.at[j % _NBUF], acc_sh.at[idx_d.at[j]], add=True)

    plsc.subcore_barrier()
    @pl.when(s < _NZT)
    def _():
      pltpu.sync_copy(acc_sh.at[pl.ds(s * _RPT, _RPT)],
                      out_hbm.at[c, pl.ds(s * _RPT, _RPT)])

  return agg


_agg128 = _make_edge_agg(_HID)


def _emb_body(x_ref, we_ref, w1_ref, o_ref):
  wc = jax.lax.dot(we_ref[...], w1_ref[...],
                   preferred_element_type=jnp.float32)
  o_ref[...] = jax.lax.dot(x_ref[...], wc,
                           preferred_element_type=jnp.float32)


def _emb(x, W_emb, W1):
  return pl.pallas_call(
      _emb_body,
      grid=(_NB,),
      in_specs=[
          pl.BlockSpec((_BN, 57), lambda i: (i, 0)),
          pl.BlockSpec((57, _IN_CH), lambda i: (0, 0)),
          pl.BlockSpec((_IN_CH, _HID), lambda i: (0, 0)),
      ],
      out_specs=pl.BlockSpec((_BN, _HID), lambda i: (i, 0)),
      out_shape=jax.ShapeDtypeStruct((_N, _HID), jnp.float32),
  )(x, W_emb, W1)


def _bias_relu_body(p_ref, b_ref, o_ref):
  o_ref[...] = jnp.maximum(p_ref[0] + p_ref[1] + b_ref[...], 0.0)


def _bias_relu(p, b):
  return pl.pallas_call(
      _bias_relu_body,
      grid=(_NB,),
      in_specs=[
          pl.BlockSpec((_NC, _BN, _HID), lambda i: (0, i, 0)),
          pl.BlockSpec((1, _HID), lambda i: (0, 0)),
      ],
      out_specs=pl.BlockSpec((_BN, _HID), lambda i: (i, 0)),
      out_shape=jax.ShapeDtypeStruct((_N, _HID), jnp.float32),
  )(p, b.reshape(1, _HID))


def _mm_body(p_ref, w_ref, b_ref, o_ref):
  z = jax.lax.dot(p_ref[0] + p_ref[1], w_ref[...],
                  preferred_element_type=jnp.float32) + b_ref[...]
  o_ref[...] = jnp.maximum(z, 0.0)


def _mm_res_body(p_ref, w_ref, b_ref, r_ref, o_ref):
  z = jax.lax.dot(p_ref[0] + p_ref[1], w_ref[...],
                  preferred_element_type=jnp.float32) + b_ref[...]
  o_ref[...] = jnp.maximum(z, 0.0) + r_ref[...]


def _mm(p, W, b):
  K = p.shape[-1]
  return pl.pallas_call(
      _mm_body,
      grid=(_NB,),
      in_specs=[
          pl.BlockSpec((_NC, _BN, K), lambda i: (0, i, 0)),
          pl.BlockSpec((K, _HID), lambda i: (0, 0)),
          pl.BlockSpec((1, _HID), lambda i: (0, 0)),
      ],
      out_specs=pl.BlockSpec((_BN, _HID), lambda i: (i, 0)),
      out_shape=jax.ShapeDtypeStruct((_N, _HID), jnp.float32),
  )(p, W, b.reshape(1, _HID))


def _mm_res(p, W, b, res):
  return pl.pallas_call(
      _mm_res_body,
      grid=(_NB,),
      in_specs=[
          pl.BlockSpec((_NC, _BN, _HID), lambda i: (0, i, 0)),
          pl.BlockSpec((_HID, _HID), lambda i: (0, 0)),
          pl.BlockSpec((1, _HID), lambda i: (0, 0)),
          pl.BlockSpec((_BN, _HID), lambda i: (i, 0)),
      ],
      out_specs=pl.BlockSpec((_BN, _HID), lambda i: (i, 0)),
      out_shape=jax.ShapeDtypeStruct((_N, _HID), jnp.float32),
  )(p, W, b.reshape(1, _HID), res)


def _final_body(p_ref, w_ref, b_ref, r_ref, seg_ref, wp1_ref, wp2_ref,
                bp2_ref, o_ref, acc_ref):
  i = pl.program_id(0)
  h3 = jnp.maximum(
      jax.lax.dot(p_ref[0] + p_ref[1], w_ref[...],
                  preferred_element_type=jnp.float32) + b_ref[...],
      0.0) + r_ref[...]
  seg = seg_ref[0, 0]
  onehot = (seg[:, None] ==
            lax.broadcasted_iota(jnp.int32, (_BN, _G), 1)).astype(jnp.float32)
  contrib = jax.lax.dot_general(onehot, h3, (((0,), (0,)), ((), ())),
                                preferred_element_type=jnp.float32)

  @pl.when(i == 0)
  def _():
    acc_ref[...] = jnp.zeros_like(acc_ref)

  acc_ref[...] += contrib

  @pl.when(i == _NB - 1)
  def _():
    ge = acc_ref[...]
    t = jnp.maximum(jax.lax.dot(ge, wp1_ref[...],
                                preferred_element_type=jnp.float32), 0.0)
    o_ref[...] = jax.lax.dot(t, wp2_ref[...],
                             preferred_element_type=jnp.float32) + bp2_ref[...]


def _final(p, W3, b3, res, seg3d, Wp1, Wp2, bp2):
  return pl.pallas_call(
      _final_body,
      grid=(_NB,),
      in_specs=[
          pl.BlockSpec((_NC, _BN, _HID), lambda i: (0, i, 0)),
          pl.BlockSpec((_HID, _HID), lambda i: (0, 0)),
          pl.BlockSpec((1, _HID), lambda i: (0, 0)),
          pl.BlockSpec((_BN, _HID), lambda i: (i, 0)),
          pl.BlockSpec((1, 1, _BN), lambda i: (i, 0, 0)),
          pl.BlockSpec((_HID, _EMB), lambda i: (0, 0)),
          pl.BlockSpec((_EMB, 1), lambda i: (0, 0)),
          pl.BlockSpec((1, 1), lambda i: (0, 0)),
      ],
      out_specs=pl.BlockSpec((_G, 1), lambda i: (0, 0)),
      out_shape=jax.ShapeDtypeStruct((_G, 1), jnp.float32),
      scratch_shapes=[pltpu.VMEM((_G, _HID), jnp.float32)],
  )(p, W3, b3.reshape(1, _HID), res, seg3d, Wp1, Wp2, bp2.reshape(1, 1))


def kernel(x, edge_index, segment_ids, W_emb, W1, b1, W2, b2, W3, b3,
           Wp1, Wp2, bp2):
  src = edge_index[0].reshape(_NC, _NS, _NCH, _CHUNK)
  dst = edge_index[1].reshape(_NC, _NS, _NCH, _CHUNK)
  z128 = jnp.zeros((_N, _HID), jnp.float32)
  seg3d = segment_ids.reshape(_NB, 1, _BN)

  g0 = _emb(x, W_emb, W1)
  p1 = _agg128(g0, src, dst, z128)
  h1 = _bias_relu(p1, b1)
  p2 = _agg128(h1, src, dst, z128)
  h2 = _mm_res(p2, W2, b2, h1)
  p3 = _agg128(h2, src, dst, z128)
  pred = _final(p3, W3, b3, h2, seg3d, Wp1, Wp2, bp2)
  return pred

# --- scband reference (transcript-rebuilt; emitter-appended) ---
"""Pipeline reference for scband-gnnpredictor-58368605553172 (READ-ONLY COPY).

The authoritative reference and input builder live on the scoring server;
editing this copy changes nothing except your own understanding.
"""

import jax, jax.numpy as jnp
import numpy as np

N = 10000
E = 320000
D_N = 57
IN_CH = 8
HID = 128
EMB = 64
G = 128


def setup_inputs(seed: int = 0) -> dict:
    key = jax.random.key(seed)
    ks = jax.random.split(key, 14)
    x = jax.random.normal(ks[0], (N, D_N), dtype=jnp.float32)
    edge_index = jax.random.randint(ks[1], (2, E), 0, N, dtype=jnp.int32)
    segment_ids = jnp.sort(jax.random.randint(ks[2], (N,), 0, G, dtype=jnp.int32))
    W_emb = jax.random.normal(ks[3], (D_N, IN_CH), dtype=jnp.float32) * 0.1
    W1 = jax.random.normal(ks[4], (IN_CH, HID), dtype=jnp.float32) * 0.1
    b1 = jax.random.normal(ks[5], (HID,), dtype=jnp.float32) * 0.1
    W2 = jax.random.normal(ks[6], (HID, HID), dtype=jnp.float32) * 0.1
    b2 = jax.random.normal(ks[7], (HID,), dtype=jnp.float32) * 0.1
    W3 = jax.random.normal(ks[8], (HID, HID), dtype=jnp.float32) * 0.1
    b3 = jax.random.normal(ks[9], (HID,), dtype=jnp.float32) * 0.1
    Wp1 = jax.random.normal(ks[10], (HID, EMB), dtype=jnp.float32) * 0.1
    Wp2 = jax.random.normal(ks[11], (EMB, 1), dtype=jnp.float32) * 0.1
    bp2 = jax.random.normal(ks[12], (1,), dtype=jnp.float32) * 0.1
    return {"x": x, "edge_index": edge_index, "segment_ids": segment_ids,
            "W_emb": W_emb, "W1": W1, "b1": b1, "W2": W2, "b2": b2,
            "W3": W3, "b3": b3, "Wp1": Wp1, "Wp2": Wp2, "bp2": bp2}


def reference(x, edge_index, segment_ids, W_emb, W1, b1, W2, b2, W3, b3, Wp1, Wp2, bp2):
    # GNNEmbed: emb_linear (no bias)
    src = edge_index[0]
    dst = edge_index[1]
    h = x @ W_emb  # [N, IN_CH]

    # GCN layer with sum aggregation: h_i' = relu(W @ sum_{j in N(i)} h_j + b)
    def gcn_layer(h, W, b, residual):
        msgs = jnp.take(h, src, axis=0)               # gather source node feats
        agg = jax.ops.segment_sum(msgs, dst, num_segments=N)  # scatter-add to dst
        out = jax.nn.relu(agg @ W + b)
        if residual:
            out = out + h
        return out

    h = gcn_layer(h, W1, b1, residual=False)  # first layer: residual=False
    h = gcn_layer(h, W2, b2, residual=True)
    h = gcn_layer(h, W3, b3, residual=True)

    # SumPooling over batched graphs
    graph_emb = jax.ops.segment_sum(h, segment_ids, num_segments=G)  # [G, HID]

    # pred_layer: Linear(no bias) -> ReLU -> Linear(bias)
    pred = jax.nn.relu(graph_emb @ Wp1) @ Wp2 + bp2  # [G, 1]
    return pred

if __name__ == "__main__":
    import jax
    _d = setup_inputs()
    print(jax.jit(kernel)(*tuple(_d.values())))

</pallas_src>

<mosaic_0001>
#map = affine_map<(d0, d1) -> (0, 0)>
#map1 = affine_map<(d0, d1) -> (0, 0, 0, 0)>
#map2 = affine_map<(d0, d1) -> (0, 0, 0)>
module attributes {stable_mosaic.version = 14 : i64} {
  func.func @agg(%arg0: i32, %arg1: i32, %arg2: memref<10000x128xf32, #tpu.memory_space<hbm>>, %arg3: memref<2x16x125x80xi32, #tpu.memory_space<hbm>>, %arg4: memref<2x16x125x80xi32, #tpu.memory_space<hbm>>, %arg5: memref<10000x128xf32, #tpu.memory_space<hbm>>, %arg6: memref<2x10000x128xf32, #tpu.memory_space<hbm>>, %arg7: memref<125x80xi32, #tpu.memory_space<vmem>>, %arg8: memref<125x80xi32, #tpu.memory_space<vmem>>, %arg9: memref<3x80x128xf32, #tpu.memory_space<vmem>>, %arg10: memref<10000x128xf32, #tpu.memory_space<vmem_shared>>, %arg11: memref<!tpu.dma_semaphore, #tpu.memory_space<semaphore_mem>>, %arg12: memref<!tpu.dma_semaphore, #tpu.memory_space<semaphore_mem>>, %arg13: memref<!tpu.dma_semaphore, #tpu.memory_space<semaphore_mem>>) attributes {dimension_semantics = [#tpu.dimension_semantics<core_parallel>, #tpu.dimension_semantics<subcore_parallel>], iteration_bounds = array<i64: 2, 16>, scalar_prefetch = 0 : i64, scratch_operands = 7 : i64, tpu.core_type = #tpu.core_type<sc_vector_subcore>, window_params = [{transform_indices = #map}, {transform_indices = #map1}, {transform_indices = #map1}, {transform_indices = #map}, {transform_indices = #map2}]} {
    %lt3A = arith.constant 10 : i32
    %lt3A_0 = arith.cmpi slt, %arg1, %lt3A : i32
    %convert_element_type3A = arith.extui %lt3A_0 : i1 to i32
    %cond3A = arith.constant 0 : i32
    %cond3A_1 = arith.cmpi ne, %convert_element_type3A, %cond3A : i32
    scf.if %cond3A_1 {
      %mul3A = arith.constant 1000 : i32
      %mul3A_73 = arith.muli %arg1, %mul3A : i32
      %mul3A_74 = arith.constant 1000 : i32
      %mul3A_75 = arith.muli %arg1, %mul3A_74 : i32
      "tpu.region"() ({
        %run_scoped3A_76 = tpu.sem_alloc : memref<!tpu.dma_semaphore, #tpu.memory_space<semaphore_mem>>
        %dma_start3A_77 = arith.constant 0 : i32
        %dma_start3A_78 = tpu.memref_slice %arg10[%mul3A_75, %dma_start3A_77] : memref<10000x128xf32, #tpu.memory_space<vmem_shared>> -> memref<1000x128xf32, #tpu.memory_space<vmem_shared>>
        %dma_start3A_79 = arith.constant 0 : i32
        %dma_start3A_80 = tpu.memref_slice %arg5[%mul3A_73, %dma_start3A_79] : memref<10000x128xf32, #tpu.memory_space<hbm>> -> memref<1000x128xf32, #tpu.memory_space<hbm>>
        tpu.enqueue_dma source(%dma_start3A_80 : memref<1000x128xf32, #tpu.memory_space<hbm>>) target(%dma_start3A_78 : memref<1000x128xf32, #tpu.memory_space<vmem_shared>>) target_semaphore(%run_scoped3A_76 : memref<!tpu.dma_semaphore, #tpu.memory_space<semaphore_mem>>)
        %dma_wait3A_81 = arith.constant 0 : i32
        %dma_wait3A_82 = tpu.memref_slice %arg10[%mul3A_75, %dma_wait3A_81] : memref<10000x128xf32, #tpu.memory_space<vmem_shared>> -> memref<1000x128xf32, #tpu.memory_space<vmem_shared>>
        %dma_wait3A_83 = arith.constant 0 : i32
        %dma_wait3A_84 = tpu.memref_slice %arg5[%mul3A_73, %dma_wait3A_83] : memref<10000x128xf32, #tpu.memory_space<hbm>> -> memref<1000x128xf32, #tpu.memory_space<hbm>>
        tpu.wait_dma2 semaphore(%run_scoped3A_76 : memref<!tpu.dma_semaphore, #tpu.memory_space<semaphore_mem>>) src(%dma_wait3A_84 : memref<1000x128xf32, #tpu.memory_space<hbm>>) dst(%dma_wait3A_82 : memref<1000x128xf32, #tpu.memory_space<vmem_shared>>)
        tpu.yield
      }) : () -> ()
    } else {
    }
    "tpu.region"() ({
      %run_scoped3A_73 = tpu.sem_alloc : memref<!tpu.dma_semaphore, #tpu.memory_space<semaphore_mem>>
      %dma_start3A_74 = arith.constant 0 : i32
      %dma_start3A_75 = arith.constant 0 : i32
      %dma_start3A_76 = tpu.memref_slice %arg3[%arg0, %arg1, %dma_start3A_74, %dma_start3A_75] : memref<2x16x125x80xi32, #tpu.memory_space<hbm>> -> memref<1x1x125x80xi32, #tpu.memory_space<hbm>>
      %dma_start3A_77 = tpu.memref_squeeze %dma_start3A_76 : memref<1x1x125x80xi32, #tpu.memory_space<hbm>> -> memref<125x80xi32, #tpu.memory_space<hbm>>
      %dma_start3A_78 = arith.constant 0 : i32
      %dma_start3A_79 = arith.constant 0 : i32
      %dma_start3A_80 = tpu.memref_slice %arg3[%arg0, %arg1, %dma_start3A_78, %dma_start3A_79] : memref<2x16x125x80xi32, #tpu.memory_space<hbm>> -> memref<1x1x125x80xi32, #tpu.memory_space<hbm>>
      %dma_start3A_81 = tpu.memref_squeeze %dma_start3A_80 : memref<1x1x125x80xi32, #tpu.memory_space<hbm>> -> memref<125x80xi32, #tpu.memory_space<hbm>>
      tpu.enqueue_dma source(%dma_start3A_81 : memref<125x80xi32, #tpu.memory_space<hbm>>) target(%arg7 : memref<125x80xi32, #tpu.memory_space<vmem>>) target_semaphore(%run_scoped3A_73 : memref<!tpu.dma_semaphore, #tpu.memory_space<semaphore_mem>>)
      %dma_wait3A_82 = arith.constant 0 : i32
      %dma_wait3A_83 = arith.constant 0 : i32
      %dma_wait3A_84 = tpu.memref_slice %arg3[%arg0, %arg1, %dma_wait3A_82, %dma_wait3A_83] : memref<2x16x125x80xi32, #tpu.memory_space<hbm>> -> memref<1x1x125x80xi32, #tpu.memory_space<hbm>>
      %dma_wait3A_85 = tpu.memref_squeeze %dma_wait3A_84 : memref<1x1x125x80xi32, #tpu.memory_space<hbm>> -> memref<125x80xi32, #tpu.memory_space<hbm>>
      %dma_wait3A_86 = arith.constant 0 : i32
      %dma_wait3A_87 = arith.constant 0 : i32
      %dma_wait3A_88 = tpu.memref_slice %arg3[%arg0, %arg1, %dma_wait3A_86, %dma_wait3A_87] : memref<2x16x125x80xi32, #tpu.memory_space<hbm>> -> memref<1x1x125x80xi32, #tpu.memory_space<hbm>>
      %dma_wait3A_89 = tpu.memref_squeeze %dma_wait3A_88 : memref<1x1x125x80xi32, #tpu.memory_space<hbm>> -> memref<125x80xi32, #tpu.memory_space<hbm>>
      tpu.wait_dma2 semaphore(%run_scoped3A_73 : memref<!tpu.dma_semaphore, #tpu.memory_space<semaphore_mem>>) src(%dma_wait3A_89 : memref<125x80xi32, #tpu.memory_space<hbm>>) dst(%arg7 : memref<125x80xi32, #tpu.memory_space<vmem>>)
      tpu.yield
    }) : () -> ()
    "tpu.region"() ({
      %run_scoped3A_73 = tpu.sem_alloc : memref<!tpu.dma_semaphore, #tpu.memory_space<semaphore_mem>>
      %dma_start3A_74 = arith.constant 0 : i32
      %dma_start3A_75 = arith.constant 0 : i32
      %dma_start3A_76 = tpu.memref_slice %arg4[%arg0, %arg1, %dma_start3A_74, %dma_start3A_75] : memref<2x16x125x80xi32, #tpu.memory_space<hbm>> -> memref<1x1x125x80xi32, #tpu.memory_space<hbm>>
      %dma_start3A_77 = tpu.memref_squeeze %dma_start3A_76 : memref<1x1x125x80xi32, #tpu.memory_space<hbm>> -> memref<125x80xi32, #tpu.memory_space<hbm>>
      %dma_start3A_78 = arith.constant 0 : i32
      %dma_start3A_79 = arith.constant 0 : i32
      %dma_start3A_80 = tpu.memref_slice %arg4[%arg0, %arg1, %dma_start3A_78, %dma_start3A_79] : memref<2x16x125x80xi32, #tpu.memory_space<hbm>> -> memref<1x1x125x80xi32, #tpu.memory_space<hbm>>
      %dma_start3A_81 = tpu.memref_squeeze %dma_start3A_80 : memref<1x1x125x80xi32, #tpu.memory_space<hbm>> -> memref<125x80xi32, #tpu.memory_space<hbm>>
      tpu.enqueue_dma source(%dma_start3A_81 : memref<125x80xi32, #tpu.memory_space<hbm>>) target(%arg8 : memref<125x80xi32, #tpu.memory_space<vmem>>) target_semaphore(%run_scoped3A_73 : memref<!tpu.dma_semaphore, #tpu.memory_space<semaphore_mem>>)
      %dma_wait3A_82 = arith.constant 0 : i32
      %dma_wait3A_83 = arith.constant 0 : i32
      %dma_wait3A_84 = tpu.memref_slice %arg4[%arg0, %arg1, %dma_wait3A_82, %dma_wait3A_83] : memref<2x16x125x80xi32, #tpu.memory_space<hbm>> -> memref<1x1x125x80xi32, #tpu.memory_space<hbm>>
      %dma_wait3A_85 = tpu.memref_squeeze %dma_wait3A_84 : memref<1x1x125x80xi32, #tpu.memory_space<hbm>> -> memref<125x80xi32, #tpu.memory_space<hbm>>
      %dma_wait3A_86 = arith.constant 0 : i32
      %dma_wait3A_87 = arith.constant 0 : i32
      %dma_wait3A_88 = tpu.memref_slice %arg4[%arg0, %arg1, %dma_wait3A_86, %dma_wait3A_87] : memref<2x16x125x80xi32, #tpu.memory_space<hbm>> -> memref<1x1x125x80xi32, #tpu.memory_space<hbm>>
      %dma_wait3A_89 = tpu.memref_squeeze %dma_wait3A_88 : memref<1x1x125x80xi32, #tpu.memory_space<hbm>> -> memref<125x80xi32, #tpu.memory_space<hbm>>
      tpu.wait_dma2 semaphore(%run_scoped3A_73 : memref<!tpu.dma_semaphore, #tpu.memory_space<semaphore_mem>>) src(%dma_wait3A_89 : memref<125x80xi32, #tpu.memory_space<hbm>>) dst(%arg8 : memref<125x80xi32, #tpu.memory_space<vmem>>)
      tpu.yield
    }) : () -> ()
    %barrier3A = arith.constant 0 : index
    tpu.barrier barrier_id(%barrier3A)
    %dma_start3A = arith.constant 0 : i32
    %dma_start3A_2 = arith.constant 0 : i32
    %dma_start3A_3 = arith.constant 0 : i32
    %dma_start3A_4 = arith.constant 0 : i32
    %dma_start3A_5 = tpu.memref_slice %arg9[%dma_start3A_2, %dma_start3A_3, %dma_start3A_4] : memref<3x80x128xf32, #tpu.memory_space<vmem>> -> memref<1x80x128xf32, #tpu.memory_space<vmem>>
    %dma_start3A_6 = tpu.memref_squeeze %dma_start3A_5 : memref<1x80x128xf32, #tpu.memory_space<vmem>> -> memref<80x128xf32, #tpu.memory_space<vmem>>
    %dma_start3A_7 = arith.constant 0 : i32
    %dma_start3A_8 = tpu.memref_slice %arg7[%dma_start3A, %dma_start3A_7] : memref<125x80xi32, #tpu.memory_space<vmem>> -> memref<1x80xi32, #tpu.memory_space<vmem>>
    %dma_start3A_9 = tpu.memref_squeeze %dma_start3A_8 : memref<1x80xi32, #tpu.memory_space<vmem>> -> memref<80xi32, #tpu.memory_space<vmem>>
    %dma_start3A_10 = arith.constant 0 : i32
    %dma_start3A_11 = arith.constant 0 : i32
    %dma_start3A_12 = tpu.memref_slice %arg2[%dma_start3A_10, %dma_start3A_11] : memref<10000x128xf32, #tpu.memory_space<hbm>> -> memref<10000x128xf32, #tpu.memory_space<hbm>>
    tpu.enqueue_indirect_dma source(%dma_start3A_12 : memref<10000x128xf32, #tpu.memory_space<hbm>>) target(%dma_start3A_6 : memref<80x128xf32, #tpu.memory_space<vmem>>) offsets(%dma_start3A_9 : memref<80xi32, #tpu.memory_space<vmem>>) semaphore(%arg11 : memref<!tpu.dma_semaphore, #tpu.memory_space<semaphore_mem>>)
    %dma_start3A_13 = arith.constant 1 : i32
    %dma_start3A_14 = arith.constant 1 : i32
    %dma_start3A_15 = arith.constant 0 : i32
    %dma_start3A_16 = arith.constant 0 : i32
    %dma_start3A_17 = tpu.memref_slice %arg9[%dma_start3A_14, %dma_start3A_15, %dma_start3A_16] : memref<3x80x128xf32, #tpu.memory_space<vmem>> -> memref<1x80x128xf32, #tpu.memory_space<vmem>>
    %dma_start3A_18 = tpu.memref_squeeze %dma_start3A_17 : memref<1x80x128xf32, #tpu.memory_space<vmem>> -> memref<80x128xf32, #tpu.memory_space<vmem>>
    %dma_start3A_19 = arith.constant 0 : i32
    %dma_start3A_20 = tpu.memref_slice %arg7[%dma_start3A_13, %dma_start3A_19] : memref<125x80xi32, #tpu.memory_space<vmem>> -> memref<1x80xi32, #tpu.memory_space<vmem>>
    %dma_start3A_21 = tpu.memref_squeeze %dma_start3A_20 : memref<1x80xi32, #tpu.memory_space<vmem>> -> memref<80xi32, #tpu.memory_space<vmem>>
    %dma_start3A_22 = arith.constant 0 : i32
    %dma_start3A_23 = arith.constant 0 : i32
    %dma_start3A_24 = tpu.memref_slice %arg2[%dma_start3A_22, %dma_start3A_23] : memref<10000x128xf32, #tpu.memory_space<hbm>> -> memref<10000x128xf32, #tpu.memory_space<hbm>>
    tpu.enqueue_indirect_dma source(%dma_start3A_24 : memref<10000x128xf32, #tpu.memory_space<hbm>>) target(%dma_start3A_18 : memref<80x128xf32, #tpu.memory_space<vmem>>) offsets(%dma_start3A_21 : memref<80xi32, #tpu.memory_space<vmem>>) semaphore(%arg12 : memref<!tpu.dma_semaphore, #tpu.memory_space<semaphore_mem>>)
    %dma_start3A_25 = arith.constant 2 : i32
    %dma_start3A_26 = arith.constant 2 : i32
    %dma_start3A_27 = arith.constant 0 : i32
    %dma_start3A_28 = arith.constant 0 : i32
    %dma_start3A_29 = tpu.memref_slice %arg9[%dma_start3A_26, %dma_start3A_27, %dma_start3A_28] : memref<3x80x128xf32, #tpu.memory_space<vmem>> -> memref<1x80x128xf32, #tpu.memory_space<vmem>>
    %dma_start3A_30 = tpu.memref_squeeze %dma_start3A_29 : memref<1x80x128xf32, #tpu.memory_space<vmem>> -> memref<80x128xf32, #tpu.memory_space<vmem>>
    %dma_start3A_31 = arith.constant 0 : i32
    %dma_start3A_32 = tpu.memref_slice %arg7[%dma_start3A_25, %dma_start3A_31] : memref<125x80xi32, #tpu.memory_space<vmem>> -> memref<1x80xi32, #tpu.memory_space<vmem>>
    %dma_start3A_33 = tpu.memref_squeeze %dma_start3A_32 : memref<1x80xi32, #tpu.memory_space<vmem>> -> memref<80xi32, #tpu.memory_space<vmem>>
    %dma_start3A_34 = arith.constant 0 : i32
    %dma_start3A_35 = arith.constant 0 : i32
    %dma_start3A_36 = tpu.memref_slice %arg2[%dma_start3A_34, %dma_start3A_35] : memref<10000x128xf32, #tpu.memory_space<hbm>> -> memref<10000x128xf32, #tpu.memory_space<hbm>>
    tpu.enqueue_indirect_dma source(%dma_start3A_36 : memref<10000x128xf32, #tpu.memory_space<hbm>>) target(%dma_start3A_30 : memref<80x128xf32, #tpu.memory_space<vmem>>) offsets(%dma_start3A_33 : memref<80xi32, #tpu.memory_space<vmem>>) semaphore(%arg13 : memref<!tpu.dma_semaphore, #tpu.memory_space<semaphore_mem>>)
    %scan3A = arith.constant 0 : i32
    %scan3A_37 = arith.constant 41 : i32
    %scan3A_38 = arith.addi %scan3A, %scan3A_37 : i32
    %scan3A_39 = arith.constant 1 : i32
    scf.for %scan3A_73 = %scan3A to %scan3A_38 step %scan3A_39  : i32 {
      %mul3A = arith.constant 3 : i32
      %mul3A_74 = arith.muli %scan3A_73, %mul3A : i32
      %add3A = arith.constant 0 : i32
      %add3A_75 = arith.addi %add3A, %mul3A_74 : i32
      %add3A_76 = arith.constant 0 : i32
      %add3A_77 = arith.addi %add3A_75, %add3A_76 : i32
      %dma_wait3A_78 = arith.constant 0 : i32
      %dma_wait3A_79 = arith.constant 0 : i32
      %dma_wait3A_80 = arith.constant 0 : i32
      %dma_wait3A_81 = tpu.memref_slice %arg9[%dma_wait3A_78, %dma_wait3A_79, %dma_wait3A_80] : memref<3x80x128xf32, #tpu.memory_space<vmem>> -> memref<1x80x128xf32, #tpu.memory_space<vmem>>
      %dma_wait3A_82 = tpu.memref_squeeze %dma_wait3A_81 : memref<1x80x128xf32, #tpu.memory_space<vmem>> -> memref<80x128xf32, #tpu.memory_space<vmem>>
      %dma_wait3A_83 = arith.constant 0 : i32
      %dma_wait3A_84 = tpu.memref_slice %arg7[%add3A_77, %dma_wait3A_83] : memref<125x80xi32, #tpu.memory_space<vmem>> -> memref<1x80xi32, #tpu.memory_space<vmem>>
      %dma_wait3A_85 = tpu.memref_squeeze %dma_wait3A_84 : memref<1x80xi32, #tpu.memory_space<vmem>> -> memref<80xi32, #tpu.memory_space<vmem>>
      %dma_wait3A_86 = arith.constant 0 : i32
      %dma_wait3A_87 = arith.constant 0 : i32
      %dma_wait3A_88 = tpu.memref_slice %arg2[%dma_wait3A_86, %dma_wait3A_87] : memref<10000x128xf32, #tpu.memory_space<hbm>> -> memref<10000x128xf32, #tpu.memory_space<hbm>>
      tpu.wait_indirect_dma semaphore(%arg11 : memref<!tpu.dma_semaphore, #tpu.memory_space<semaphore_mem>>) src(%dma_wait3A_88 : memref<10000x128xf32, #tpu.memory_space<hbm>>) dst(%dma_wait3A_82 : memref<80x128xf32, #tpu.memory_space<vmem>>)
      %run_scoped3A_89 = arith.constant 0 : i32
      "tpu.region"() ({
        %run_scoped3A_133 = tpu.sem_alloc : memref<!tpu.dma_semaphore, #tpu.memory_space<semaphore_mem>>
        %dma_start3A_134 = arith.constant 0 : i32
        %dma_start3A_135 = arith.constant 0 : i32
        %dma_start3A_136 = tpu.memref_slice %arg9[%run_scoped3A_89, %dma_start3A_134, %dma_start3A_135] : memref<3x80x128xf32, #tpu.memory_space<vmem>> -> memref<1x80x128xf32, #tpu.memory_space<vmem>>
        %dma_start3A_137 = tpu.memref_squeeze %dma_start3A_136 : memref<1x80x128xf32, #tpu.memory_space<vmem>> -> memref<80x128xf32, #tpu.memory_space<vmem>>
        %dma_start3A_138 = arith.constant 0 : i32
        %dma_start3A_139 = tpu.memref_slice %arg8[%add3A_77, %dma_start3A_138] : memref<125x80xi32, #tpu.memory_space<vmem>> -> memref<1x80xi32, #tpu.memory_space<vmem>>
        %dma_start3A_140 = tpu.memref_squeeze %dma_start3A_139 : memref<1x80xi32, #tpu.memory_space<vmem>> -> memref<80xi32, #tpu.memory_space<vmem>>
        %dma_start3A_141 = arith.constant 0 : i32
        %dma_start3A_142 = arith.constant 0 : i32
        %dma_start3A_143 = tpu.memref_slice %arg10[%dma_start3A_141, %dma_start3A_142] : memref<10000x128xf32, #tpu.memory_space<vmem_shared>> -> memref<10000x128xf32, #tpu.memory_space<vmem_shared>>
        tpu.enqueue_indirect_dma source(%dma_start3A_137 : memref<80x128xf32, #tpu.memory_space<vmem>>) target(%dma_start3A_143 : memref<10000x128xf32, #tpu.memory_space<vmem_shared>>) offsets(%dma_start3A_140 : memref<80xi32, #tpu.memory_space<vmem>>) semaphore(%run_scoped3A_133 : memref<!tpu.dma_semaphore, #tpu.memory_space<semaphore_mem>>) {add = true}
        %dma_wait3A_144 = arith.constant 0 : i32
        %dma_wait3A_145 = arith.constant 0 : i32
        %dma_wait3A_146 = tpu.memref_slice %arg9[%run_scoped3A_89, %dma_wait3A_144, %dma_wait3A_145] : memref<3x80x128xf32, #tpu.memory_space<vmem>> -> memref<1x80x128xf32, #tpu.memory_space<vmem>>
        %dma_wait3A_147 = tpu.memref_squeeze %dma_wait3A_146 : memref<1x80x128xf32, #tpu.memory_space<vmem>> -> memref<80x128xf32, #tpu.memory_space<vmem>>
        %dma_wait3A_148 = arith.constant 0 : i32
        %dma_wait3A_149 = tpu.memref_slice %arg8[%add3A_77, %dma_wait3A_148] : memref<125x80xi32, #tpu.memory_space<vmem>> -> memref<1x80xi32, #tpu.memory_space<vmem>>
        %dma_wait3A_150 = tpu.memref_squeeze %dma_wait3A_149 : memref<1x80xi32, #tpu.memory_space<vmem>> -> memref<80xi32, #tpu.memory_space<vmem>>
        %dma_wait3A_151 = arith.constant 0 : i32
        %dma_wait3A_152 = arith.constant 0 : i32
        %dma_wait3A_153 = tpu.memref_slice %arg10[%dma_wait3A_151, %dma_wait3A_152] : memref<10000x128xf32, #tpu.memory_space<vmem_shared>> -> memref<10000x128xf32, #tpu.memory_space<vmem_shared>>
        tpu.wait_indirect_dma semaphore(%run_scoped3A_133 : memref<!tpu.dma_semaphore, #tpu.memory_space<semaphore_mem>>) src(%dma_wait3A_147 : memref<80x128xf32, #tpu.memory_space<vmem>>) dst(%dma_wait3A_153 : memref<10000x128xf32, #tpu.memory_space<vmem_shared>>)
        tpu.yield
      }) : () -> ()
      %lt3A_90 = arith.constant 122 : i32
      %lt3A_91 = arith.cmpi slt, %add3A_75, %lt3A_90 : i32
      %convert_element_type3A_92 = arith.extui %lt3A_91 : i1 to i32
      %cond3A_93 = arith.constant 0 : i32
      %cond3A_94 = arith.cmpi ne, %convert_element_type3A_92, %cond3A_93 : i32
      scf.if %cond3A_94 {
        %add3A_133 = arith.constant 3 : i32
        %add3A_134 = arith.addi %add3A_77, %add3A_133 : i32
        %dma_start3A_135 = arith.constant 0 : i32
        %dma_start3A_136 = arith.constant 0 : i32
        %dma_start3A_137 = arith.constant 0 : i32
        %dma_start3A_138 = tpu.memref_slice %arg9[%dma_start3A_135, %dma_start3A_136, %dma_start3A_137] : memref<3x80x128xf32, #tpu.memory_space<vmem>> -> memref<1x80x128xf32, #tpu.memory_space<vmem>>
        %dma_start3A_139 = tpu.memref_squeeze %dma_start3A_138 : memref<1x80x128xf32, #tpu.memory_space<vmem>> -> memref<80x128xf32, #tpu.memory_space<vmem>>
        %dma_start3A_140 = arith.constant 0 : i32
        %dma_start3A_141 = tpu.memref_slice %arg7[%add3A_134, %dma_start3A_140] : memref<125x80xi32, #tpu.memory_space<vmem>> -> memref<1x80xi32, #tpu.memory_space<vmem>>
        %dma_start3A_142 = tpu.memref_squeeze %dma_start3A_141 : memref<1x80xi32, #tpu.memory_space<vmem>> -> memref<80xi32, #tpu.memory_space<vmem>>
        %dma_start3A_143 = arith.constant 0 : i32
        %dma_start3A_144 = arith.constant 0 : i32
        %dma_start3A_145 = tpu.memref_slice %arg2[%dma_start3A_143, %dma_start3A_144] : memref<10000x128xf32, #tpu.memory_space<hbm>> -> memref<10000x128xf32, #tpu.memory_space<hbm>>
        tpu.enqueue_indirect_dma source(%dma_start3A_145 : memref<10000x128xf32, #tpu.memory_space<hbm>>) target(%dma_start3A_139 : memref<80x128xf32, #tpu.memory_space<vmem>>) offsets(%dma_start3A_142 : memref<80xi32, #tpu.memory_space<vmem>>) semaphore(%arg11 : memref<!tpu.dma_semaphore, #tpu.memory_space<semaphore_mem>>)
      } else {
      }
      %add3A_95 = arith.constant 1 : i32
      %add3A_96 = arith.addi %add3A_75, %add3A_95 : i32
      %dma_wait3A_97 = arith.constant 1 : i32
      %dma_wait3A_98 = arith.constant 0 : i32
      %dma_wait3A_99 = arith.constant 0 : i32
      %dma_wait3A_100 = tpu.memref_slice %arg9[%dma_wait3A_97, %dma_wait3A_98, %dma_wait3A_99] : memref<3x80x128xf32, #tpu.memory_space<vmem>> -> memref<1x80x128xf32, #tpu.memory_space<vmem>>
      %dma_wait3A_101 = tpu.memref_squeeze %dma_wait3A_100 : memref<1x80x128xf32, #tpu.memory_space<vmem>> -> memref<80x128xf32, #tpu.memory_space<vmem>>
      %dma_wait3A_102 = arith.constant 0 : i32
      %dma_wait3A_103 = tpu.memref_slice %arg7[%add3A_96, %dma_wait3A_102] : memref<125x80xi32, #tpu.memory_space<vmem>> -> memref<1x80xi32, #tpu.memory_space<vmem>>
      %dma_wait3A_104 = tpu.memref_squeeze %dma_wait3A_103 : memref<1x80xi32, #tpu.memory_space<vmem>> -> memref<80xi32, #tpu.memory_space<vmem>>
      %dma_wait3A_105 = arith.constant 0 : i32
      %dma_wait3A_106 = arith.constant 0 : i32
      %dma_wait3A_107 = tpu.memref_slice %arg2[%dma_wait3A_105, %dma_wait3A_106] : memref<10000x128xf32, #tpu.memory_space<hbm>> -> memref<10000x128xf32, #tpu.memory_space<hbm>>
      tpu.wait_indirect_dma semaphore(%arg12 : memref<!tpu.dma_semaphore, #tpu.memory_space<semaphore_mem>>) src(%dma_wait3A_107 : memref<10000x128xf32, #tpu.memory_space<hbm>>) dst(%dma_wait3A_101 : memref<80x128xf32, #tpu.memory_space<vmem>>)
      %run_scoped3A_108 = arith.constant 1 : i32
      "tpu.region"() ({
        %run_scoped3A_133 = tpu.sem_alloc : memref<!tpu.dma_semaphore, #tpu.memory_space<semaphore_mem>>
        %dma_start3A_134 = arith.constant 0 : i32
        %dma_start3A_135 = arith.constant 0 : i32
        %dma_start3A_136 = tpu.memref_slice %arg9[%run_scoped3A_108, %dma_start3A_134, %dma_start3A_135] : memref<3x80x128xf32, #tpu.memory_space<vmem>> -> memref<1x80x128xf32, #tpu.memory_space<vmem>>
        %dma_start3A_137 = tpu.memref_squeeze %dma_start3A_136 : memref<1x80x128xf32, #tpu.memory_space<vmem>> -> memref<80x128xf32, #tpu.memory_space<vmem>>
        %dma_start3A_138 = arith.constant 0 : i32
        %dma_start3A_139 = tpu.memref_slice %arg8[%add3A_96, %dma_start3A_138] : memref<125x80xi32, #tpu.memory_space<vmem>> -> memref<1x80xi32, #tpu.memory_space<vmem>>
        %dma_start3A_140 = tpu.memref_squeeze %dma_start3A_139 : memref<1x80xi32, #tpu.memory_space<vmem>> -> memref<80xi32, #tpu.memory_space<vmem>>
        %dma_start3A_141 = arith.constant 0 : i32
        %dma_start3A_142 = arith.constant 0 : i32
        %dma_start3A_143 = tpu.memref_slice %arg10[%dma_start3A_141, %dma_start3A_142] : memref<10000x128xf32, #tpu.memory_space<vmem_shared>> -> memref<10000x128xf32, #tpu.memory_space<vmem_shared>>
        tpu.enqueue_indirect_dma source(%dma_start3A_137 : memref<80x128xf32, #tpu.memory_space<vmem>>) target(%dma_start3A_143 : memref<10000x128xf32, #tpu.memory_space<vmem_shared>>) offsets(%dma_start3A_140 : memref<80xi32, #tpu.memory_space<vmem>>) semaphore(%run_scoped3A_133 : memref<!tpu.dma_semaphore, #tpu.memory_space<semaphore_mem>>) {add = true}
        %dma_wait3A_144 = arith.constant 0 : i32
        %dma_wait3A_145 = arith.constant 0 : i32
        %dma_wait3A_146 = tpu.memref_slice %arg9[%run_scoped3A_108, %dma_wait3A_144, %dma_wait3A_145] : memref<3x80x128xf32, #tpu.memory_space<vmem>> -> memref<1x80x128xf32, #tpu.memory_space<vmem>>
        %dma_wait3A_147 = tpu.memref_squeeze %dma_wait3A_146 : memref<1x80x128xf32, #tpu.memory_space<vmem>> -> memref<80x128xf32, #tpu.memory_space<vmem>>
        %dma_wait3A_148 = arith.constant 0 : i32
        %dma_wait3A_149 = tpu.memref_slice %arg8[%add3A_96, %dma_wait3A_148] : memref<125x80xi32, #tpu.memory_space<vmem>> -> memref<1x80xi32, #tpu.memory_space<vmem>>
        %dma_wait3A_150 = tpu.memref_squeeze %dma_wait3A_149 : memref<1x80xi32, #tpu.memory_space<vmem>> -> memref<80xi32, #tpu.memory_space<vmem>>
        %dma_wait3A_151 = arith.constant 0 : i32
        %dma_wait3A_152 = arith.constant 0 : i32
        %dma_wait3A_153 = tpu.memref_slice %arg10[%dma_wait3A_151, %dma_wait3A_152] : memref<10000x128xf32, #tpu.memory_space<vmem_shared>> -> memref<10000x128xf32, #tpu.memory_space<vmem_shared>>
        tpu.wait_indirect_dma semaphore(%run_scoped3A_133 : memref<!tpu.dma_semaphore, #tpu.memory_space<semaphore_mem>>) src(%dma_wait3A_147 : memref<80x128xf32, #tpu.memory_space<vmem>>) dst(%dma_wait3A_153 : memref<10000x128xf32, #tpu.memory_space<vmem_shared>>)
        tpu.yield
      }) : () -> ()
      %lt3A_109 = arith.constant 121 : i32
      %lt3A_110 = arith.cmpi slt, %add3A_75, %lt3A_109 : i32
      %convert_element_type3A_111 = arith.extui %lt3A_110 : i1 to i32
      %cond3A_112 = arith.constant 0 : i32
      %cond3A_113 = arith.cmpi ne, %convert_element_type3A_111, %cond3A_112 : i32
      scf.if %cond3A_113 {
        %add3A_133 = arith.constant 3 : i32
        %add3A_134 = arith.addi %add3A_96, %add3A_133 : i32
        %dma_start3A_135 = arith.constant 1 : i32
        %dma_start3A_136 = arith.constant 0 : i32
        %dma_start3A_137 = arith.constant 0 : i32
        %dma_start3A_138 = tpu.memref_slice %arg9[%dma_start3A_135, %dma_start3A_136, %dma_start3A_137] : memref<3x80x128xf32, #tpu.memory_space<vmem>> -> memref<1x80x128xf32, #tpu.memory_space<vmem>>
        %dma_start3A_139 = tpu.memref_squeeze %dma_start3A_138 : memref<1x80x128xf32, #tpu.memory_space<vmem>> -> memref<80x128xf32, #tpu.memory_space<vmem>>
        %dma_start3A_140 = arith.constant 0 : i32
        %dma_start3A_141 = tpu.memref_slice %arg7[%add3A_134, %dma_start3A_140] : memref<125x80xi32, #tpu.memory_space<vmem>> -> memref<1x80xi32, #tpu.memory_space<vmem>>
        %dma_start3A_142 = tpu.memref_squeeze %dma_start3A_141 : memref<1x80xi32, #tpu.memory_space<vmem>> -> memref<80xi32, #tpu.memory_space<vmem>>
        %dma_start3A_143 = arith.constant 0 : i32
        %dma_start3A_144 = arith.constant 0 : i32
        %dma_start3A_145 = tpu.memref_slice %arg2[%dma_start3A_143, %dma_start3A_144] : memref<10000x128xf32, #tpu.memory_space<hbm>> -> memref<10000x128xf32, #tpu.memory_space<hbm>>
        tpu.enqueue_indirect_dma source(%dma_start3A_145 : memref<10000x128xf32, #tpu.memory_space<hbm>>) target(%dma_start3A_139 : memref<80x128xf32, #tpu.memory_space<vmem>>) offsets(%dma_start3A_142 : memref<80xi32, #tpu.memory_space<vmem>>) semaphore(%arg12 : memref<!tpu.dma_semaphore, #tpu.memory_space<semaphore_mem>>)
      } else {
      }
      %add3A_114 = arith.constant 2 : i32
      %add3A_115 = arith.addi %add3A_75, %add3A_114 : i32
      %dma_wait3A_116 = arith.constant 2 : i32
      %dma_wait3A_117 = arith.constant 0 : i32
      %dma_wait3A_118 = arith.constant 0 : i32
      %dma_wait3A_119 = tpu.memref_slice %arg9[%dma_wait3A_116, %dma_wait3A_117, %dma_wait3A_118] : memref<3x80x128xf32, #tpu.memory_space<vmem>> -> memref<1x80x128xf32, #tpu.memory_space<vmem>>
      %dma_wait3A_120 = tpu.memref_squeeze %dma_wait3A_119 : memref<1x80x128xf32, #tpu.memory_space<vmem>> -> memref<80x128xf32, #tpu.memory_space<vmem>>
      %dma_wait3A_121 = arith.constant 0 : i32
      %dma_wait3A_122 = tpu.memref_slice %arg7[%add3A_115, %dma_wait3A_121] : memref<125x80xi32, #tpu.memory_space<vmem>> -> memref<1x80xi32, #tpu.memory_space<vmem>>
      %dma_wait3A_123 = tpu.memref_squeeze %dma_wait3A_122 : memref<1x80xi32, #tpu.memory_space<vmem>> -> memref<80xi32, #tpu.memory_space<vmem>>
      %dma_wait3A_124 = arith.constant 0 : i32
      %dma_wait3A_125 = arith.constant 0 : i32
      %dma_wait3A_126 = tpu.memref_slice %arg2[%dma_wait3A_124, %dma_wait3A_125] : memref<10000x128xf32, #tpu.memory_space<hbm>> -> memref<10000x128xf32, #tpu.memory_space<hbm>>
      tpu.wait_indirect_dma semaphore(%arg13 : memref<!tpu.dma_semaphore, #tpu.memory_space<semaphore_mem>>) src(%dma_wait3A_126 : memref<10000x128xf32, #tpu.memory_space<hbm>>) dst(%dma_wait3A_120 : memref<80x128xf32, #tpu.memory_space<vmem>>)
      %run_scoped3A_127 = arith.constant 2 : i32
      "tpu.region"() ({
        %run_scoped3A_133 = tpu.sem_alloc : memref<!tpu.dma_semaphore, #tpu.memory_space<semaphore_mem>>
        %dma_start3A_134 = arith.constant 0 : i32
        %dma_start3A_135 = arith.constant 0 : i32
        %dma_start3A_136 = tpu.memref_slice %arg9[%run_scoped3A_127, %dma_start3A_134, %dma_start3A_135] : memref<3x80x128xf32, #tpu.memory_space<vmem>> -> memref<1x80x128xf32, #tpu.memory_space<vmem>>
        %dma_start3A_137 = tpu.memref_squeeze %dma_start3A_136 : memref<1x80x128xf32, #tpu.memory_space<vmem>> -> memref<80x128xf32, #tpu.memory_space<vmem>>
        %dma_start3A_138 = arith.constant 0 : i32
        %dma_start3A_139 = tpu.memref_slice %arg8[%add3A_115, %dma_start3A_138] : memref<125x80xi32, #tpu.memory_space<vmem>> -> memref<1x80xi32, #tpu.memory_space<vmem>>
        %dma_start3A_140 = tpu.memref_squeeze %dma_start3A_139 : memref<1x80xi32, #tpu.memory_space<vmem>> -> memref<80xi32, #tpu.memory_space<vmem>>
        %dma_start3A_141 = arith.constant 0 : i32
        %dma_start3A_142 = arith.constant 0 : i32
        %dma_start3A_143 = tpu.memref_slice %arg10[%dma_start3A_141, %dma_start3A_142] : memref<10000x128xf32, #tpu.memory_space<vmem_shared>> -> memref<10000x128xf32, #tpu.memory_space<vmem_shared>>
        tpu.enqueue_indirect_dma source(%dma_start3A_137 : memref<80x128xf32, #tpu.memory_space<vmem>>) target(%dma_start3A_143 : memref<10000x128xf32, #tpu.memory_space<vmem_shared>>) offsets(%dma_start3A_140 : memref<80xi32, #tpu.memory_space<vmem>>) semaphore(%run_scoped3A_133 : memref<!tpu.dma_semaphore, #tpu.memory_space<semaphore_mem>>) {add = true}
        %dma_wait3A_144 = arith.constant 0 : i32
        %dma_wait3A_145 = arith.constant 0 : i32
        %dma_wait3A_146 = tpu.memref_slice %arg9[%run_scoped3A_127, %dma_wait3A_144, %dma_wait3A_145] : memref<3x80x128xf32, #tpu.memory_space<vmem>> -> memref<1x80x128xf32, #tpu.memory_space<vmem>>
        %dma_wait3A_147 = tpu.memref_squeeze %dma_wait3A_146 : memref<1x80x128xf32, #tpu.memory_space<vmem>> -> memref<80x128xf32, #tpu.memory_space<vmem>>
        %dma_wait3A_148 = arith.constant 0 : i32
        %dma_wait3A_149 = tpu.memref_slice %arg8[%add3A_115, %dma_wait3A_148] : memref<125x80xi32, #tpu.memory_space<vmem>> -> memref<1x80xi32, #tpu.memory_space<vmem>>
        %dma_wait3A_150 = tpu.memref_squeeze %dma_wait3A_149 : memref<1x80xi32, #tpu.memory_space<vmem>> -> memref<80xi32, #tpu.memory_space<vmem>>
        %dma_wait3A_151 = arith.constant 0 : i32
        %dma_wait3A_152 = arith.constant 0 : i32
        %dma_wait3A_153 = tpu.memref_slice %arg10[%dma_wait3A_151, %dma_wait3A_152] : memref<10000x128xf32, #tpu.memory_space<vmem_shared>> -> memref<10000x128xf32, #tpu.memory_space<vmem_shared>>
        tpu.wait_indirect_dma semaphore(%run_scoped3A_133 : memref<!tpu.dma_semaphore, #tpu.memory_space<semaphore_mem>>) src(%dma_wait3A_147 : memref<80x128xf32, #tpu.memory_space<vmem>>) dst(%dma_wait3A_153 : memref<10000x128xf32, #tpu.memory_space<vmem_shared>>)
        tpu.yield
      }) : () -> ()
      %lt3A_128 = arith.constant 120 : i32
      %lt3A_129 = arith.cmpi slt, %add3A_75, %lt3A_128 : i32
      %convert_element_type3A_130 = arith.extui %lt3A_129 : i1 to i32
      %cond3A_131 = arith.constant 0 : i32
      %cond3A_132 = arith.cmpi ne, %convert_element_type3A_130, %cond3A_131 : i32
      scf.if %cond3A_132 {
        %add3A_133 = arith.constant 3 : i32
        %add3A_134 = arith.addi %add3A_115, %add3A_133 : i32
        %dma_start3A_135 = arith.constant 2 : i32
        %dma_start3A_136 = arith.constant 0 : i32
        %dma_start3A_137 = arith.constant 0 : i32
        %dma_start3A_138 = tpu.memref_slice %arg9[%dma_start3A_135, %dma_start3A_136, %dma_start3A_137] : memref<3x80x128xf32, #tpu.memory_space<vmem>> -> memref<1x80x128xf32, #tpu.memory_space<vmem>>
        %dma_start3A_139 = tpu.memref_squeeze %dma_start3A_138 : memref<1x80x128xf32, #tpu.memory_space<vmem>> -> memref<80x128xf32, #tpu.memory_space<vmem>>
        %dma_start3A_140 = arith.constant 0 : i32
        %dma_start3A_141 = tpu.memref_slice %arg7[%add3A_134, %dma_start3A_140] : memref<125x80xi32, #tpu.memory_space<vmem>> -> memref<1x80xi32, #tpu.memory_space<vmem>>
        %dma_start3A_142 = tpu.memref_squeeze %dma_start3A_141 : memref<1x80xi32, #tpu.memory_space<vmem>> -> memref<80xi32, #tpu.memory_space<vmem>>
        %dma_start3A_143 = arith.constant 0 : i32
        %dma_start3A_144 = arith.constant 0 : i32
        %dma_start3A_145 = tpu.memref_slice %arg2[%dma_start3A_143, %dma_start3A_144] : memref<10000x128xf32, #tpu.memory_space<hbm>> -> memref<10000x128xf32, #tpu.memory_space<hbm>>
        tpu.enqueue_indirect_dma source(%dma_start3A_145 : memref<10000x128xf32, #tpu.memory_space<hbm>>) target(%dma_start3A_139 : memref<80x128xf32, #tpu.memory_space<vmem>>) offsets(%dma_start3A_142 : memref<80xi32, #tpu.memory_space<vmem>>) semaphore(%arg13 : memref<!tpu.dma_semaphore, #tpu.memory_space<semaphore_mem>>)
      } else {
      }
    }
    %scan3A_40 = arith.constant 41 : i32
    %dma_wait3A = arith.constant 123 : i32
    %dma_wait3A_41 = arith.constant 0 : i32
    %dma_wait3A_42 = arith.constant 0 : i32
    %dma_wait3A_43 = arith.constant 0 : i32
    %dma_wait3A_44 = tpu.memref_slice %arg9[%dma_wait3A_41, %dma_wait3A_42, %dma_wait3A_43] : memref<3x80x128xf32, #tpu.memory_space<vmem>> -> memref<1x80x128xf32, #tpu.memory_space<vmem>>
    %dma_wait3A_45 = tpu.memref_squeeze %dma_wait3A_44 : memref<1x80x128xf32, #tpu.memory_space<vmem>> -> memref<80x128xf32, #tpu.memory_space<vmem>>
    %dma_wait3A_46 = arith.constant 0 : i32
    %dma_wait3A_47 = tpu.memref_slice %arg7[%dma_wait3A, %dma_wait3A_46] : memref<125x80xi32, #tpu.memory_space<vmem>> -> memref<1x80xi32, #tpu.memory_space<vmem>>
    %dma_wait3A_48 = tpu.memref_squeeze %dma_wait3A_47 : memref<1x80xi32, #tpu.memory_space<vmem>> -> memref<80xi32, #tpu.memory_space<vmem>>
    %dma_wait3A_49 = arith.constant 0 : i32
    %dma_wait3A_50 = arith.constant 0 : i32
    %dma_wait3A_51 = tpu.memref_slice %arg2[%dma_wait3A_49, %dma_wait3A_50] : memref<10000x128xf32, #tpu.memory_space<hbm>> -> memref<10000x128xf32, #tpu.memory_space<hbm>>
    tpu.wait_indirect_dma semaphore(%arg11 : memref<!tpu.dma_semaphore, #tpu.memory_space<semaphore_mem>>) src(%dma_wait3A_51 : memref<10000x128xf32, #tpu.memory_space<hbm>>) dst(%dma_wait3A_45 : memref<80x128xf32, #tpu.memory_space<vmem>>)
    %run_scoped3A = arith.constant 0 : i32
    %run_scoped3A_52 = arith.constant 123 : i32
    "tpu.region"() ({
      %run_scoped3A_73 = tpu.sem_alloc : memref<!tpu.dma_semaphore, #tpu.memory_space<semaphore_mem>>
      %dma_start3A_74 = arith.constant 0 : i32
      %dma_start3A_75 = arith.constant 0 : i32
      %dma_start3A_76 = tpu.memref_slice %arg9[%run_scoped3A, %dma_start3A_74, %dma_start3A_75] : memref<3x80x128xf32, #tpu.memory_space<vmem>> -> memref<1x80x128xf32, #tpu.memory_space<vmem>>
      %dma_start3A_77 = tpu.memref_squeeze %dma_start3A_76 : memref<1x80x128xf32, #tpu.memory_space<vmem>> -> memref<80x128xf32, #tpu.memory_space<vmem>>
      %dma_start3A_78 = arith.constant 0 : i32
      %dma_start3A_79 = tpu.memref_slice %arg8[%run_scoped3A_52, %dma_start3A_78] : memref<125x80xi32, #tpu.memory_space<vmem>> -> memref<1x80xi32, #tpu.memory_space<vmem>>
      %dma_start3A_80 = tpu.memref_squeeze %dma_start3A_79 : memref<1x80xi32, #tpu.memory_space<vmem>> -> memref<80xi32, #tpu.memory_space<vmem>>
      %dma_start3A_81 = arith.constant 0 : i32
      %dma_start3A_82 = arith.constant 0 : i32
      %dma_start3A_83 = tpu.memref_slice %arg10[%dma_start3A_81, %dma_start3A_82] : memref<10000x128xf32, #tpu.memory_space<vmem_shared>> -> memref<10000x128xf32, #tpu.memory_space<vmem_shared>>
      tpu.enqueue_indirect_dma source(%dma_start3A_77 : memref<80x128xf32, #tpu.memory_space<vmem>>) target(%dma_start3A_83 : memref<10000x128xf32, #tpu.memory_space<vmem_shared>>) offsets(%dma_start3A_80 : memref<80xi32, #tpu.memory_space<vmem>>) semaphore(%run_scoped3A_73 : memref<!tpu.dma_semaphore, #tpu.memory_space<semaphore_mem>>) {add = true}
      %dma_wait3A_84 = arith.constant 0 : i32
      %dma_wait3A_85 = arith.constant 0 : i32
      %dma_wait3A_86 = tpu.memref_slice %arg9[%run_scoped3A, %dma_wait3A_84, %dma_wait3A_85] : memref<3x80x128xf32, #tpu.memory_space<vmem>> -> memref<1x80x128xf32, #tpu.memory_space<vmem>>
      %dma_wait3A_87 = tpu.memref_squeeze %dma_wait3A_86 : memref<1x80x128xf32, #tpu.memory_space<vmem>> -> memref<80x128xf32, #tpu.memory_space<vmem>>
      %dma_wait3A_88 = arith.constant 0 : i32
      %dma_wait3A_89 = tpu.memref_slice %arg8[%run_scoped3A_52, %dma_wait3A_88] : memref<125x80xi32, #tpu.memory_space<vmem>> -> memref<1x80xi32, #tpu.memory_space<vmem>>
      %dma_wait3A_90 = tpu.memref_squeeze %dma_wait3A_89 : memref<1x80xi32, #tpu.memory_space<vmem>> -> memref<80xi32, #tpu.memory_space<vmem>>
      %dma_wait3A_91 = arith.constant 0 : i32
      %dma_wait3A_92 = arith.constant 0 : i32
      %dma_wait3A_93 = tpu.memref_slice %arg10[%dma_wait3A_91, %dma_wait3A_92] : memref<10000x128xf32, #tpu.memory_space<vmem_shared>> -> memref<10000x128xf32, #tpu.memory_space<vmem_shared>>
      tpu.wait_indirect_dma semaphore(%run_scoped3A_73 : memref<!tpu.dma_semaphore, #tpu.memory_space<semaphore_mem>>) src(%dma_wait3A_87 : memref<80x128xf32, #tpu.memory_space<vmem>>) dst(%dma_wait3A_93 : memref<10000x128xf32, #tpu.memory_space<vmem_shared>>)
      tpu.yield
    }) : () -> ()
    %dma_wait3A_53 = arith.constant 124 : i32
    %dma_wait3A_54 = arith.constant 1 : i32
    %dma_wait3A_55 = arith.constant 0 : i32
    %dma_wait3A_56 = arith.constant 0 : i32
    %dma_wait3A_57 = tpu.memref_slice %arg9[%dma_wait3A_54, %dma_wait3A_55, %dma_wait3A_56] : memref<3x80x128xf32, #tpu.memory_space<vmem>> -> memref<1x80x128xf32, #tpu.memory_space<vmem>>
    %dma_wait3A_58 = tpu.memref_squeeze %dma_wait3A_57 : memref<1x80x128xf32, #tpu.memory_space<vmem>> -> memref<80x128xf32, #tpu.memory_space<vmem>>
    %dma_wait3A_59 = arith.constant 0 : i32
    %dma_wait3A_60 = tpu.memref_slice %arg7[%dma_wait3A_53, %dma_wait3A_59] : memref<125x80xi32, #tpu.memory_space<vmem>> -> memref<1x80xi32, #tpu.memory_space<vmem>>
    %dma_wait3A_61 = tpu.memref_squeeze %dma_wait3A_60 : memref<1x80xi32, #tpu.memory_space<vmem>> -> memref<80xi32, #tpu.memory_space<vmem>>
    %dma_wait3A_62 = arith.constant 0 : i32
    %dma_wait3A_63 = arith.constant 0 : i32
    %dma_wait3A_64 = tpu.memref_slice %arg2[%dma_wait3A_62, %dma_wait3A_63] : memref<10000x128xf32, #tpu.memory_space<hbm>> -> memref<10000x128xf32, #tpu.memory_space<hbm>>
    tpu.wait_indirect_dma semaphore(%arg12 : memref<!tpu.dma_semaphore, #tpu.memory_space<semaphore_mem>>) src(%dma_wait3A_64 : memref<10000x128xf32, #tpu.memory_space<hbm>>) dst(%dma_wait3A_58 : memref<80x128xf32, #tpu.memory_space<vmem>>)
    %run_scoped3A_65 = arith.constant 1 : i32
    %run_scoped3A_66 = arith.constant 124 : i32
    "tpu.region"() ({
      %run_scoped3A_73 = tpu.sem_alloc : memref<!tpu.dma_semaphore, #tpu.memory_space<semaphore_mem>>
      %dma_start3A_74 = arith.constant 0 : i32
      %dma_start3A_75 = arith.constant 0 : i32
      %dma_start3A_76 = tpu.memref_slice %arg9[%run_scoped3A_65, %dma_start3A_74, %dma_start3A_75] : memref<3x80x128xf32, #tpu.memory_space<vmem>> -> memref<1x80x128xf32, #tpu.memory_space<vmem>>
      %dma_start3A_77 = tpu.memref_squeeze %dma_start3A_76 : memref<1x80x128xf32, #tpu.memory_space<vmem>> -> memref<80x128xf32, #tpu.memory_space<vmem>>
      %dma_start3A_78 = arith.constant 0 : i32
      %dma_start3A_79 = tpu.memref_slice %arg8[%run_scoped3A_66, %dma_start3A_78] : memref<125x80xi32, #tpu.memory_space<vmem>> -> memref<1x80xi32, #tpu.memory_space<vmem>>
      %dma_start3A_80 = tpu.memref_squeeze %dma_start3A_79 : memref<1x80xi32, #tpu.memory_space<vmem>> -> memref<80xi32, #tpu.memory_space<vmem>>
      %dma_start3A_81 = arith.constant 0 : i32
      %dma_start3A_82 = arith.constant 0 : i32
      %dma_start3A_83 = tpu.memref_slice %arg10[%dma_start3A_81, %dma_start3A_82] : memref<10000x128xf32, #tpu.memory_space<vmem_shared>> -> memref<10000x128xf32, #tpu.memory_space<vmem_shared>>
      tpu.enqueue_indirect_dma source(%dma_start3A_77 : memref<80x128xf32, #tpu.memory_space<vmem>>) target(%dma_start3A_83 : memref<10000x128xf32, #tpu.memory_space<vmem_shared>>) offsets(%dma_start3A_80 : memref<80xi32, #tpu.memory_space<vmem>>) semaphore(%run_scoped3A_73 : memref<!tpu.dma_semaphore, #tpu.memory_space<semaphore_mem>>) {add = true}
      %dma_wait3A_84 = arith.constant 0 : i32
      %dma_wait3A_85 = arith.constant 0 : i32
      %dma_wait3A_86 = tpu.memref_slice %arg9[%run_scoped3A_65, %dma_wait3A_84, %dma_wait3A_85] : memref<3x80x128xf32, #tpu.memory_space<vmem>> -> memref<1x80x128xf32, #tpu.memory_space<vmem>>
      %dma_wait3A_87 = tpu.memref_squeeze %dma_wait3A_86 : memref<1x80x128xf32, #tpu.memory_space<vmem>> -> memref<80x128xf32, #tpu.memory_space<vmem>>
      %dma_wait3A_88 = arith.constant 0 : i32
      %dma_wait3A_89 = tpu.memref_slice %arg8[%run_scoped3A_66, %dma_wait3A_88] : memref<125x80xi32, #tpu.memory_space<vmem>> -> memref<1x80xi32, #tpu.memory_space<vmem>>
      %dma_wait3A_90 = tpu.memref_squeeze %dma_wait3A_89 : memref<1x80xi32, #tpu.memory_space<vmem>> -> memref<80xi32, #tpu.memory_space<vmem>>
      %dma_wait3A_91 = arith.constant 0 : i32
      %dma_wait3A_92 = arith.constant 0 : i32
      %dma_wait3A_93 = tpu.memref_slice %arg10[%dma_wait3A_91, %dma_wait3A_92] : memref<10000x128xf32, #tpu.memory_space<vmem_shared>> -> memref<10000x128xf32, #tpu.memory_space<vmem_shared>>
      tpu.wait_indirect_dma semaphore(%run_scoped3A_73 : memref<!tpu.dma_semaphore, #tpu.memory_space<semaphore_mem>>) src(%dma_wait3A_87 : memref<80x128xf32, #tpu.memory_space<vmem>>) dst(%dma_wait3A_93 : memref<10000x128xf32, #tpu.memory_space<vmem_shared>>)
      tpu.yield
    }) : () -> ()
    %barrier3A_67 = arith.constant 0 : index
    tpu.barrier barrier_id(%barrier3A_67)
    %lt3A_68 = arith.constant 10 : i32
    %lt3A_69 = arith.cmpi slt, %arg1, %lt3A_68 : i32
    %convert_element_type3A_70 = arith.extui %lt3A_69 : i1 to i32
    %cond3A_71 = arith.constant 0 : i32
    %cond3A_72 = arith.cmpi ne, %convert_element_type3A_70, %cond3A_71 : i32
    scf.if %cond3A_72 {
      %mul3A = arith.constant 1000 : i32
      %mul3A_73 = arith.muli %arg1, %mul3A : i32
      %mul3A_74 = arith.constant 1000 : i32
      %mul3A_75 = arith.muli %arg1, %mul3A_74 : i32
      "tpu.region"() ({
        %run_scoped3A_76 = tpu.sem_alloc : memref<!tpu.dma_semaphore, #tpu.memory_space<semaphore_mem>>
        %dma_start3A_77 = arith.constant 0 : i32
        %dma_start3A_78 = tpu.memref_slice %arg6[%arg0, %mul3A_75, %dma_start3A_77] : memref<2x10000x128xf32, #tpu.memory_space<hbm>> -> memref<1x1000x128xf32, #tpu.memory_space<hbm>>
        %dma_start3A_79 = tpu.memref_squeeze %dma_start3A_78 : memref<1x1000x128xf32, #tpu.memory_space<hbm>> -> memref<1000x128xf32, #tpu.memory_space<hbm>>
        %dma_start3A_80 = arith.constant 0 : i32
        %dma_start3A_81 = tpu.memref_slice %arg10[%mul3A_73, %dma_start3A_80] : memref<10000x128xf32, #tpu.memory_space<vmem_shared>> -> memref<1000x128xf32, #tpu.memory_space<vmem_shared>>
        tpu.enqueue_dma source(%dma_start3A_81 : memref<1000x128xf32, #tpu.memory_space<vmem_shared>>) target(%dma_start3A_79 : memref<1000x128xf32, #tpu.memory_space<hbm>>) target_semaphore(%run_scoped3A_76 : memref<!tpu.dma_semaphore, #tpu.memory_space<semaphore_mem>>)
        %dma_wait3A_82 = arith.constant 0 : i32
        %dma_wait3A_83 = tpu.memref_slice %arg6[%arg0, %mul3A_75, %dma_wait3A_82] : memref<2x10000x128xf32, #tpu.memory_space<hbm>> -> memref<1x1000x128xf32, #tpu.memory_space<hbm>>
        %dma_wait3A_84 = tpu.memref_squeeze %dma_wait3A_83 : memref<1x1000x128xf32, #tpu.memory_space<hbm>> -> memref<1000x128xf32, #tpu.memory_space<hbm>>
        %dma_wait3A_85 = arith.constant 0 : i32
        %dma_wait3A_86 = tpu.memref_slice %arg10[%mul3A_73, %dma_wait3A_85] : memref<10000x128xf32, #tpu.memory_space<vmem_shared>> -> memref<1000x128xf32, #tpu.memory_space<vmem_shared>>
        tpu.wait_dma2 semaphore(%run_scoped3A_76 : memref<!tpu.dma_semaphore, #tpu.memory_space<semaphore_mem>>) src(%dma_wait3A_86 : memref<1000x128xf32, #tpu.memory_space<vmem_shared>>) dst(%dma_wait3A_84 : memref<1000x128xf32, #tpu.memory_space<hbm>>)
        tpu.yield
      }) : () -> ()
    } else {
    }
    return
  }
}

#map = affine_map<(d0, d1) -> (0, 0)>
#map1 = affine_map<(d0, d1) -> (0, 0, 0, 0)>
#map2 = affine_map<(d0, d1) -> (0, 0, 0)>
module attributes {stable_mosaic.version = 14 : i64} {
  func.func @agg(%arg0: i32, %arg1: i32, %arg2: memref<10000x128xf32, #tpu.memory_space<hbm>>, %arg3: memref<2x16x125x80xi32, #tpu.memory_space<hbm>>, %arg4: memref<2x16x125x80xi32, #tpu.memory_space<hbm>>, %arg5: memref<10000x128xf32, #tpu.memory_space<hbm>>, %arg6: memref<2x10000x128xf32, #tpu.memory_space<hbm>>, %arg7: memref<125x80xi32, #tpu.memory_space<vmem>>, %arg8: memref<125x80xi32, #tpu.memory_space<vmem>>, %arg9: memref<3x80x128xf32, #tpu.memory_space<vmem>>, %arg10: memref<10000x128xf32, #tpu.memory_space<vmem_shared>>, %arg11: memref<!tpu.dma_semaphore, #tpu.memory_space<semaphore_mem>>, %arg12: memref<!tpu.dma_semaphore, #tpu.memory_space<semaphore_mem>>, %arg13: memref<!tpu.dma_semaphore, #tpu.memory_space<semaphore_mem>>) attributes {dimension_semantics = [#tpu.dimension_semantics<core_parallel>, #tpu.dimension_semantics<subcore_parallel>], iteration_bounds = array<i64: 2, 16>, scalar_prefetch = 0 : i64, scratch_operands = 7 : i64, tpu.core_type = #tpu.core_type<sc_vector_subcore>, window_params = [{transform_indices = #map}, {transform_indices = #map1}, {transform_indices = #map1}, {transform_indices = #map}, {transform_indices = #map2}]} {
    %lt3A = arith.constant 10 : i32
    %lt3A_0 = arith.cmpi slt, %arg1, %lt3A : i32
    %convert_element_type3A = arith.extui %lt3A_0 : i1 to i32
    %cond3A = arith.constant 0 : i32
    %cond3A_1 = arith.cmpi ne, %convert_element_type3A, %cond3A : i32
    scf.if %cond3A_1 {
      %mul3A = arith.constant 1000 : i32
      %mul3A_73 = arith.muli %arg1, %mul3A : i32
      %mul3A_74 = arith.constant 1000 : i32
      %mul3A_75 = arith.muli %arg1, %mul3A_74 : i32
      "tpu.region"() ({
        %run_scoped3A_76 = tpu.sem_alloc : memref<!tpu.dma_semaphore, #tpu.memory_space<semaphore_mem>>
        %dma_start3A_77 = arith.constant 0 : i32
        %dma_start3A_78 = tpu.memref_slice %arg10[%mul3A_75, %dma_start3A_77] : memref<10000x128xf32, #tpu.memory_space<vmem_shared>> -> memref<1000x128xf32, #tpu.memory_space<vmem_shared>>
        %dma_start3A_79 = arith.constant 0 : i32
        %dma_start3A_80 = tpu.memref_slice %arg5[%mul3A_73, %dma_start3A_79] : memref<10000x128xf32, #tpu.memory_space<hbm>> -> memref<1000x128xf32, #tpu.memory_space<hbm>>
        tpu.enqueue_dma source(%dma_start3A_80 : memref<1000x128xf32, #tpu.memory_space<hbm>>) target(%dma_start3A_78 : memref<1000x128xf32, #tpu.memory_space<vmem_shared>>) target_semaphore(%run_scoped3A_76 : memref<!tpu.dma_semaphore, #tpu.memory_space<semaphore_mem>>)
        %dma_wait3A_81 = arith.constant 0 : i32
        %dma_wait3A_82 = tpu.memref_slice %arg10[%mul3A_75, %dma_wait3A_81] : memref<10000x128xf32, #tpu.memory_space<vmem_shared>> -> memref<1000x128xf32, #tpu.memory_space<vmem_shared>>
        %dma_wait3A_83 = arith.constant 0 : i32
        %dma_wait3A_84 = tpu.memref_slice %arg5[%mul3A_73, %dma_wait3A_83] : memref<10000x128xf32, #tpu.memory_space<hbm>> -> memref<1000x128xf32, #tpu.memory_space<hbm>>
        tpu.wait_dma2 semaphore(%run_scoped3A_76 : memref<!tpu.dma_semaphore, #tpu.memory_space<semaphore_mem>>) src(%dma_wait3A_84 : memref<1000x128xf32, #tpu.memory_space<hbm>>) dst(%dma_wait3A_82 : memref<1000x128xf32, #tpu.memory_space<vmem_shared>>)
        tpu.yield
      }) : () -> ()
    } else {
    }
    "tpu.region"() ({
      %run_scoped3A_73 = tpu.sem_alloc : memref<!tpu.dma_semaphore, #tpu.memory_space<semaphore_mem>>
      %dma_start3A_74 = arith.constant 0 : i32
      %dma_start3A_75 = arith.constant 0 : i32
      %dma_start3A_76 = tpu.memref_slice %arg3[%arg0, %arg1, %dma_start3A_74, %dma_start3A_75] : memref<2x16x125x80xi32, #tpu.memory_space<hbm>> -> memref<1x1x125x80xi32, #tpu.memory_space<hbm>>
      %dma_start3A_77 = tpu.memref_squeeze %dma_start3A_76 : memref<1x1x125x80xi32, #tpu.memory_space<hbm>> -> memref<125x80xi32, #tpu.memory_space<hbm>>
      %dma_start3A_78 = arith.constant 0 : i32
      %dma_start3A_79 = arith.constant 0 : i32
      %dma_start3A_80 = tpu.memref_slice %arg3[%arg0, %arg1, %dma_start3A_78, %dma_start3A_79] : memref<2x16x125x80xi32, #tpu.memory_space<hbm>> -> memref<1x1x125x80xi32, #tpu.memory_space<hbm>>
      %dma_start3A_81 = tpu.memref_squeeze %dma_start3A_80 : memref<1x1x125x80xi32, #tpu.memory_space<hbm>> -> memref<125x80xi32, #tpu.memory_space<hbm>>
      tpu.enqueue_dma source(%dma_start3A_81 : memref<125x80xi32, #tpu.memory_space<hbm>>) target(%arg7 : memref<125x80xi32, #tpu.memory_space<vmem>>) target_semaphore(%run_scoped3A_73 : memref<!tpu.dma_semaphore, #tpu.memory_space<semaphore_mem>>)
      %dma_wait3A_82 = arith.constant 0 : i32
      %dma_wait3A_83 = arith.constant 0 : i32
      %dma_wait3A_84 = tpu.memref_slice %arg3[%arg0, %arg1, %dma_wait3A_82, %dma_wait3A_83] : memref<2x16x125x80xi32, #tpu.memory_space<hbm>> -> memref<1x1x125x80xi32, #tpu.memory_space<hbm>>
      %dma_wait3A_85 = tpu.memref_squeeze %dma_wait3A_84 : memref<1x1x125x80xi32, #tpu.memory_space<hbm>> -> memref<125x80xi32, #tpu.memory_space<hbm>>
      %dma_wait3A_86 = arith.constant 0 : i32
      %dma_wait3A_87 = arith.constant 0 : i32
      %dma_wait3A_88 = tpu.memref_slice %arg3[%arg0, %arg1, %dma_wait3A_86, %dma_wait3A_87] : memref<2x16x125x80xi32, #tpu.memory_space<hbm>> -> memref<1x1x125x80xi32, #tpu.memory_space<hbm>>
      %dma_wait3A_89 = tpu.memref_squeeze %dma_wait3A_88 : memref<1x1x125x80xi32, #tpu.memory_space<hbm>> -> memref<125x80xi32, #tpu.memory_space<hbm>>
      tpu.wait_dma2 semaphore(%run_scoped3A_73 : memref<!tpu.dma_semaphore, #tpu.memory_space<semaphore_mem>>) src(%dma_wait3A_89 : memref<125x80xi32, #tpu.memory_space<hbm>>) dst(%arg7 : memref<125x80xi32, #tpu.memory_space<vmem>>)
      tpu.yield
    }) : () -> ()
    "tpu.region"() ({
      %run_scoped3A_73 = tpu.sem_alloc : memref<!tpu.dma_semaphore, #tpu.memory_space<semaphore_mem>>
      %dma_start3A_74 = arith.constant 0 : i32
      %dma_start3A_75 = arith.constant 0 : i32
      %dma_start3A_76 = tpu.memref_slice %arg4[%arg0, %arg1, %dma_start3A_74, %dma_start3A_75] : memref<2x16x125x80xi32, #tpu.memory_space<hbm>> -> memref<1x1x125x80xi32, #tpu.memory_space<hbm>>
      %dma_start3A_77 = tpu.memref_squeeze %dma_start3A_76 : memref<1x1x125x80xi32, #tpu.memory_space<hbm>> -> memref<125x80xi32, #tpu.memory_space<hbm>>
      %dma_start3A_78 = arith.constant 0 : i32
      %dma_start3A_79 = arith.constant 0 : i32
      %dma_start3A_80 = tpu.memref_slice %arg4[%arg0, %arg1, %dma_start3A_78, %dma_start3A_79] : memref<2x16x125x80xi32, #tpu.memory_space<hbm>> -> memref<1x1x125x80xi32, #tpu.memory_space<hbm>>
      %dma_start3A_81 = tpu.memref_squeeze %dma_start3A_80 : memref<1x1x125x80xi32, #tpu.memory_space<hbm>> -> memref<125x80xi32, #tpu.memory_space<hbm>>
      tpu.enqueue_dma source(%dma_start3A_81 : memref<125x80xi32, #tpu.memory_space<hbm>>) target(%arg8 : memref<125x80xi32, #tpu.memory_space<vmem>>) target_semaphore(%run_scoped3A_73 : memref<!tpu.dma_semaphore, #tpu.memory_space<semaphore_mem>>)
      %dma_wait3A_82 = arith.constant 0 : i32
      %dma_wait3A_83 = arith.constant 0 : i32
      %dma_wait3A_84 = tpu.memref_slice %arg4[%arg0, %arg1, %dma_wait3A_82, %dma_wait3A_83] : memref<2x16x125x80xi32, #tpu.memory_space<hbm>> -> memref<1x1x125x80xi32, #tpu.memory_space<hbm>>
      %dma_wait3A_85 = tpu.memref_squeeze %dma_wait3A_84 : memref<1x1x125x80xi32, #tpu.memory_space<hbm>> -> memref<125x80xi32, #tpu.memory_space<hbm>>
      %dma_wait3A_86 = arith.constant 0 : i32
      %dma_wait3A_87 = arith.constant 0 : i32
      %dma_wait3A_88 = tpu.memref_slice %arg4[%arg0, %arg1, %dma_wait3A_86, %dma_wait3A_87] : memref<2x16x125x80xi32, #tpu.memory_space<hbm>> -> memref<1x1x125x80xi32, #tpu.memory_space<hbm>>
      %dma_wait3A_89 = tpu.memref_squeeze %dma_wait3A_88 : memref<1x1x125x80xi32, #tpu.memory_space<hbm>> -> memref<125x80xi32, #tpu.memory_space<hbm>>
      tpu.wait_dma2 semaphore(%run_scoped3A_73 : memref<!tpu.dma_semaphore, #tpu.memory_space<semaphore_mem>>) src(%dma_wait3A_89 : memref<125x80xi32, #tpu.memory_space<hbm>>) dst(%arg8 : memref<125x80xi32, #tpu.memory_space<vmem>>)
      tpu.yield
    }) : () -> ()
    %barrier3A = arith.constant 0 : index
    tpu.barrier barrier_id(%barrier3A)
    %dma_start3A = arith.constant 0 : i32
    %dma_start3A_2 = arith.constant 0 : i32
    %dma_start3A_3 = arith.constant 0 : i32
    %dma_start3A_4 = arith.constant 0 : i32
    %dma_start3A_5 = tpu.memref_slice %arg9[%dma_start3A_2, %dma_start3A_3, %dma_start3A_4] : memref<3x80x128xf32, #tpu.memory_space<vmem>> -> memref<1x80x128xf32, #tpu.memory_space<vmem>>
    %dma_start3A_6 = tpu.memref_squeeze %dma_start3A_5 : memref<1x80x128xf32, #tpu.memory_space<vmem>> -> memref<80x128xf32, #tpu.memory_space<vmem>>
    %dma_start3A_7 = arith.constant 0 : i32
    %dma_start3A_8 = tpu.memref_slice %arg7[%dma_start3A, %dma_start3A_7] : memref<125x80xi32, #tpu.memory_space<vmem>> -> memref<1x80xi32, #tpu.memory_space<vmem>>
    %dma_start3A_9 = tpu.memref_squeeze %dma_start3A_8 : memref<1x80xi32, #tpu.memory_space<vmem>> -> memref<80xi32, #tpu.memory_space<vmem>>
    %dma_start3A_10 = arith.constant 0 : i32
    %dma_start3A_11 = arith.constant 0 : i32
    %dma_start3A_12 = tpu.memref_slice %arg2[%dma_start3A_10, %dma_start3A_11] : memref<10000x128xf32, #tpu.memory_space<hbm>> -> memref<10000x128xf32, #tpu.memory_space<hbm>>
    tpu.enqueue_indirect_dma source(%dma_start3A_12 : memref<10000x128xf32, #tpu.memory_space<hbm>>) target(%dma_start3A_6 : memref<80x128xf32, #tpu.memory_space<vmem>>) offsets(%dma_start3A_9 : memref<80xi32, #tpu.memory_space<vmem>>) semaphore(%arg11 : memref<!tpu.dma_semaphore, #tpu.memory_space<semaphore_mem>>)
    %dma_start3A_13 = arith.constant 1 : i32
    %dma_start3A_14 = arith.constant 1 : i32
    %dma_start3A_15 = arith.constant 0 : i32
    %dma_start3A_16 = arith.constant 0 : i32
    %dma_start3A_17 = tpu.memref_slice %arg9[%dma_start3A_14, %dma_start3A_15, %dma_start3A_16] : memref<3x80x128xf32, #tpu.memory_space<vmem>> -> memref<1x80x128xf32, #tpu.memory_space<vmem>>
    %dma_start3A_18 = tpu.memref_squeeze %dma_start3A_17 : memref<1x80x128xf32, #tpu.memory_space<vmem>> -> memref<80x128xf32, #tpu.memory_space<vmem>>
    %dma_start3A_19 = arith.constant 0 : i32
    %dma_start3A_20 = tpu.memref_slice %arg7[%dma_start3A_13, %dma_start3A_19] : memref<125x80xi32, #tpu.memory_space<vmem>> -> memref<1x80xi32, #tpu.memory_space<vmem>>
    %dma_start3A_21 = tpu.memref_squeeze %dma_start3A_20 : memref<1x80xi32, #tpu.memory_space<vmem>> -> memref<80xi32, #tpu.memory_space<vmem>>
    %dma_start3A_22 = arith.constant 0 : i32
    %dma_start3A_23 = arith.constant 0 : i32
    %dma_start3A_24 = tpu.memref_slice %arg2[%dma_start3A_22, %dma_start3A_23] : memref<10000x128xf32, #tpu.memory_space<hbm>> -> memref<10000x128xf32, #tpu.memory_space<hbm>>
    tpu.enqueue_indirect_dma source(%dma_start3A_24 : memref<10000x128xf32, #tpu.memory_space<hbm>>) target(%dma_start3A_18 : memref<80x128xf32, #tpu.memory_space<vmem>>) offsets(%dma_start3A_21 : memref<80xi32, #tpu.memory_space<vmem>>) semaphore(%arg12 : memref<!tpu.dma_semaphore, #tpu.memory_space<semaphore_mem>>)
    %dma_start3A_25 = arith.constant 2 : i32
    %dma_start3A_26 = arith.constant 2 : i32
    %dma_start3A_27 = arith.constant 0 : i32
    %dma_start3A_28 = arith.constant 0 : i32
    %dma_start3A_29 = tpu.memref_slice %arg9[%dma_start3A_26, %dma_start3A_27, %dma_start3A_28] : memref<3x80x128xf32, #tpu.memory_space<vmem>> -> memref<1x80x128xf32, #tpu.memory_space<vmem>>
    %dma_start3A_30 = tpu.memref_squeeze %dma_start3A_29 : memref<1x80x128xf32, #tpu.memory_space<vmem>> -> memref<80x128xf32, #tpu.memory_space<vmem>>
    %dma_start3A_31 = arith.constant 0 : i32
    %dma_start3A_32 = tpu.memref_slice %arg7[%dma_start3A_25, %dma_start3A_31] : memref<125x80xi32, #tpu.memory_space<vmem>> -> memref<1x80xi32, #tpu.memory_space<vmem>>
    %dma_start3A_33 = tpu.memref_squeeze %dma_start3A_32 : memref<1x80xi32, #tpu.memory_space<vmem>> -> memref<80xi32, #tpu.memory_space<vmem>>
    %dma_start3A_34 = arith.constant 0 : i32
    %dma_start3A_35 = arith.constant 0 : i32
    %dma_start3A_36 = tpu.memref_slice %arg2[%dma_start3A_34, %dma_start3A_35] : memref<10000x128xf32, #tpu.memory_space<hbm>> -> memref<10000x128xf32, #tpu.memory_space<hbm>>
    tpu.enqueue_indirect_dma source(%dma_start3A_36 : memref<10000x128xf32, #tpu.memory_space<hbm>>) target(%dma_start3A_30 : memref<80x128xf32, #tpu.memory_space<vmem>>) offsets(%dma_start3A_33 : memref<80xi32, #tpu.memory_space<vmem>>) semaphore(%arg13 : memref<!tpu.dma_semaphore, #tpu.memory_space<semaphore_mem>>)
    %scan3A = arith.constant 0 : i32
    %scan3A_37 = arith.constant 41 : i32
    %scan3A_38 = arith.addi %scan3A, %scan3A_37 : i32
    %scan3A_39 = arith.constant 1 : i32
    scf.for %scan3A_73 = %scan3A to %scan3A_38 step %scan3A_39  : i32 {
      %mul3A = arith.constant 3 : i32
      %mul3A_74 = arith.muli %scan3A_73, %mul3A : i32
      %add3A = arith.constant 0 : i32
      %add3A_75 = arith.addi %add3A, %mul3A_74 : i32
      %add3A_76 = arith.constant 0 : i32
      %add3A_77 = arith.addi %add3A_75, %add3A_76 : i32
      %dma_wait3A_78 = arith.constant 0 : i32
      %dma_wait3A_79 = arith.constant 0 : i32
      %dma_wait3A_80 = arith.constant 0 : i32
      %dma_wait3A_81 = tpu.memref_slice %arg9[%dma_wait3A_78, %dma_wait3A_79, %dma_wait3A_80] : memref<3x80x128xf32, #tpu.memory_space<vmem>> -> memref<1x80x128xf32, #tpu.memory_space<vmem>>
      %dma_wait3A_82 = tpu.memref_squeeze %dma_wait3A_81 : memref<1x80x128xf32, #tpu.memory_space<vmem>> -> memref<80x128xf32, #tpu.memory_space<vmem>>
      %dma_wait3A_83 = arith.constant 0 : i32
      %dma_wait3A_84 = tpu.memref_slice %arg7[%add3A_77, %dma_wait3A_83] : memref<125x80xi32, #tpu.memory_space<vmem>> -> memref<1x80xi32, #tpu.memory_space<vmem>>
      %dma_wait3A_85 = tpu.memref_squeeze %dma_wait3A_84 : memref<1x80xi32, #tpu.memory_space<vmem>> -> memref<80xi32, #tpu.memory_space<vmem>>
      %dma_wait3A_86 = arith.constant 0 : i32
      %dma_wait3A_87 = arith.constant 0 : i32
      %dma_wait3A_88 = tpu.memref_slice %arg2[%dma_wait3A_86, %dma_wait3A_87] : memref<10000x128xf32, #tpu.memory_space<hbm>> -> memref<10000x128xf32, #tpu.memory_space<hbm>>
      tpu.wait_indirect_dma semaphore(%arg11 : memref<!tpu.dma_semaphore, #tpu.memory_space<semaphore_mem>>) src(%dma_wait3A_88 : memref<10000x128xf32, #tpu.memory_space<hbm>>) dst(%dma_wait3A_82 : memref<80x128xf32, #tpu.memory_space<vmem>>)
      %run_scoped3A_89 = arith.constant 0 : i32
      "tpu.region"() ({
        %run_scoped3A_133 = tpu.sem_alloc : memref<!tpu.dma_semaphore, #tpu.memory_space<semaphore_mem>>
        %dma_start3A_134 = arith.constant 0 : i32
        %dma_start3A_135 = arith.constant 0 : i32
        %dma_start3A_136 = tpu.memref_slice %arg9[%run_scoped3A_89, %dma_start3A_134, %dma_start3A_135] : memref<3x80x128xf32, #tpu.memory_space<vmem>> -> memref<1x80x128xf32, #tpu.memory_space<vmem>>
        %dma_start3A_137 = tpu.memref_squeeze %dma_start3A_136 : memref<1x80x128xf32, #tpu.memory_space<vmem>> -> memref<80x128xf32, #tpu.memory_space<vmem>>
        %dma_start3A_138 = arith.constant 0 : i32
        %dma_start3A_139 = tpu.memref_slice %arg8[%add3A_77, %dma_start3A_138] : memref<125x80xi32, #tpu.memory_space<vmem>> -> memref<1x80xi32, #tpu.memory_space<vmem>>
        %dma_start3A_140 = tpu.memref_squeeze %dma_start3A_139 : memref<1x80xi32, #tpu.memory_space<vmem>> -> memref<80xi32, #tpu.memory_space<vmem>>
        %dma_start3A_141 = arith.constant 0 : i32
        %dma_start3A_142 = arith.constant 0 : i32
        %dma_start3A_143 = tpu.memref_slice %arg10[%dma_start3A_141, %dma_start3A_142] : memref<10000x128xf32, #tpu.memory_space<vmem_shared>> -> memref<10000x128xf32, #tpu.memory_space<vmem_shared>>
        tpu.enqueue_indirect_dma source(%dma_start3A_137 : memref<80x128xf32, #tpu.memory_space<vmem>>) target(%dma_start3A_143 : memref<10000x128xf32, #tpu.memory_space<vmem_shared>>) offsets(%dma_start3A_140 : memref<80xi32, #tpu.memory_space<vmem>>) semaphore(%run_scoped3A_133 : memref<!tpu.dma_semaphore, #tpu.memory_space<semaphore_mem>>) {add = true}
        %dma_wait3A_144 = arith.constant 0 : i32
        %dma_wait3A_145 = arith.constant 0 : i32
        %dma_wait3A_146 = tpu.memref_slice %arg9[%run_scoped3A_89, %dma_wait3A_144, %dma_wait3A_145] : memref<3x80x128xf32, #tpu.memory_space<vmem>> -> memref<1x80x128xf32, #tpu.memory_space<vmem>>
        %dma_wait3A_147 = tpu.memref_squeeze %dma_wait3A_146 : memref<1x80x128xf32, #tpu.memory_space<vmem>> -> memref<80x128xf32, #tpu.memory_space<vmem>>
        %dma_wait3A_148 = arith.constant 0 : i32
        %dma_wait3A_149 = tpu.memref_slice %arg8[%add3A_77, %dma_wait3A_148] : memref<125x80xi32, #tpu.memory_space<vmem>> -> memref<1x80xi32, #tpu.memory_space<vmem>>
        %dma_wait3A_150 = tpu.memref_squeeze %dma_wait3A_149 : memref<1x80xi32, #tpu.memory_space<vmem>> -> memref<80xi32, #tpu.memory_space<vmem>>
        %dma_wait3A_151 = arith.constant 0 : i32
        %dma_wait3A_152 = arith.constant 0 : i32
        %dma_wait3A_153 = tpu.memref_slice %arg10[%dma_wait3A_151, %dma_wait3A_152] : memref<10000x128xf32, #tpu.memory_space<vmem_shared>> -> memref<10000x128xf32, #tpu.memory_space<vmem_shared>>
        tpu.wait_indirect_dma semaphore(%run_scoped3A_133 : memref<!tpu.dma_semaphore, #tpu.memory_space<semaphore_mem>>) src(%dma_wait3A_147 : memref<80x128xf32, #tpu.memory_space<vmem>>) dst(%dma_wait3A_153 : memref<10000x128xf32, #tpu.memory_space<vmem_shared>>)
        tpu.yield
      }) : () -> ()
      %lt3A_90 = arith.constant 122 : i32
      %lt3A_91 = arith.cmpi slt, %add3A_75, %lt3A_90 : i32
      %convert_element_type3A_92 = arith.extui %lt3A_91 : i1 to i32
      %cond3A_93 = arith.constant 0 : i32
      %cond3A_94 = arith.cmpi ne, %convert_element_type3A_92, %cond3A_93 : i32
      scf.if %cond3A_94 {
        %add3A_133 = arith.constant 3 : i32
        %add3A_134 = arith.addi %add3A_77, %add3A_133 : i32
        %dma_start3A_135 = arith.constant 0 : i32
        %dma_start3A_136 = arith.constant 0 : i32
        %dma_start3A_137 = arith.constant 0 : i32
        %dma_start3A_138 = tpu.memref_slice %arg9[%dma_start3A_135, %dma_start3A_136, %dma_start3A_137] : memref<3x80x128xf32, #tpu.memory_space<vmem>> -> memref<1x80x128xf32, #tpu.memory_space<vmem>>
        %dma_start3A_139 = tpu.memref_squeeze %dma_start3A_138 : memref<1x80x128xf32, #tpu.memory_space<vmem>> -> memref<80x128xf32, #tpu.memory_space<vmem>>
        %dma_start3A_140 = arith.constant 0 : i32
        %dma_start3A_141 = tpu.memref_slice %arg7[%add3A_134, %dma_start3A_140] : memref<125x80xi32, #tpu.memory_space<vmem>> -> memref<1x80xi32, #tpu.memory_space<vmem>>
        %dma_start3A_142 = tpu.memref_squeeze %dma_start3A_141 : memref<1x80xi32, #tpu.memory_space<vmem>> -> memref<80xi32, #tpu.memory_space<vmem>>
        %dma_start3A_143 = arith.constant 0 : i32
        %dma_start3A_144 = arith.constant 0 : i32
        %dma_start3A_145 = tpu.memref_slice %arg2[%dma_start3A_143, %dma_start3A_144] : memref<10000x128xf32, #tpu.memory_space<hbm>> -> memref<10000x128xf32, #tpu.memory_space<hbm>>
        tpu.enqueue_indirect_dma source(%dma_start3A_145 : memref<10000x128xf32, #tpu.memory_space<hbm>>) target(%dma_start3A_139 : memref<80x128xf32, #tpu.memory_space<vmem>>) offsets(%dma_start3A_142 : memref<80xi32, #tpu.memory_space<vmem>>) semaphore(%arg11 : memref<!tpu.dma_semaphore, #tpu.memory_space<semaphore_mem>>)
      } else {
      }
      %add3A_95 = arith.constant 1 : i32
      %add3A_96 = arith.addi %add3A_75, %add3A_95 : i32
      %dma_wait3A_97 = arith.constant 1 : i32
      %dma_wait3A_98 = arith.constant 0 : i32
      %dma_wait3A_99 = arith.constant 0 : i32
      %dma_wait3A_100 = tpu.memref_slice %arg9[%dma_wait3A_97, %dma_wait3A_98, %dma_wait3A_99] : memref<3x80x128xf32, #tpu.memory_space<vmem>> -> memref<1x80x128xf32, #tpu.memory_space<vmem>>
      %dma_wait3A_101 = tpu.memref_squeeze %dma_wait3A_100 : memref<1x80x128xf32, #tpu.memory_space<vmem>> -> memref<80x128xf32, #tpu.memory_space<vmem>>
      %dma_wait3A_102 = arith.constant 0 : i32
      %dma_wait3A_103 = tpu.memref_slice %arg7[%add3A_96, %dma_wait3A_102] : memref<125x80xi32, #tpu.memory_space<vmem>> -> memref<1x80xi32, #tpu.memory_space<vmem>>
      %dma_wait3A_104 = tpu.memref_squeeze %dma_wait3A_103 : memref<1x80xi32, #tpu.memory_space<vmem>> -> memref<80xi32, #tpu.memory_space<vmem>>
      %dma_wait3A_105 = arith.constant 0 : i32
      %dma_wait3A_106 = arith.constant 0 : i32
      %dma_wait3A_107 = tpu.memref_slice %arg2[%dma_wait3A_105, %dma_wait3A_106] : memref<10000x128xf32, #tpu.memory_space<hbm>> -> memref<10000x128xf32, #tpu.memory_space<hbm>>
      tpu.wait_indirect_dma semaphore(%arg12 : memref<!tpu.dma_semaphore, #tpu.memory_space<semaphore_mem>>) src(%dma_wait3A_107 : memref<10000x128xf32, #tpu.memory_space<hbm>>) dst(%dma_wait3A_101 : memref<80x128xf32, #tpu.memory_space<vmem>>)
      %run_scoped3A_108 = arith.constant 1 : i32
      "tpu.region"() ({
        %run_scoped3A_133 = tpu.sem_alloc : memref<!tpu.dma_semaphore, #tpu.memory_space<semaphore_mem>>
        %dma_start3A_134 = arith.constant 0 : i32
        %dma_start3A_135 = arith.constant 0 : i32
        %dma_start3A_136 = tpu.memref_slice %arg9[%run_scoped3A_108, %dma_start3A_134, %dma_start3A_135] : memref<3x80x128xf32, #tpu.memory_space<vmem>> -> memref<1x80x128xf32, #tpu.memory_space<vmem>>
        %dma_start3A_137 = tpu.memref_squeeze %dma_start3A_136 : memref<1x80x128xf32, #tpu.memory_space<vmem>> -> memref<80x128xf32, #tpu.memory_space<vmem>>
        %dma_start3A_138 = arith.constant 0 : i32
        %dma_start3A_139 = tpu.memref_slice %arg8[%add3A_96, %dma_start3A_138] : memref<125x80xi32, #tpu.memory_space<vmem>> -> memref<1x80xi32, #tpu.memory_space<vmem>>
        %dma_start3A_140 = tpu.memref_squeeze %dma_start3A_139 : memref<1x80xi32, #tpu.memory_space<vmem>> -> memref<80xi32, #tpu.memory_space<vmem>>
        %dma_start3A_141 = arith.constant 0 : i32
        %dma_start3A_142 = arith.constant 0 : i32
        %dma_start3A_143 = tpu.memref_slice %arg10[%dma_start3A_141, %dma_start3A_142] : memref<10000x128xf32, #tpu.memory_space<vmem_shared>> -> memref<10000x128xf32, #tpu.memory_space<vmem_shared>>
        tpu.enqueue_indirect_dma source(%dma_start3A_137 : memref<80x128xf32, #tpu.memory_space<vmem>>) target(%dma_start3A_143 : memref<10000x128xf32, #tpu.memory_space<vmem_shared>>) offsets(%dma_start3A_140 : memref<80xi32, #tpu.memory_space<vmem>>) semaphore(%run_scoped3A_133 : memref<!tpu.dma_semaphore, #tpu.memory_space<semaphore_mem>>) {add = true}
        %dma_wait3A_144 = arith.constant 0 : i32
        %dma_wait3A_145 = arith.constant 0 : i32
        %dma_wait3A_146 = tpu.memref_slice %arg9[%run_scoped3A_108, %dma_wait3A_144, %dma_wait3A_145] : memref<3x80x128xf32, #tpu.memory_space<vmem>> -> memref<1x80x128xf32, #tpu.memory_space<vmem>>
        %dma_wait3A_147 = tpu.memref_squeeze %dma_wait3A_146 : memref<1x80x128xf32, #tpu.memory_space<vmem>> -> memref<80x128xf32, #tpu.memory_space<vmem>>
        %dma_wait3A_148 = arith.constant 0 : i32
        %dma_wait3A_149 = tpu.memref_slice %arg8[%add3A_96, %dma_wait3A_148] : memref<125x80xi32, #tpu.memory_space<vmem>> -> memref<1x80xi32, #tpu.memory_space<vmem>>
        %dma_wait3A_150 = tpu.memref_squeeze %dma_wait3A_149 : memref<1x80xi32, #tpu.memory_space<vmem>> -> memref<80xi32, #tpu.memory_space<vmem>>
        %dma_wait3A_151 = arith.constant 0 : i32
        %dma_wait3A_152 = arith.constant 0 : i32
        %dma_wait3A_153 = tpu.memref_slice %arg10[%dma_wait3A_151, %dma_wait3A_152] : memref<10000x128xf32, #tpu.memory_space<vmem_shared>> -> memref<10000x128xf32, #tpu.memory_space<vmem_shared>>
        tpu.wait_indirect_dma semaphore(%run_scoped3A_133 : memref<!tpu.dma_semaphore, #tpu.memory_space<semaphore_mem>>) src(%dma_wait3A_147 : memref<80x128xf32, #tpu.memory_space<vmem>>) dst(%dma_wait3A_153 : memref<10000x128xf32, #tpu.memory_space<vmem_shared>>)
        tpu.yield
      }) : () -> ()
      %lt3A_109 = arith.constant 121 : i32
      %lt3A_110 = arith.cmpi slt, %add3A_75, %lt3A_109 : i32
      %convert_element_type3A_111 = arith.extui %lt3A_110 : i1 to i32
      %cond3A_112 = arith.constant 0 : i32
      %cond3A_113 = arith.cmpi ne, %convert_element_type3A_111, %cond3A_112 : i32
      scf.if %cond3A_113 {
        %add3A_133 = arith.constant 3 : i32
        %add3A_134 = arith.addi %add3A_96, %add3A_133 : i32
        %dma_start3A_135 = arith.constant 1 : i32
        %dma_start3A_136 = arith.constant 0 : i32
        %dma_start3A_137 = arith.constant 0 : i32
        %dma_start3A_138 = tpu.memref_slice %arg9[%dma_start3A_135, %dma_start3A_136, %dma_start3A_137] : memref<3x80x128xf32, #tpu.memory_space<vmem>> -> memref<1x80x128xf32, #tpu.memory_space<vmem>>
        %dma_start3A_139 = tpu.memref_squeeze %dma_start3A_138 : memref<1x80x128xf32, #tpu.memory_space<vmem>> -> memref<80x128xf32, #tpu.memory_space<vmem>>
        %dma_start3A_140 = arith.constant 0 : i32
        %dma_start3A_141 = tpu.memref_slice %arg7[%add3A_134, %dma_start3A_140] : memref<125x80xi32, #tpu.memory_space<vmem>> -> memref<1x80xi32, #tpu.memory_space<vmem>>
        %dma_start3A_142 = tpu.memref_squeeze %dma_start3A_141 : memref<1x80xi32, #tpu.memory_space<vmem>> -> memref<80xi32, #tpu.memory_space<vmem>>
        %dma_start3A_143 = arith.constant 0 : i32
        %dma_start3A_144 = arith.constant 0 : i32
        %dma_start3A_145 = tpu.memref_slice %arg2[%dma_start3A_143, %dma_start3A_144] : memref<10000x128xf32, #tpu.memory_space<hbm>> -> memref<10000x128xf32, #tpu.memory_space<hbm>>
        tpu.enqueue_indirect_dma source(%dma_start3A_145 : memref<10000x128xf32, #tpu.memory_space<hbm>>) target(%dma_start3A_139 : memref<80x128xf32, #tpu.memory_space<vmem>>) offsets(%dma_start3A_142 : memref<80xi32, #tpu.memory_space<vmem>>) semaphore(%arg12 : memref<!tpu.dma_semaphore, #tpu.memory_space<semaphore_mem>>)
      } else {
      }
      %add3A_114 = arith.constant 2 : i32
      %add3A_115 = arith.addi %add3A_75, %add3A_114 : i32
      %dma_wait3A_116 = arith.constant 2 : i32
      %dma_wait3A_117 = arith.constant 0 : i32
      %dma_wait3A_118 = arith.constant 0 : i32
      %dma_wait3A_119 = tpu.memref_slice %arg9[%dma_wait3A_116, %dma_wait3A_117, %dma_wait3A_118] : memref<3x80x128xf32, #tpu.memory_space<vmem>> -> memref<1x80x128xf32, #tpu.memory_space<vmem>>
      %dma_wait3A_120 = tpu.memref_squeeze %dma_wait3A_119 : memref<1x80x128xf32, #tpu.memory_space<vmem>> -> memref<80x128xf32, #tpu.memory_space<vmem>>
      %dma_wait3A_121 = arith.constant 0 : i32
      %dma_wait3A_122 = tpu.memref_slice %arg7[%add3A_115, %dma_wait3A_121] : memref<125x80xi32, #tpu.memory_space<vmem>> -> memref<1x80xi32, #tpu.memory_space<vmem>>
      %dma_wait3A_123 = tpu.memref_squeeze %dma_wait3A_122 : memref<1x80xi32, #tpu.memory_space<vmem>> -> memref<80xi32, #tpu.memory_space<vmem>>
      %dma_wait3A_124 = arith.constant 0 : i32
      %dma_wait3A_125 = arith.constant 0 : i32
      %dma_wait3A_126 = tpu.memref_slice %arg2[%dma_wait3A_124, %dma_wait3A_125] : memref<10000x128xf32, #tpu.memory_space<hbm>> -> memref<10000x128xf32, #tpu.memory_space<hbm>>
      tpu.wait_indirect_dma semaphore(%arg13 : memref<!tpu.dma_semaphore, #tpu.memory_space<semaphore_mem>>) src(%dma_wait3A_126 : memref<10000x128xf32, #tpu.memory_space<hbm>>) dst(%dma_wait3A_120 : memref<80x128xf32, #tpu.memory_space<vmem>>)
      %run_scoped3A_127 = arith.constant 2 : i32
      "tpu.region"() ({
        %run_scoped3A_133 = tpu.sem_alloc : memref<!tpu.dma_semaphore, #tpu.memory_space<semaphore_mem>>
        %dma_start3A_134 = arith.constant 0 : i32
        %dma_start3A_135 = arith.constant 0 : i32
        %dma_start3A_136 = tpu.memref_slice %arg9[%run_scoped3A_127, %dma_start3A_134, %dma_start3A_135] : memref<3x80x128xf32, #tpu.memory_space<vmem>> -> memref<1x80x128xf32, #tpu.memory_space<vmem>>
        %dma_start3A_137 = tpu.memref_squeeze %dma_start3A_136 : memref<1x80x128xf32, #tpu.memory_space<vmem>> -> memref<80x128xf32, #tpu.memory_space<vmem>>
        %dma_start3A_138 = arith.constant 0 : i32
        %dma_start3A_139 = tpu.memref_slice %arg8[%add3A_115, %dma_start3A_138] : memref<125x80xi32, #tpu.memory_space<vmem>> -> memref<1x80xi32, #tpu.memory_space<vmem>>
        %dma_start3A_140 = tpu.memref_squeeze %dma_start3A_139 : memref<1x80xi32, #tpu.memory_space<vmem>> -> memref<80xi32, #tpu.memory_space<vmem>>
        %dma_start3A_141 = arith.constant 0 : i32
        %dma_start3A_142 = arith.constant 0 : i32
        %dma_start3A_143 = tpu.memref_slice %arg10[%dma_start3A_141, %dma_start3A_142] : memref<10000x128xf32, #tpu.memory_space<vmem_shared>> -> memref<10000x128xf32, #tpu.memory_space<vmem_shared>>
        tpu.enqueue_indirect_dma source(%dma_start3A_137 : memref<80x128xf32, #tpu.memory_space<vmem>>) target(%dma_start3A_143 : memref<10000x128xf32, #tpu.memory_space<vmem_shared>>) offsets(%dma_start3A_140 : memref<80xi32, #tpu.memory_space<vmem>>) semaphore(%run_scoped3A_133 : memref<!tpu.dma_semaphore, #tpu.memory_space<semaphore_mem>>) {add = true}
        %dma_wait3A_144 = arith.constant 0 : i32
        %dma_wait3A_145 = arith.constant 0 : i32
        %dma_wait3A_146 = tpu.memref_slice %arg9[%run_scoped3A_127, %dma_wait3A_144, %dma_wait3A_145] : memref<3x80x128xf32, #tpu.memory_space<vmem>> -> memref<1x80x128xf32, #tpu.memory_space<vmem>>
        %dma_wait3A_147 = tpu.memref_squeeze %dma_wait3A_146 : memref<1x80x128xf32, #tpu.memory_space<vmem>> -> memref<80x128xf32, #tpu.memory_space<vmem>>
        %dma_wait3A_148 = arith.constant 0 : i32
        %dma_wait3A_149 = tpu.memref_slice %arg8[%add3A_115, %dma_wait3A_148] : memref<125x80xi32, #tpu.memory_space<vmem>> -> memref<1x80xi32, #tpu.memory_space<vmem>>
        %dma_wait3A_150 = tpu.memref_squeeze %dma_wait3A_149 : memref<1x80xi32, #tpu.memory_space<vmem>> -> memref<80xi32, #tpu.memory_space<vmem>>
        %dma_wait3A_151 = arith.constant 0 : i32
        %dma_wait3A_152 = arith.constant 0 : i32
        %dma_wait3A_153 = tpu.memref_slice %arg10[%dma_wait3A_151, %dma_wait3A_152] : memref<10000x128xf32, #tpu.memory_space<vmem_shared>> -> memref<10000x128xf32, #tpu.memory_space<vmem_shared>>
        tpu.wait_indirect_dma semaphore(%run_scoped3A_133 : memref<!tpu.dma_semaphore, #tpu.memory_space<semaphore_mem>>) src(%dma_wait3A_147 : memref<80x128xf32, #tpu.memory_space<vmem>>) dst(%dma_wait3A_153 : memref<10000x128xf32, #tpu.memory_space<vmem_shared>>)
        tpu.yield
      }) : () -> ()
      %lt3A_128 = arith.constant 120 : i32
      %lt3A_129 = arith.cmpi slt, %add3A_75, %lt3A_128 : i32
      %convert_element_type3A_130 = arith.extui %lt3A_129 : i1 to i32
      %cond3A_131 = arith.constant 0 : i32
      %cond3A_132 = arith.cmpi ne, %convert_element_type3A_130, %cond3A_131 : i32
      scf.if %cond3A_132 {
        %add3A_133 = arith.constant 3 : i32
        %add3A_134 = arith.addi %add3A_115, %add3A_133 : i32
        %dma_start3A_135 = arith.constant 2 : i32
        %dma_start3A_136 = arith.constant 0 : i32
        %dma_start3A_137 = arith.constant 0 : i32
        %dma_start3A_138 = tpu.memref_slice %arg9[%dma_start3A_135, %dma_start3A_136, %dma_start3A_137] : memref<3x80x128xf32, #tpu.memory_space<vmem>> -> memref<1x80x128xf32, #tpu.memory_space<vmem>>
        %dma_start3A_139 = tpu.memref_squeeze %dma_start3A_138 : memref<1x80x128xf32, #tpu.memory_space<vmem>> -> memref<80x128xf32, #tpu.memory_space<vmem>>
        %dma_start3A_140 = arith.constant 0 : i32
        %dma_start3A_141 = tpu.memref_slice %arg7[%add3A_134, %dma_start3A_140] : memref<125x80xi32, #tpu.memory_space<vmem>> -> memref<1x80xi32, #tpu.memory_space<vmem>>
        %dma_start3A_142 = tpu.memref_squeeze %dma_start3A_141 : memref<1x80xi32, #tpu.memory_space<vmem>> -> memref<80xi32, #tpu.memory_space<vmem>>
        %dma_start3A_143 = arith.constant 0 : i32
        %dma_start3A_144 = arith.constant 0 : i32
        %dma_start3A_145 = tpu.memref_slice %arg2[%dma_start3A_143, %dma_start3A_144] : memref<10000x128xf32, #tpu.memory_space<hbm>> -> memref<10000x128xf32, #tpu.memory_space<hbm>>
        tpu.enqueue_indirect_dma source(%dma_start3A_145 : memref<10000x128xf32, #tpu.memory_space<hbm>>) target(%dma_start3A_139 : memref<80x128xf32, #tpu.memory_space<vmem>>) offsets(%dma_start3A_142 : memref<80xi32, #tpu.memory_space<vmem>>) semaphore(%arg13 : memref<!tpu.dma_semaphore, #tpu.memory_space<semaphore_mem>>)
      } else {
      }
    }
    %scan3A_40 = arith.constant 41 : i32
    %dma_wait3A = arith.constant 123 : i32
    %dma_wait3A_41 = arith.constant 0 : i32
    %dma_wait3A_42 = arith.constant 0 : i32
    %dma_wait3A_43 = arith.constant 0 : i32
    %dma_wait3A_44 = tpu.memref_slice %arg9[%dma_wait3A_41, %dma_wait3A_42, %dma_wait3A_43] : memref<3x80x128xf32, #tpu.memory_space<vmem>> -> memref<1x80x128xf32, #tpu.memory_space<vmem>>
    %dma_wait3A_45 = tpu.memref_squeeze %dma_wait3A_44 : memref<1x80x128xf32, #tpu.memory_space<vmem>> -> memref<80x128xf32, #tpu.memory_space<vmem>>
    %dma_wait3A_46 = arith.constant 0 : i32
    %dma_wait3A_47 = tpu.memref_slice %arg7[%dma_wait3A, %dma_wait3A_46] : memref<125x80xi32, #tpu.memory_space<vmem>> -> memref<1x80xi32, #tpu.memory_space<vmem>>
    %dma_wait3A_48 = tpu.memref_squeeze %dma_wait3A_47 : memref<1x80xi32, #tpu.memory_space<vmem>> -> memref<80xi32, #tpu.memory_space<vmem>>
    %dma_wait3A_49 = arith.constant 0 : i32
    %dma_wait3A_50 = arith.constant 0 : i32
    %dma_wait3A_51 = tpu.memref_slice %arg2[%dma_wait3A_49, %dma_wait3A_50] : memref<10000x128xf32, #tpu.memory_space<hbm>> -> memref<10000x128xf32, #tpu.memory_space<hbm>>
    tpu.wait_indirect_dma semaphore(%arg11 : memref<!tpu.dma_semaphore, #tpu.memory_space<semaphore_mem>>) src(%dma_wait3A_51 : memref<10000x128xf32, #tpu.memory_space<hbm>>) dst(%dma_wait3A_45 : memref<80x128xf32, #tpu.memory_space<vmem>>)
    %run_scoped3A = arith.constant 0 : i32
    %run_scoped3A_52 = arith.constant 123 : i32
    "tpu.region"() ({
      %run_scoped3A_73 = tpu.sem_alloc : memref<!tpu.dma_semaphore, #tpu.memory_space<semaphore_mem>>
      %dma_start3A_74 = arith.constant 0 : i32
      %dma_start3A_75 = arith.constant 0 : i32
      %dma_start3A_76 = tpu.memref_slice %arg9[%run_scoped3A, %dma_start3A_74, %dma_start3A_75] : memref<3x80x128xf32, #tpu.memory_space<vmem>> -> memref<1x80x128xf32, #tpu.memory_space<vmem>>
      %dma_start3A_77 = tpu.memref_squeeze %dma_start3A_76 : memref<1x80x128xf32, #tpu.memory_space<vmem>> -> memref<80x128xf32, #tpu.memory_space<vmem>>
      %dma_start3A_78 = arith.constant 0 : i32
      %dma_start3A_79 = tpu.memref_slice %arg8[%run_scoped3A_52, %dma_start3A_78] : memref<125x80xi32, #tpu.memory_space<vmem>> -> memref<1x80xi32, #tpu.memory_space<vmem>>
      %dma_start3A_80 = tpu.memref_squeeze %dma_start3A_79 : memref<1x80xi32, #tpu.memory_space<vmem>> -> memref<80xi32, #tpu.memory_space<vmem>>
      %dma_start3A_81 = arith.constant 0 : i32
      %dma_start3A_82 = arith.constant 0 : i32
      %dma_start3A_83 = tpu.memref_slice %arg10[%dma_start3A_81, %dma_start3A_82] : memref<10000x128xf32, #tpu.memory_space<vmem_shared>> -> memref<10000x128xf32, #tpu.memory_space<vmem_shared>>
      tpu.enqueue_indirect_dma source(%dma_start3A_77 : memref<80x128xf32, #tpu.memory_space<vmem>>) target(%dma_start3A_83 : memref<10000x128xf32, #tpu.memory_space<vmem_shared>>) offsets(%dma_start3A_80 : memref<80xi32, #tpu.memory_space<vmem>>) semaphore(%run_scoped3A_73 : memref<!tpu.dma_semaphore, #tpu.memory_space<semaphore_mem>>) {add = true}
      %dma_wait3A_84 = arith.constant 0 : i32
      %dma_wait3A_85 = arith.constant 0 : i32
      %dma_wait3A_86 = tpu.memref_slice %arg9[%run_scoped3A, %dma_wait3A_84, %dma_wait3A_85] : memref<3x80x128xf32, #tpu.memory_space<vmem>> -> memref<1x80x128xf32, #tpu.memory_space<vmem>>
      %dma_wait3A_87 = tpu.memref_squeeze %dma_wait3A_86 : memref<1x80x128xf32, #tpu.memory_space<vmem>> -> memref<80x128xf32, #tpu.memory_space<vmem>>
      %dma_wait3A_88 = arith.constant 0 : i32
      %dma_wait3A_89 = tpu.memref_slice %arg8[%run_scoped3A_52, %dma_wait3A_88] : memref<125x80xi32, #tpu.memory_space<vmem>> -> memref<1x80xi32, #tpu.memory_space<vmem>>
      %dma_wait3A_90 = tpu.memref_squeeze %dma_wait3A_89 : memref<1x80xi32, #tpu.memory_space<vmem>> -> memref<80xi32, #tpu.memory_space<vmem>>
      %dma_wait3A_91 = arith.constant 0 : i32
      %dma_wait3A_92 = arith.constant 0 : i32
      %dma_wait3A_93 = tpu.memref_slice %arg10[%dma_wait3A_91, %dma_wait3A_92] : memref<10000x128xf32, #tpu.memory_space<vmem_shared>> -> memref<10000x128xf32, #tpu.memory_space<vmem_shared>>
      tpu.wait_indirect_dma semaphore(%run_scoped3A_73 : memref<!tpu.dma_semaphore, #tpu.memory_space<semaphore_mem>>) src(%dma_wait3A_87 : memref<80x128xf32, #tpu.memory_space<vmem>>) dst(%dma_wait3A_93 : memref<10000x128xf32, #tpu.memory_space<vmem_shared>>)
      tpu.yield
    }) : () -> ()
    %dma_wait3A_53 = arith.constant 124 : i32
    %dma_wait3A_54 = arith.constant 1 : i32
    %dma_wait3A_55 = arith.constant 0 : i32
    %dma_wait3A_56 = arith.constant 0 : i32
    %dma_wait3A_57 = tpu.memref_slice %arg9[%dma_wait3A_54, %dma_wait3A_55, %dma_wait3A_56] : memref<3x80x128xf32, #tpu.memory_space<vmem>> -> memref<1x80x128xf32, #tpu.memory_space<vmem>>
    %dma_wait3A_58 = tpu.memref_squeeze %dma_wait3A_57 : memref<1x80x128xf32, #tpu.memory_space<vmem>> -> memref<80x128xf32, #tpu.memory_space<vmem>>
    %dma_wait3A_59 = arith.constant 0 : i32
    %dma_wait3A_60 = tpu.memref_slice %arg7[%dma_wait3A_53, %dma_wait3A_59] : memref<125x80xi32, #tpu.memory_space<vmem>> -> memref<1x80xi32, #tpu.memory_space<vmem>>
    %dma_wait3A_61 = tpu.memref_squeeze %dma_wait3A_60 : memref<1x80xi32, #tpu.memory_space<vmem>> -> memref<80xi32, #tpu.memory_space<vmem>>
    %dma_wait3A_62 = arith.constant 0 : i32
    %dma_wait3A_63 = arith.constant 0 : i32
    %dma_wait3A_64 = tpu.memref_slice %arg2[%dma_wait3A_62, %dma_wait3A_63] : memref<10000x128xf32, #tpu.memory_space<hbm>> -> memref<10000x128xf32, #tpu.memory_space<hbm>>
    tpu.wait_indirect_dma semaphore(%arg12 : memref<!tpu.dma_semaphore, #tpu.memory_space<semaphore_mem>>) src(%dma_wait3A_64 : memref<10000x128xf32, #tpu.memory_space<hbm>>) dst(%dma_wait3A_58 : memref<80x128xf32, #tpu.memory_space<vmem>>)
    %run_scoped3A_65 = arith.constant 1 : i32
    %run_scoped3A_66 = arith.constant 124 : i32
    "tpu.region"() ({
      %run_scoped3A_73 = tpu.sem_alloc : memref<!tpu.dma_semaphore, #tpu.memory_space<semaphore_mem>>
      %dma_start3A_74 = arith.constant 0 : i32
      %dma_start3A_75 = arith.constant 0 : i32
      %dma_start3A_76 = tpu.memref_slice %arg9[%run_scoped3A_65, %dma_start3A_74, %dma_start3A_75] : memref<3x80x128xf32, #tpu.memory_space<vmem>> -> memref<1x80x128xf32, #tpu.memory_space<vmem>>
      %dma_start3A_77 = tpu.memref_squeeze %dma_start3A_76 : memref<1x80x128xf32, #tpu.memory_space<vmem>> -> memref<80x128xf32, #tpu.memory_space<vmem>>
      %dma_start3A_78 = arith.constant 0 : i32
      %dma_start3A_79 = tpu.memref_slice %arg8[%run_scoped3A_66, %dma_start3A_78] : memref<125x80xi32, #tpu.memory_space<vmem>> -> memref<1x80xi32, #tpu.memory_space<vmem>>
      %dma_start3A_80 = tpu.memref_squeeze %dma_start3A_79 : memref<1x80xi32, #tpu.memory_space<vmem>> -> memref<80xi32, #tpu.memory_space<vmem>>
      %dma_start3A_81 = arith.constant 0 : i32
      %dma_start3A_82 = arith.constant 0 : i32
      %dma_start3A_83 = tpu.memref_slice %arg10[%dma_start3A_81, %dma_start3A_82] : memref<10000x128xf32, #tpu.memory_space<vmem_shared>> -> memref<10000x128xf32, #tpu.memory_space<vmem_shared>>
      tpu.enqueue_indirect_dma source(%dma_start3A_77 : memref<80x128xf32, #tpu.memory_space<vmem>>) target(%dma_start3A_83 : memref<10000x128xf32, #tpu.memory_space<vmem_shared>>) offsets(%dma_start3A_80 : memref<80xi32, #tpu.memory_space<vmem>>) semaphore(%run_scoped3A_73 : memref<!tpu.dma_semaphore, #tpu.memory_space<semaphore_mem>>) {add = true}
      %dma_wait3A_84 = arith.constant 0 : i32
      %dma_wait3A_85 = arith.constant 0 : i32
      %dma_wait3A_86 = tpu.memref_slice %arg9[%run_scoped3A_65, %dma_wait3A_84, %dma_wait3A_85] : memref<3x80x128xf32, #tpu.memory_space<vmem>> -> memref<1x80x128xf32, #tpu.memory_space<vmem>>
      %dma_wait3A_87 = tpu.memref_squeeze %dma_wait3A_86 : memref<1x80x128xf32, #tpu.memory_space<vmem>> -> memref<80x128xf32, #tpu.memory_space<vmem>>
      %dma_wait3A_88 = arith.constant 0 : i32
      %dma_wait3A_89 = tpu.memref_slice %arg8[%run_scoped3A_66, %dma_wait3A_88] : memref<125x80xi32, #tpu.memory_space<vmem>> -> memref<1x80xi32, #tpu.memory_space<vmem>>
      %dma_wait3A_90 = tpu.memref_squeeze %dma_wait3A_89 : memref<1x80xi32, #tpu.memory_space<vmem>> -> memref<80xi32, #tpu.memory_space<vmem>>
      %dma_wait3A_91 = arith.constant 0 : i32
      %dma_wait3A_92 = arith.constant 0 : i32
      %dma_wait3A_93 = tpu.memref_slice %arg10[%dma_wait3A_91, %dma_wait3A_92] : memref<10000x128xf32, #tpu.memory_space<vmem_shared>> -> memref<10000x128xf32, #tpu.memory_space<vmem_shared>>
      tpu.wait_indirect_dma semaphore(%run_scoped3A_73 : memref<!tpu.dma_semaphore, #tpu.memory_space<semaphore_mem>>) src(%dma_wait3A_87 : memref<80x128xf32, #tpu.memory_space<vmem>>) dst(%dma_wait3A_93 : memref<10000x128xf32, #tpu.memory_space<vmem_shared>>)
      tpu.yield
    }) : () -> ()
    %barrier3A_67 = arith.constant 0 : index
    tpu.barrier barrier_id(%barrier3A_67)
    %lt3A_68 = arith.constant 10 : i32
    %lt3A_69 = arith.cmpi slt, %arg1, %lt3A_68 : i32
    %convert_element_type3A_70 = arith.extui %lt3A_69 : i1 to i32
    %cond3A_71 = arith.constant 0 : i32
    %cond3A_72 = arith.cmpi ne, %convert_element_type3A_70, %cond3A_71 : i32
    scf.if %cond3A_72 {
      %mul3A = arith.constant 1000 : i32
      %mul3A_73 = arith.muli %arg1, %mul3A : i32
      %mul3A_74 = arith.constant 1000 : i32
      %mul3A_75 = arith.muli %arg1, %mul3A_74 : i32
      "tpu.region"() ({
        %run_scoped3A_76 = tpu.sem_alloc : memref<!tpu.dma_semaphore, #tpu.memory_space<semaphore_mem>>
        %dma_start3A_77 = arith.constant 0 : i32
        %dma_start3A_78 = tpu.memref_slice %arg6[%arg0, %mul3A_75, %dma_start3A_77] : memref<2x10000x128xf32, #tpu.memory_space<hbm>> -> memref<1x1000x128xf32, #tpu.memory_space<hbm>>
        %dma_start3A_79 = tpu.memref_squeeze %dma_start3A_78 : memref<1x1000x128xf32, #tpu.memory_space<hbm>> -> memref<1000x128xf32, #tpu.memory_space<hbm>>
        %dma_start3A_80 = arith.constant 0 : i32
        %dma_start3A_81 = tpu.memref_slice %arg10[%mul3A_73, %dma_start3A_80] : memref<10000x128xf32, #tpu.memory_space<vmem_shared>> -> memref<1000x128xf32, #tpu.memory_space<vmem_shared>>
        tpu.enqueue_dma source(%dma_start3A_81 : memref<1000x128xf32, #tpu.memory_space<vmem_shared>>) target(%dma_start3A_79 : memref<1000x128xf32, #tpu.memory_space<hbm>>) target_semaphore(%run_scoped3A_76 : memref<!tpu.dma_semaphore, #tpu.memory_space<semaphore_mem>>)
        %dma_wait3A_82 = arith.constant 0 : i32
        %dma_wait3A_83 = tpu.memref_slice %arg6[%arg0, %mul3A_75, %dma_wait3A_82] : memref<2x10000x128xf32, #tpu.memory_space<hbm>> -> memref<1x1000x128xf32, #tpu.memory_space<hbm>>
        %dma_wait3A_84 = tpu.memref_squeeze %dma_wait3A_83 : memref<1x1000x128xf32, #tpu.memory_space<hbm>> -> memref<1000x128xf32, #tpu.memory_space<hbm>>
        %dma_wait3A_85 = arith.constant 0 : i32
        %dma_wait3A_86 = tpu.memref_slice %arg10[%mul3A_73, %dma_wait3A_85] : memref<10000x128xf32, #tpu.memory_space<vmem_shared>> -> memref<1000x128xf32, #tpu.memory_space<vmem_shared>>
        tpu.wait_dma2 semaphore(%run_scoped3A_76 : memref<!tpu.dma_semaphore, #tpu.memory_space<semaphore_mem>>) src(%dma_wait3A_86 : memref<1000x128xf32, #tpu.memory_space<vmem_shared>>) dst(%dma_wait3A_84 : memref<1000x128xf32, #tpu.memory_space<hbm>>)
        tpu.yield
      }) : () -> ()
    } else {
    }
    return
  }
}

#map = affine_map<(d0, d1) -> (0, 0)>
#map1 = affine_map<(d0, d1) -> (0, 0, 0, 0)>
#map2 = affine_map<(d0, d1) -> (0, 0, 0)>
module attributes {stable_mosaic.version = 14 : i64} {
  func.func @agg(%arg0: i32, %arg1: i32, %arg2: memref<10000x128xf32, #tpu.memory_space<hbm>>, %arg3: memref<2x16x125x80xi32, #tpu.memory_space<hbm>>, %arg4: memref<2x16x125x80xi32, #tpu.memory_space<hbm>>, %arg5: memref<10000x128xf32, #tpu.memory_space<hbm>>, %arg6: memref<2x10000x128xf32, #tpu.memory_space<hbm>>, %arg7: memref<125x80xi32, #tpu.memory_space<vmem>>, %arg8: memref<125x80xi32, #tpu.memory_space<vmem>>, %arg9: memref<3x80x128xf32, #tpu.memory_space<vmem>>, %arg10: memref<10000x128xf32, #tpu.memory_space<vmem_shared>>, %arg11: memref<!tpu.dma_semaphore, #tpu.memory_space<semaphore_mem>>, %arg12: memref<!tpu.dma_semaphore, #tpu.memory_space<semaphore_mem>>, %arg13: memref<!tpu.dma_semaphore, #tpu.memory_space<semaphore_mem>>) attributes {dimension_semantics = [#tpu.dimension_semantics<core_parallel>, #tpu.dimension_semantics<subcore_parallel>], iteration_bounds = array<i64: 2, 16>, scalar_prefetch = 0 : i64, scratch_operands = 7 : i64, tpu.core_type = #tpu.core_type<sc_vector_subcore>, window_params = [{transform_indices = #map}, {transform_indices = #map1}, {transform_indices = #map1}, {transform_indices = #map}, {transform_indices = #map2}]} {
    %lt3A = arith.constant 10 : i32
    %lt3A_0 = arith.cmpi slt, %arg1, %lt3A : i32
    %convert_element_type3A = arith.extui %lt3A_0 : i1 to i32
    %cond3A = arith.constant 0 : i32
    %cond3A_1 = arith.cmpi ne, %convert_element_type3A, %cond3A : i32
    scf.if %cond3A_1 {
      %mul3A = arith.constant 1000 : i32
      %mul3A_73 = arith.muli %arg1, %mul3A : i32
      %mul3A_74 = arith.constant 1000 : i32
      %mul3A_75 = arith.muli %arg1, %mul3A_74 : i32
      "tpu.region"() ({
        %run_scoped3A_76 = tpu.sem_alloc : memref<!tpu.dma_semaphore, #tpu.memory_space<semaphore_mem>>
        %dma_start3A_77 = arith.constant 0 : i32
        %dma_start3A_78 = tpu.memref_slice %arg10[%mul3A_75, %dma_start3A_77] : memref<10000x128xf32, #tpu.memory_space<vmem_shared>> -> memref<1000x128xf32, #tpu.memory_space<vmem_shared>>
        %dma_start3A_79 = arith.constant 0 : i32
        %dma_start3A_80 = tpu.memref_slice %arg5[%mul3A_73, %dma_start3A_79] : memref<10000x128xf32, #tpu.memory_space<hbm>> -> memref<1000x128xf32, #tpu.memory_space<hbm>>
        tpu.enqueue_dma source(%dma_start3A_80 : memref<1000x128xf32, #tpu.memory_space<hbm>>) target(%dma_start3A_78 : memref<1000x128xf32, #tpu.memory_space<vmem_shared>>) target_semaphore(%run_scoped3A_76 : memref<!tpu.dma_semaphore, #tpu.memory_space<semaphore_mem>>)
        %dma_wait3A_81 = arith.constant 0 : i32
        %dma_wait3A_82 = tpu.memref_slice %arg10[%mul3A_75, %dma_wait3A_81] : memref<10000x128xf32, #tpu.memory_space<vmem_shared>> -> memref<1000x128xf32, #tpu.memory_space<vmem_shared>>
        %dma_wait3A_83 = arith.constant 0 : i32
        %dma_wait3A_84 = tpu.memref_slice %arg5[%mul3A_73, %dma_wait3A_83] : memref<10000x128xf32, #tpu.memory_space<hbm>> -> memref<1000x128xf32, #tpu.memory_space<hbm>>
        tpu.wait_dma2 semaphore(%run_scoped3A_76 : memref<!tpu.dma_semaphore, #tpu.memory_space<semaphore_mem>>) src(%dma_wait3A_84 : memref<1000x128xf32, #tpu.memory_space<hbm>>) dst(%dma_wait3A_82 : memref<1000x128xf32, #tpu.memory_space<vmem_shared>>)
        tpu.yield
      }) : () -> ()
    } else {
    }
    "tpu.region"() ({
      %run_scoped3A_73 = tpu.sem_alloc : memref<!tpu.dma_semaphore, #tpu.memory_space<semaphore_mem>>
      %dma_start3A_74 = arith.constant 0 : i32
      %dma_start3A_75 = arith.constant 0 : i32
      %dma_start3A_76 = tpu.memref_slice %arg3[%arg0, %arg1, %dma_start3A_74, %dma_start3A_75] : memref<2x16x125x80xi32, #tpu.memory_space<hbm>> -> memref<1x1x125x80xi32, #tpu.memory_space<hbm>>
      %dma_start3A_77 = tpu.memref_squeeze %dma_start3A_76 : memref<1x1x125x80xi32, #tpu.memory_space<hbm>> -> memref<125x80xi32, #tpu.memory_space<hbm>>
      %dma_start3A_78 = arith.constant 0 : i32
      %dma_start3A_79 = arith.constant 0 : i32
      %dma_start3A_80 = tpu.memref_slice %arg3[%arg0, %arg1, %dma_start3A_78, %dma_start3A_79] : memref<2x16x125x80xi32, #tpu.memory_space<hbm>> -> memref<1x1x125x80xi32, #tpu.memory_space<hbm>>
      %dma_start3A_81 = tpu.memref_squeeze %dma_start3A_80 : memref<1x1x125x80xi32, #tpu.memory_space<hbm>> -> memref<125x80xi32, #tpu.memory_space<hbm>>
      tpu.enqueue_dma source(%dma_start3A_81 : memref<125x80xi32, #tpu.memory_space<hbm>>) target(%arg7 : memref<125x80xi32, #tpu.memory_space<vmem>>) target_semaphore(%run_scoped3A_73 : memref<!tpu.dma_semaphore, #tpu.memory_space<semaphore_mem>>)
      %dma_wait3A_82 = arith.constant 0 : i32
      %dma_wait3A_83 = arith.constant 0 : i32
      %dma_wait3A_84 = tpu.memref_slice %arg3[%arg0, %arg1, %dma_wait3A_82, %dma_wait3A_83] : memref<2x16x125x80xi32, #tpu.memory_space<hbm>> -> memref<1x1x125x80xi32, #tpu.memory_space<hbm>>
      %dma_wait3A_85 = tpu.memref_squeeze %dma_wait3A_84 : memref<1x1x125x80xi32, #tpu.memory_space<hbm>> -> memref<125x80xi32, #tpu.memory_space<hbm>>
      %dma_wait3A_86 = arith.constant 0 : i32
      %dma_wait3A_87 = arith.constant 0 : i32
      %dma_wait3A_88 = tpu.memref_slice %arg3[%arg0, %arg1, %dma_wait3A_86, %dma_wait3A_87] : memref<2x16x125x80xi32, #tpu.memory_space<hbm>> -> memref<1x1x125x80xi32, #tpu.memory_space<hbm>>
      %dma_wait3A_89 = tpu.memref_squeeze %dma_wait3A_88 : memref<1x1x125x80xi32, #tpu.memory_space<hbm>> -> memref<125x80xi32, #tpu.memory_space<hbm>>
      tpu.wait_dma2 semaphore(%run_scoped3A_73 : memref<!tpu.dma_semaphore, #tpu.memory_space<semaphore_mem>>) src(%dma_wait3A_89 : memref<125x80xi32, #tpu.memory_space<hbm>>) dst(%arg7 : memref<125x80xi32, #tpu.memory_space<vmem>>)
      tpu.yield
    }) : () -> ()
    "tpu.region"() ({
      %run_scoped3A_73 = tpu.sem_alloc : memref<!tpu.dma_semaphore, #tpu.memory_space<semaphore_mem>>
      %dma_start3A_74 = arith.constant 0 : i32
      %dma_start3A_75 = arith.constant 0 : i32
      %dma_start3A_76 = tpu.memref_slice %arg4[%arg0, %arg1, %dma_start3A_74, %dma_start3A_75] : memref<2x16x125x80xi32, #tpu.memory_space<hbm>> -> memref<1x1x125x80xi32, #tpu.memory_space<hbm>>
      %dma_start3A_77 = tpu.memref_squeeze %dma_start3A_76 : memref<1x1x125x80xi32, #tpu.memory_space<hbm>> -> memref<125x80xi32, #tpu.memory_space<hbm>>
      %dma_start3A_78 = arith.constant 0 : i32
      %dma_start3A_79 = arith.constant 0 : i32
      %dma_start3A_80 = tpu.memref_slice %arg4[%arg0, %arg1, %dma_start3A_78, %dma_start3A_79] : memref<2x16x125x80xi32, #tpu.memory_space<hbm>> -> memref<1x1x125x80xi32, #tpu.memory_space<hbm>>
      %dma_start3A_81 = tpu.memref_squeeze %dma_start3A_80 : memref<1x1x125x80xi32, #tpu.memory_space<hbm>> -> memref<125x80xi32, #tpu.memory_space<hbm>>
      tpu.enqueue_dma source(%dma_start3A_81 : memref<125x80xi32, #tpu.memory_space<hbm>>) target(%arg8 : memref<125x80xi32, #tpu.memory_space<vmem>>) target_semaphore(%run_scoped3A_73 : memref<!tpu.dma_semaphore, #tpu.memory_space<semaphore_mem>>)
      %dma_wait3A_82 = arith.constant 0 : i32
      %dma_wait3A_83 = arith.constant 0 : i32
      %dma_wait3A_84 = tpu.memref_slice %arg4[%arg0, %arg1, %dma_wait3A_82, %dma_wait3A_83] : memref<2x16x125x80xi32, #tpu.memory_space<hbm>> -> memref<1x1x125x80xi32, #tpu.memory_space<hbm>>
      %dma_wait3A_85 = tpu.memref_squeeze %dma_wait3A_84 : memref<1x1x125x80xi32, #tpu.memory_space<hbm>> -> memref<125x80xi32, #tpu.memory_space<hbm>>
      %dma_wait3A_86 = arith.constant 0 : i32
      %dma_wait3A_87 = arith.constant 0 : i32
      %dma_wait3A_88 = tpu.memref_slice %arg4[%arg0, %arg1, %dma_wait3A_86, %dma_wait3A_87] : memref<2x16x125x80xi32, #tpu.memory_space<hbm>> -> memref<1x1x125x80xi32, #tpu.memory_space<hbm>>
      %dma_wait3A_89 = tpu.memref_squeeze %dma_wait3A_88 : memref<1x1x125x80xi32, #tpu.memory_space<hbm>> -> memref<125x80xi32, #tpu.memory_space<hbm>>
      tpu.wait_dma2 semaphore(%run_scoped3A_73 : memref<!tpu.dma_semaphore, #tpu.memory_space<semaphore_mem>>) src(%dma_wait3A_89 : memref<125x80xi32, #tpu.memory_space<hbm>>) dst(%arg8 : memref<125x80xi32, #tpu.memory_space<vmem>>)
      tpu.yield
    }) : () -> ()
    %barrier3A = arith.constant 0 : index
    tpu.barrier barrier_id(%barrier3A)
    %dma_start3A = arith.constant 0 : i32
    %dma_start3A_2 = arith.constant 0 : i32
    %dma_start3A_3 = arith.constant 0 : i32
    %dma_start3A_4 = arith.constant 0 : i32
    %dma_start3A_5 = tpu.memref_slice %arg9[%dma_start3A_2, %dma_start3A_3, %dma_start3A_4] : memref<3x80x128xf32, #tpu.memory_space<vmem>> -> memref<1x80x128xf32, #tpu.memory_space<vmem>>
    %dma_start3A_6 = tpu.memref_squeeze %dma_start3A_5 : memref<1x80x128xf32, #tpu.memory_space<vmem>> -> memref<80x128xf32, #tpu.memory_space<vmem>>
    %dma_start3A_7 = arith.constant 0 : i32
    %dma_start3A_8 = tpu.memref_slice %arg7[%dma_start3A, %dma_start3A_7] : memref<125x80xi32, #tpu.memory_space<vmem>> -> memref<1x80xi32, #tpu.memory_space<vmem>>
    %dma_start3A_9 = tpu.memref_squeeze %dma_start3A_8 : memref<1x80xi32, #tpu.memory_space<vmem>> -> memref<80xi32, #tpu.memory_space<vmem>>
    %dma_start3A_10 = arith.constant 0 : i32
    %dma_start3A_11 = arith.constant 0 : i32
    %dma_start3A_12 = tpu.memref_slice %arg2[%dma_start3A_10, %dma_start3A_11] : memref<10000x128xf32, #tpu.memory_space<hbm>> -> memref<10000x128xf32, #tpu.memory_space<hbm>>
    tpu.enqueue_indirect_dma source(%dma_start3A_12 : memref<10000x128xf32, #tpu.memory_space<hbm>>) target(%dma_start3A_6 : memref<80x128xf32, #tpu.memory_space<vmem>>) offsets(%dma_start3A_9 : memref<80xi32, #tpu.memory_space<vmem>>) semaphore(%arg11 : memref<!tpu.dma_semaphore, #tpu.memory_space<semaphore_mem>>)
    %dma_start3A_13 = arith.constant 1 : i32
    %dma_start3A_14 = arith.constant 1 : i32
    %dma_start3A_15 = arith.constant 0 : i32
    %dma_start3A_16 = arith.constant 0 : i32
    %dma_start3A_17 = tpu.memref_slice %arg9[%dma_start3A_14, %dma_start3A_15, %dma_start3A_16] : memref<3x80x128xf32, #tpu.memory_space<vmem>> -> memref<1x80x128xf32, #tpu.memory_space<vmem>>
    %dma_start3A_18 = tpu.memref_squeeze %dma_start3A_17 : memref<1x80x128xf32, #tpu.memory_space<vmem>> -> memref<80x128xf32, #tpu.memory_space<vmem>>
    %dma_start3A_19 = arith.constant 0 : i32
    %dma_start3A_20 = tpu.memref_slice %arg7[%dma_start3A_13, %dma_start3A_19] : memref<125x80xi32, #tpu.memory_space<vmem>> -> memref<1x80xi32, #tpu.memory_space<vmem>>
    %dma_start3A_21 = tpu.memref_squeeze %dma_start3A_20 : memref<1x80xi32, #tpu.memory_space<vmem>> -> memref<80xi32, #tpu.memory_space<vmem>>
    %dma_start3A_22 = arith.constant 0 : i32
    %dma_start3A_23 = arith.constant 0 : i32
    %dma_start3A_24 = tpu.memref_slice %arg2[%dma_start3A_22, %dma_start3A_23] : memref<10000x128xf32, #tpu.memory_space<hbm>> -> memref<10000x128xf32, #tpu.memory_space<hbm>>
    tpu.enqueue_indirect_dma source(%dma_start3A_24 : memref<10000x128xf32, #tpu.memory_space<hbm>>) target(%dma_start3A_18 : memref<80x128xf32, #tpu.memory_space<vmem>>) offsets(%dma_start3A_21 : memref<80xi32, #tpu.memory_space<vmem>>) semaphore(%arg12 : memref<!tpu.dma_semaphore, #tpu.memory_space<semaphore_mem>>)
    %dma_start3A_25 = arith.constant 2 : i32
    %dma_start3A_26 = arith.constant 2 : i32
    %dma_start3A_27 = arith.constant 0 : i32
    %dma_start3A_28 = arith.constant 0 : i32
    %dma_start3A_29 = tpu.memref_slice %arg9[%dma_start3A_26, %dma_start3A_27, %dma_start3A_28] : memref<3x80x128xf32, #tpu.memory_space<vmem>> -> memref<1x80x128xf32, #tpu.memory_space<vmem>>
    %dma_start3A_30 = tpu.memref_squeeze %dma_start3A_29 : memref<1x80x128xf32, #tpu.memory_space<vmem>> -> memref<80x128xf32, #tpu.memory_space<vmem>>
    %dma_start3A_31 = arith.constant 0 : i32
    %dma_start3A_32 = tpu.memref_slice %arg7[%dma_start3A_25, %dma_start3A_31] : memref<125x80xi32, #tpu.memory_space<vmem>> -> memref<1x80xi32, #tpu.memory_space<vmem>>
    %dma_start3A_33 = tpu.memref_squeeze %dma_start3A_32 : memref<1x80xi32, #tpu.memory_space<vmem>> -> memref<80xi32, #tpu.memory_space<vmem>>
    %dma_start3A_34 = arith.constant 0 : i32
    %dma_start3A_35 = arith.constant 0 : i32
    %dma_start3A_36 = tpu.memref_slice %arg2[%dma_start3A_34, %dma_start3A_35] : memref<10000x128xf32, #tpu.memory_space<hbm>> -> memref<10000x128xf32, #tpu.memory_space<hbm>>
    tpu.enqueue_indirect_dma source(%dma_start3A_36 : memref<10000x128xf32, #tpu.memory_space<hbm>>) target(%dma_start3A_30 : memref<80x128xf32, #tpu.memory_space<vmem>>) offsets(%dma_start3A_33 : memref<80xi32, #tpu.memory_space<vmem>>) semaphore(%arg13 : memref<!tpu.dma_semaphore, #tpu.memory_space<semaphore_mem>>)
    %scan3A = arith.constant 0 : i32
    %scan3A_37 = arith.constant 41 : i32
    %scan3A_38 = arith.addi %scan3A, %scan3A_37 : i32
    %scan3A_39 = arith.constant 1 : i32
    scf.for %scan3A_73 = %scan3A to %scan3A_38 step %scan3A_39  : i32 {
      %mul3A = arith.constant 3 : i32
      %mul3A_74 = arith.muli %scan3A_73, %mul3A : i32
      %add3A = arith.constant 0 : i32
      %add3A_75 = arith.addi %add3A, %mul3A_74 : i32
      %add3A_76 = arith.constant 0 : i32
      %add3A_77 = arith.addi %add3A_75, %add3A_76 : i32
      %dma_wait3A_78 = arith.constant 0 : i32
      %dma_wait3A_79 = arith.constant 0 : i32
      %dma_wait3A_80 = arith.constant 0 : i32
      %dma_wait3A_81 = tpu.memref_slice %arg9[%dma_wait3A_78, %dma_wait3A_79, %dma_wait3A_80] : memref<3x80x128xf32, #tpu.memory_space<vmem>> -> memref<1x80x128xf32, #tpu.memory_space<vmem>>
      %dma_wait3A_82 = tpu.memref_squeeze %dma_wait3A_81 : memref<1x80x128xf32, #tpu.memory_space<vmem>> -> memref<80x128xf32, #tpu.memory_space<vmem>>
      %dma_wait3A_83 = arith.constant 0 : i32
      %dma_wait3A_84 = tpu.memref_slice %arg7[%add3A_77, %dma_wait3A_83] : memref<125x80xi32, #tpu.memory_space<vmem>> -> memref<1x80xi32, #tpu.memory_space<vmem>>
      %dma_wait3A_85 = tpu.memref_squeeze %dma_wait3A_84 : memref<1x80xi32, #tpu.memory_space<vmem>> -> memref<80xi32, #tpu.memory_space<vmem>>
      %dma_wait3A_86 = arith.constant 0 : i32
      %dma_wait3A_87 = arith.constant 0 : i32
      %dma_wait3A_88 = tpu.memref_slice %arg2[%dma_wait3A_86, %dma_wait3A_87] : memref<10000x128xf32, #tpu.memory_space<hbm>> -> memref<10000x128xf32, #tpu.memory_space<hbm>>
      tpu.wait_indirect_dma semaphore(%arg11 : memref<!tpu.dma_semaphore, #tpu.memory_space<semaphore_mem>>) src(%dma_wait3A_88 : memref<10000x128xf32, #tpu.memory_space<hbm>>) dst(%dma_wait3A_82 : memref<80x128xf32, #tpu.memory_space<vmem>>)
      %run_scoped3A_89 = arith.constant 0 : i32
      "tpu.region"() ({
        %run_scoped3A_133 = tpu.sem_alloc : memref<!tpu.dma_semaphore, #tpu.memory_space<semaphore_mem>>
        %dma_start3A_134 = arith.constant 0 : i32
        %dma_start3A_135 = arith.constant 0 : i32
        %dma_start3A_136 = tpu.memref_slice %arg9[%run_scoped3A_89, %dma_start3A_134, %dma_start3A_135] : memref<3x80x128xf32, #tpu.memory_space<vmem>> -> memref<1x80x128xf32, #tpu.memory_space<vmem>>
        %dma_start3A_137 = tpu.memref_squeeze %dma_start3A_136 : memref<1x80x128xf32, #tpu.memory_space<vmem>> -> memref<80x128xf32, #tpu.memory_space<vmem>>
        %dma_start3A_138 = arith.constant 0 : i32
        %dma_start3A_139 = tpu.memref_slice %arg8[%add3A_77, %dma_start3A_138] : memref<125x80xi32, #tpu.memory_space<vmem>> -> memref<1x80xi32, #tpu.memory_space<vmem>>
        %dma_start3A_140 = tpu.memref_squeeze %dma_start3A_139 : memref<1x80xi32, #tpu.memory_space<vmem>> -> memref<80xi32, #tpu.memory_space<vmem>>
        %dma_start3A_141 = arith.constant 0 : i32
        %dma_start3A_142 = arith.constant 0 : i32
        %dma_start3A_143 = tpu.memref_slice %arg10[%dma_start3A_141, %dma_start3A_142] : memref<10000x128xf32, #tpu.memory_space<vmem_shared>> -> memref<10000x128xf32, #tpu.memory_space<vmem_shared>>
        tpu.enqueue_indirect_dma source(%dma_start3A_137 : memref<80x128xf32, #tpu.memory_space<vmem>>) target(%dma_start3A_143 : memref<10000x128xf32, #tpu.memory_space<vmem_shared>>) offsets(%dma_start3A_140 : memref<80xi32, #tpu.memory_space<vmem>>) semaphore(%run_scoped3A_133 : memref<!tpu.dma_semaphore, #tpu.memory_space<semaphore_mem>>) {add = true}
        %dma_wait3A_144 = arith.constant 0 : i32
        %dma_wait3A_145 = arith.constant 0 : i32
        %dma_wait3A_146 = tpu.memref_slice %arg9[%run_scoped3A_89, %dma_wait3A_144, %dma_wait3A_145] : memref<3x80x128xf32, #tpu.memory_space<vmem>> -> memref<1x80x128xf32, #tpu.memory_space<vmem>>
        %dma_wait3A_147 = tpu.memref_squeeze %dma_wait3A_146 : memref<1x80x128xf32, #tpu.memory_space<vmem>> -> memref<80x128xf32, #tpu.memory_space<vmem>>
        %dma_wait3A_148 = arith.constant 0 : i32
        %dma_wait3A_149 = tpu.memref_slice %arg8[%add3A_77, %dma_wait3A_148] : memref<125x80xi32, #tpu.memory_space<vmem>> -> memref<1x80xi32, #tpu.memory_space<vmem>>
        %dma_wait3A_150 = tpu.memref_squeeze %dma_wait3A_149 : memref<1x80xi32, #tpu.memory_space<vmem>> -> memref<80xi32, #tpu.memory_space<vmem>>
        %dma_wait3A_151 = arith.constant 0 : i32
        %dma_wait3A_152 = arith.constant 0 : i32
        %dma_wait3A_153 = tpu.memref_slice %arg10[%dma_wait3A_151, %dma_wait3A_152] : memref<10000x128xf32, #tpu.memory_space<vmem_shared>> -> memref<10000x128xf32, #tpu.memory_space<vmem_shared>>
        tpu.wait_indirect_dma semaphore(%run_scoped3A_133 : memref<!tpu.dma_semaphore, #tpu.memory_space<semaphore_mem>>) src(%dma_wait3A_147 : memref<80x128xf32, #tpu.memory_space<vmem>>) dst(%dma_wait3A_153 : memref<10000x128xf32, #tpu.memory_space<vmem_shared>>)
        tpu.yield
      }) : () -> ()
      %lt3A_90 = arith.constant 122 : i32
      %lt3A_91 = arith.cmpi slt, %add3A_75, %lt3A_90 : i32
      %convert_element_type3A_92 = arith.extui %lt3A_91 : i1 to i32
      %cond3A_93 = arith.constant 0 : i32
      %cond3A_94 = arith.cmpi ne, %convert_element_type3A_92, %cond3A_93 : i32
      scf.if %cond3A_94 {
        %add3A_133 = arith.constant 3 : i32
        %add3A_134 = arith.addi %add3A_77, %add3A_133 : i32
        %dma_start3A_135 = arith.constant 0 : i32
        %dma_start3A_136 = arith.constant 0 : i32
        %dma_start3A_137 = arith.constant 0 : i32
        %dma_start3A_138 = tpu.memref_slice %arg9[%dma_start3A_135, %dma_start3A_136, %dma_start3A_137] : memref<3x80x128xf32, #tpu.memory_space<vmem>> -> memref<1x80x128xf32, #tpu.memory_space<vmem>>
        %dma_start3A_139 = tpu.memref_squeeze %dma_start3A_138 : memref<1x80x128xf32, #tpu.memory_space<vmem>> -> memref<80x128xf32, #tpu.memory_space<vmem>>
        %dma_start3A_140 = arith.constant 0 : i32
        %dma_start3A_141 = tpu.memref_slice %arg7[%add3A_134, %dma_start3A_140] : memref<125x80xi32, #tpu.memory_space<vmem>> -> memref<1x80xi32, #tpu.memory_space<vmem>>
        %dma_start3A_142 = tpu.memref_squeeze %dma_start3A_141 : memref<1x80xi32, #tpu.memory_space<vmem>> -> memref<80xi32, #tpu.memory_space<vmem>>
        %dma_start3A_143 = arith.constant 0 : i32
        %dma_start3A_144 = arith.constant 0 : i32
        %dma_start3A_145 = tpu.memref_slice %arg2[%dma_start3A_143, %dma_start3A_144] : memref<10000x128xf32, #tpu.memory_space<hbm>> -> memref<10000x128xf32, #tpu.memory_space<hbm>>
        tpu.enqueue_indirect_dma source(%dma_start3A_145 : memref<10000x128xf32, #tpu.memory_space<hbm>>) target(%dma_start3A_139 : memref<80x128xf32, #tpu.memory_space<vmem>>) offsets(%dma_start3A_142 : memref<80xi32, #tpu.memory_space<vmem>>) semaphore(%arg11 : memref<!tpu.dma_semaphore, #tpu.memory_space<semaphore_mem>>)
      } else {
      }
      %add3A_95 = arith.constant 1 : i32
      %add3A_96 = arith.addi %add3A_75, %add3A_95 : i32
      %dma_wait3A_97 = arith.constant 1 : i32
      %dma_wait3A_98 = arith.constant 0 : i32
      %dma_wait3A_99 = arith.constant 0 : i32
      %dma_wait3A_100 = tpu.memref_slice %arg9[%dma_wait3A_97, %dma_wait3A_98, %dma_wait3A_99] : memref<3x80x128xf32, #tpu.memory_space<vmem>> -> memref<1x80x128xf32, #tpu.memory_space<vmem>>
      %dma_wait3A_101 = tpu.memref_squeeze %dma_wait3A_100 : memref<1x80x128xf32, #tpu.memory_space<vmem>> -> memref<80x128xf32, #tpu.memory_space<vmem>>
      %dma_wait3A_102 = arith.constant 0 : i32
      %dma_wait3A_103 = tpu.memref_slice %arg7[%add3A_96, %dma_wait3A_102] : memref<125x80xi32, #tpu.memory_space<vmem>> -> memref<1x80xi32, #tpu.memory_space<vmem>>
      %dma_wait3A_104 = tpu.memref_squeeze %dma_wait3A_103 : memref<1x80xi32, #tpu.memory_space<vmem>> -> memref<80xi32, #tpu.memory_space<vmem>>
      %dma_wait3A_105 = arith.constant 0 : i32
      %dma_wait3A_106 = arith.constant 0 : i32
      %dma_wait3A_107 = tpu.memref_slice %arg2[%dma_wait3A_105, %dma_wait3A_106] : memref<10000x128xf32, #tpu.memory_space<hbm>> -> memref<10000x128xf32, #tpu.memory_space<hbm>>
      tpu.wait_indirect_dma semaphore(%arg12 : memref<!tpu.dma_semaphore, #tpu.memory_space<semaphore_mem>>) src(%dma_wait3A_107 : memref<10000x128xf32, #tpu.memory_space<hbm>>) dst(%dma_wait3A_101 : memref<80x128xf32, #tpu.memory_space<vmem>>)
      %run_scoped3A_108 = arith.constant 1 : i32
      "tpu.region"() ({
        %run_scoped3A_133 = tpu.sem_alloc : memref<!tpu.dma_semaphore, #tpu.memory_space<semaphore_mem>>
        %dma_start3A_134 = arith.constant 0 : i32
        %dma_start3A_135 = arith.constant 0 : i32
        %dma_start3A_136 = tpu.memref_slice %arg9[%run_scoped3A_108, %dma_start3A_134, %dma_start3A_135] : memref<3x80x128xf32, #tpu.memory_space<vmem>> -> memref<1x80x128xf32, #tpu.memory_space<vmem>>
        %dma_start3A_137 = tpu.memref_squeeze %dma_start3A_136 : memref<1x80x128xf32, #tpu.memory_space<vmem>> -> memref<80x128xf32, #tpu.memory_space<vmem>>
        %dma_start3A_138 = arith.constant 0 : i32
        %dma_start3A_139 = tpu.memref_slice %arg8[%add3A_96, %dma_start3A_138] : memref<125x80xi32, #tpu.memory_space<vmem>> -> memref<1x80xi32, #tpu.memory_space<vmem>>
        %dma_start3A_140 = tpu.memref_squeeze %dma_start3A_139 : memref<1x80xi32, #tpu.memory_space<vmem>> -> memref<80xi32, #tpu.memory_space<vmem>>
        %dma_start3A_141 = arith.constant 0 : i32
        %dma_start3A_142 = arith.constant 0 : i32
        %dma_start3A_143 = tpu.memref_slice %arg10[%dma_start3A_141, %dma_start3A_142] : memref<10000x128xf32, #tpu.memory_space<vmem_shared>> -> memref<10000x128xf32, #tpu.memory_space<vmem_shared>>
        tpu.enqueue_indirect_dma source(%dma_start3A_137 : memref<80x128xf32, #tpu.memory_space<vmem>>) target(%dma_start3A_143 : memref<10000x128xf32, #tpu.memory_space<vmem_shared>>) offsets(%dma_start3A_140 : memref<80xi32, #tpu.memory_space<vmem>>) semaphore(%run_scoped3A_133 : memref<!tpu.dma_semaphore, #tpu.memory_space<semaphore_mem>>) {add = true}
        %dma_wait3A_144 = arith.constant 0 : i32
        %dma_wait3A_145 = arith.constant 0 : i32
        %dma_wait3A_146 = tpu.memref_slice %arg9[%run_scoped3A_108, %dma_wait3A_144, %dma_wait3A_145] : memref<3x80x128xf32, #tpu.memory_space<vmem>> -> memref<1x80x128xf32, #tpu.memory_space<vmem>>
        %dma_wait3A_147 = tpu.memref_squeeze %dma_wait3A_146 : memref<1x80x128xf32, #tpu.memory_space<vmem>> -> memref<80x128xf32, #tpu.memory_space<vmem>>
        %dma_wait3A_148 = arith.constant 0 : i32
        %dma_wait3A_149 = tpu.memref_slice %arg8[%add3A_96, %dma_wait3A_148] : memref<125x80xi32, #tpu.memory_space<vmem>> -> memref<1x80xi32, #tpu.memory_space<vmem>>
        %dma_wait3A_150 = tpu.memref_squeeze %dma_wait3A_149 : memref<1x80xi32, #tpu.memory_space<vmem>> -> memref<80xi32, #tpu.memory_space<vmem>>
        %dma_wait3A_151 = arith.constant 0 : i32
        %dma_wait3A_152 = arith.constant 0 : i32
        %dma_wait3A_153 = tpu.memref_slice %arg10[%dma_wait3A_151, %dma_wait3A_152] : memref<10000x128xf32, #tpu.memory_space<vmem_shared>> -> memref<10000x128xf32, #tpu.memory_space<vmem_shared>>
        tpu.wait_indirect_dma semaphore(%run_scoped3A_133 : memref<!tpu.dma_semaphore, #tpu.memory_space<semaphore_mem>>) src(%dma_wait3A_147 : memref<80x128xf32, #tpu.memory_space<vmem>>) dst(%dma_wait3A_153 : memref<10000x128xf32, #tpu.memory_space<vmem_shared>>)
        tpu.yield
      }) : () -> ()
      %lt3A_109 = arith.constant 121 : i32
      %lt3A_110 = arith.cmpi slt, %add3A_75, %lt3A_109 : i32
      %convert_element_type3A_111 = arith.extui %lt3A_110 : i1 to i32
      %cond3A_112 = arith.constant 0 : i32
      %cond3A_113 = arith.cmpi ne, %convert_element_type3A_111, %cond3A_112 : i32
      scf.if %cond3A_113 {
        %add3A_133 = arith.constant 3 : i32
        %add3A_134 = arith.addi %add3A_96, %add3A_133 : i32
        %dma_start3A_135 = arith.constant 1 : i32
        %dma_start3A_136 = arith.constant 0 : i32
        %dma_start3A_137 = arith.constant 0 : i32
        %dma_start3A_138 = tpu.memref_slice %arg9[%dma_start3A_135, %dma_start3A_136, %dma_start3A_137] : memref<3x80x128xf32, #tpu.memory_space<vmem>> -> memref<1x80x128xf32, #tpu.memory_space<vmem>>
        %dma_start3A_139 = tpu.memref_squeeze %dma_start3A_138 : memref<1x80x128xf32, #tpu.memory_space<vmem>> -> memref<80x128xf32, #tpu.memory_space<vmem>>
        %dma_start3A_140 = arith.constant 0 : i32
        %dma_start3A_141 = tpu.memref_slice %arg7[%add3A_134, %dma_start3A_140] : memref<125x80xi32, #tpu.memory_space<vmem>> -> memref<1x80xi32, #tpu.memory_space<vmem>>
        %dma_start3A_142 = tpu.memref_squeeze %dma_start3A_141 : memref<1x80xi32, #tpu.memory_space<vmem>> -> memref<80xi32, #tpu.memory_space<vmem>>
        %dma_start3A_143 = arith.constant 0 : i32
        %dma_start3A_144 = arith.constant 0 : i32
        %dma_start3A_145 = tpu.memref_slice %arg2[%dma_start3A_143, %dma_start3A_144] : memref<10000x128xf32, #tpu.memory_space<hbm>> -> memref<10000x128xf32, #tpu.memory_space<hbm>>
        tpu.enqueue_indirect_dma source(%dma_start3A_145 : memref<10000x128xf32, #tpu.memory_space<hbm>>) target(%dma_start3A_139 : memref<80x128xf32, #tpu.memory_space<vmem>>) offsets(%dma_start3A_142 : memref<80xi32, #tpu.memory_space<vmem>>) semaphore(%arg12 : memref<!tpu.dma_semaphore, #tpu.memory_space<semaphore_mem>>)
      } else {
      }
      %add3A_114 = arith.constant 2 : i32
      %add3A_115 = arith.addi %add3A_75, %add3A_114 : i32
      %dma_wait3A_116 = arith.constant 2 : i32
      %dma_wait3A_117 = arith.constant 0 : i32
      %dma_wait3A_118 = arith.constant 0 : i32
      %dma_wait3A_119 = tpu.memref_slice %arg9[%dma_wait3A_116, %dma_wait3A_117, %dma_wait3A_118] : memref<3x80x128xf32, #tpu.memory_space<vmem>> -> memref<1x80x128xf32, #tpu.memory_space<vmem>>
      %dma_wait3A_120 = tpu.memref_squeeze %dma_wait3A_119 : memref<1x80x128xf32, #tpu.memory_space<vmem>> -> memref<80x128xf32, #tpu.memory_space<vmem>>
      %dma_wait3A_121 = arith.constant 0 : i32
      %dma_wait3A_122 = tpu.memref_slice %arg7[%add3A_115, %dma_wait3A_121] : memref<125x80xi32, #tpu.memory_space<vmem>> -> memref<1x80xi32, #tpu.memory_space<vmem>>
      %dma_wait3A_123 = tpu.memref_squeeze %dma_wait3A_122 : memref<1x80xi32, #tpu.memory_space<vmem>> -> memref<80xi32, #tpu.memory_space<vmem>>
      %dma_wait3A_124 = arith.constant 0 : i32
      %dma_wait3A_125 = arith.constant 0 : i32
      %dma_wait3A_126 = tpu.memref_slice %arg2[%dma_wait3A_124, %dma_wait3A_125] : memref<10000x128xf32, #tpu.memory_space<hbm>> -> memref<10000x128xf32, #tpu.memory_space<hbm>>
      tpu.wait_indirect_dma semaphore(%arg13 : memref<!tpu.dma_semaphore, #tpu.memory_space<semaphore_mem>>) src(%dma_wait3A_126 : memref<10000x128xf32, #tpu.memory_space<hbm>>) dst(%dma_wait3A_120 : memref<80x128xf32, #tpu.memory_space<vmem>>)
      %run_scoped3A_127 = arith.constant 2 : i32
      "tpu.region"() ({
        %run_scoped3A_133 = tpu.sem_alloc : memref<!tpu.dma_semaphore, #tpu.memory_space<semaphore_mem>>
        %dma_start3A_134 = arith.constant 0 : i32
        %dma_start3A_135 = arith.constant 0 : i32
        %dma_start3A_136 = tpu.memref_slice %arg9[%run_scoped3A_127, %dma_start3A_134, %dma_start3A_135] : memref<3x80x128xf32, #tpu.memory_space<vmem>> -> memref<1x80x128xf32, #tpu.memory_space<vmem>>
        %dma_start3A_137 = tpu.memref_squeeze %dma_start3A_136 : memref<1x80x128xf32, #tpu.memory_space<vmem>> -> memref<80x128xf32, #tpu.memory_space<vmem>>
        %dma_start3A_138 = arith.constant 0 : i32
        %dma_start3A_139 = tpu.memref_slice %arg8[%add3A_115, %dma_start3A_138] : memref<125x80xi32, #tpu.memory_space<vmem>> -> memref<1x80xi32, #tpu.memory_space<vmem>>
        %dma_start3A_140 = tpu.memref_squeeze %dma_start3A_139 : memref<1x80xi32, #tpu.memory_space<vmem>> -> memref<80xi32, #tpu.memory_space<vmem>>
        %dma_start3A_141 = arith.constant 0 : i32
        %dma_start3A_142 = arith.constant 0 : i32
        %dma_start3A_143 = tpu.memref_slice %arg10[%dma_start3A_141, %dma_start3A_142] : memref<10000x128xf32, #tpu.memory_space<vmem_shared>> -> memref<10000x128xf32, #tpu.memory_space<vmem_shared>>
        tpu.enqueue_indirect_dma source(%dma_start3A_137 : memref<80x128xf32, #tpu.memory_space<vmem>>) target(%dma_start3A_143 : memref<10000x128xf32, #tpu.memory_space<vmem_shared>>) offsets(%dma_start3A_140 : memref<80xi32, #tpu.memory_space<vmem>>) semaphore(%run_scoped3A_133 : memref<!tpu.dma_semaphore, #tpu.memory_space<semaphore_mem>>) {add = true}
        %dma_wait3A_144 = arith.constant 0 : i32
        %dma_wait3A_145 = arith.constant 0 : i32
        %dma_wait3A_146 = tpu.memref_slice %arg9[%run_scoped3A_127, %dma_wait3A_144, %dma_wait3A_145] : memref<3x80x128xf32, #tpu.memory_space<vmem>> -> memref<1x80x128xf32, #tpu.memory_space<vmem>>
        %dma_wait3A_147 = tpu.memref_squeeze %dma_wait3A_146 : memref<1x80x128xf32, #tpu.memory_space<vmem>> -> memref<80x128xf32, #tpu.memory_space<vmem>>
        %dma_wait3A_148 = arith.constant 0 : i32
        %dma_wait3A_149 = tpu.memref_slice %arg8[%add3A_115, %dma_wait3A_148] : memref<125x80xi32, #tpu.memory_space<vmem>> -> memref<1x80xi32, #tpu.memory_space<vmem>>
        %dma_wait3A_150 = tpu.memref_squeeze %dma_wait3A_149 : memref<1x80xi32, #tpu.memory_space<vmem>> -> memref<80xi32, #tpu.memory_space<vmem>>
        %dma_wait3A_151 = arith.constant 0 : i32
        %dma_wait3A_152 = arith.constant 0 : i32
        %dma_wait3A_153 = tpu.memref_slice %arg10[%dma_wait3A_151, %dma_wait3A_152] : memref<10000x128xf32, #tpu.memory_space<vmem_shared>> -> memref<10000x128xf32, #tpu.memory_space<vmem_shared>>
        tpu.wait_indirect_dma semaphore(%run_scoped3A_133 : memref<!tpu.dma_semaphore, #tpu.memory_space<semaphore_mem>>) src(%dma_wait3A_147 : memref<80x128xf32, #tpu.memory_space<vmem>>) dst(%dma_wait3A_153 : memref<10000x128xf32, #tpu.memory_space<vmem_shared>>)
        tpu.yield
      }) : () -> ()
      %lt3A_128 = arith.constant 120 : i32
      %lt3A_129 = arith.cmpi slt, %add3A_75, %lt3A_128 : i32
      %convert_element_type3A_130 = arith.extui %lt3A_129 : i1 to i32
      %cond3A_131 = arith.constant 0 : i32
      %cond3A_132 = arith.cmpi ne, %convert_element_type3A_130, %cond3A_131 : i32
      scf.if %cond3A_132 {
        %add3A_133 = arith.constant 3 : i32
        %add3A_134 = arith.addi %add3A_115, %add3A_133 : i32
        %dma_start3A_135 = arith.constant 2 : i32
        %dma_start3A_136 = arith.constant 0 : i32
        %dma_start3A_137 = arith.constant 0 : i32
        %dma_start3A_138 = tpu.memref_slice %arg9[%dma_start3A_135, %dma_start3A_136, %dma_start3A_137] : memref<3x80x128xf32, #tpu.memory_space<vmem>> -> memref<1x80x128xf32, #tpu.memory_space<vmem>>
        %dma_start3A_139 = tpu.memref_squeeze %dma_start3A_138 : memref<1x80x128xf32, #tpu.memory_space<vmem>> -> memref<80x128xf32, #tpu.memory_space<vmem>>
        %dma_start3A_140 = arith.constant 0 : i32
        %dma_start3A_141 = tpu.memref_slice %arg7[%add3A_134, %dma_start3A_140] : memref<125x80xi32, #tpu.memory_space<vmem>> -> memref<1x80xi32, #tpu.memory_space<vmem>>
        %dma_start3A_142 = tpu.memref_squeeze %dma_start3A_141 : memref<1x80xi32, #tpu.memory_space<vmem>> -> memref<80xi32, #tpu.memory_space<vmem>>
        %dma_start3A_143 = arith.constant 0 : i32
        %dma_start3A_144 = arith.constant 0 : i32
        %dma_start3A_145 = tpu.memref_slice %arg2[%dma_start3A_143, %dma_start3A_144] : memref<10000x128xf32, #tpu.memory_space<hbm>> -> memref<10000x128xf32, #tpu.memory_space<hbm>>
        tpu.enqueue_indirect_dma source(%dma_start3A_145 : memref<10000x128xf32, #tpu.memory_space<hbm>>) target(%dma_start3A_139 : memref<80x128xf32, #tpu.memory_space<vmem>>) offsets(%dma_start3A_142 : memref<80xi32, #tpu.memory_space<vmem>>) semaphore(%arg13 : memref<!tpu.dma_semaphore, #tpu.memory_space<semaphore_mem>>)
      } else {
      }
    }
    %scan3A_40 = arith.constant 41 : i32
    %dma_wait3A = arith.constant 123 : i32
    %dma_wait3A_41 = arith.constant 0 : i32
    %dma_wait3A_42 = arith.constant 0 : i32
    %dma_wait3A_43 = arith.constant 0 : i32
    %dma_wait3A_44 = tpu.memref_slice %arg9[%dma_wait3A_41, %dma_wait3A_42, %dma_wait3A_43] : memref<3x80x128xf32, #tpu.memory_space<vmem>> -> memref<1x80x128xf32, #tpu.memory_space<vmem>>
    %dma_wait3A_45 = tpu.memref_squeeze %dma_wait3A_44 : memref<1x80x128xf32, #tpu.memory_space<vmem>> -> memref<80x128xf32, #tpu.memory_space<vmem>>
    %dma_wait3A_46 = arith.constant 0 : i32
    %dma_wait3A_47 = tpu.memref_slice %arg7[%dma_wait3A, %dma_wait3A_46] : memref<125x80xi32, #tpu.memory_space<vmem>> -> memref<1x80xi32, #tpu.memory_space<vmem>>
    %dma_wait3A_48 = tpu.memref_squeeze %dma_wait3A_47 : memref<1x80xi32, #tpu.memory_space<vmem>> -> memref<80xi32, #tpu.memory_space<vmem>>
    %dma_wait3A_49 = arith.constant 0 : i32
    %dma_wait3A_50 = arith.constant 0 : i32
    %dma_wait3A_51 = tpu.memref_slice %arg2[%dma_wait3A_49, %dma_wait3A_50] : memref<10000x128xf32, #tpu.memory_space<hbm>> -> memref<10000x128xf32, #tpu.memory_space<hbm>>
    tpu.wait_indirect_dma semaphore(%arg11 : memref<!tpu.dma_semaphore, #tpu.memory_space<semaphore_mem>>) src(%dma_wait3A_51 : memref<10000x128xf32, #tpu.memory_space<hbm>>) dst(%dma_wait3A_45 : memref<80x128xf32, #tpu.memory_space<vmem>>)
    %run_scoped3A = arith.constant 0 : i32
    %run_scoped3A_52 = arith.constant 123 : i32
    "tpu.region"() ({
      %run_scoped3A_73 = tpu.sem_alloc : memref<!tpu.dma_semaphore, #tpu.memory_space<semaphore_mem>>
      %dma_start3A_74 = arith.constant 0 : i32
      %dma_start3A_75 = arith.constant 0 : i32
      %dma_start3A_76 = tpu.memref_slice %arg9[%run_scoped3A, %dma_start3A_74, %dma_start3A_75] : memref<3x80x128xf32, #tpu.memory_space<vmem>> -> memref<1x80x128xf32, #tpu.memory_space<vmem>>
      %dma_start3A_77 = tpu.memref_squeeze %dma_start3A_76 : memref<1x80x128xf32, #tpu.memory_space<vmem>> -> memref<80x128xf32, #tpu.memory_space<vmem>>
      %dma_start3A_78 = arith.constant 0 : i32
      %dma_start3A_79 = tpu.memref_slice %arg8[%run_scoped3A_52, %dma_start3A_78] : memref<125x80xi32, #tpu.memory_space<vmem>> -> memref<1x80xi32, #tpu.memory_space<vmem>>
      %dma_start3A_80 = tpu.memref_squeeze %dma_start3A_79 : memref<1x80xi32, #tpu.memory_space<vmem>> -> memref<80xi32, #tpu.memory_space<vmem>>
      %dma_start3A_81 = arith.constant 0 : i32
      %dma_start3A_82 = arith.constant 0 : i32
      %dma_start3A_83 = tpu.memref_slice %arg10[%dma_start3A_81, %dma_start3A_82] : memref<10000x128xf32, #tpu.memory_space<vmem_shared>> -> memref<10000x128xf32, #tpu.memory_space<vmem_shared>>
      tpu.enqueue_indirect_dma source(%dma_start3A_77 : memref<80x128xf32, #tpu.memory_space<vmem>>) target(%dma_start3A_83 : memref<10000x128xf32, #tpu.memory_space<vmem_shared>>) offsets(%dma_start3A_80 : memref<80xi32, #tpu.memory_space<vmem>>) semaphore(%run_scoped3A_73 : memref<!tpu.dma_semaphore, #tpu.memory_space<semaphore_mem>>) {add = true}
      %dma_wait3A_84 = arith.constant 0 : i32
      %dma_wait3A_85 = arith.constant 0 : i32
      %dma_wait3A_86 = tpu.memref_slice %arg9[%run_scoped3A, %dma_wait3A_84, %dma_wait3A_85] : memref<3x80x128xf32, #tpu.memory_space<vmem>> -> memref<1x80x128xf32, #tpu.memory_space<vmem>>
      %dma_wait3A_87 = tpu.memref_squeeze %dma_wait3A_86 : memref<1x80x128xf32, #tpu.memory_space<vmem>> -> memref<80x128xf32, #tpu.memory_space<vmem>>
      %dma_wait3A_88 = arith.constant 0 : i32
      %dma_wait3A_89 = tpu.memref_slice %arg8[%run_scoped3A_52, %dma_wait3A_88] : memref<125x80xi32, #tpu.memory_space<vmem>> -> memref<1x80xi32, #tpu.memory_space<vmem>>
      %dma_wait3A_90 = tpu.memref_squeeze %dma_wait3A_89 : memref<1x80xi32, #tpu.memory_space<vmem>> -> memref<80xi32, #tpu.memory_space<vmem>>
      %dma_wait3A_91 = arith.constant 0 : i32
      %dma_wait3A_92 = arith.constant 0 : i32
      %dma_wait3A_93 = tpu.memref_slice %arg10[%dma_wait3A_91, %dma_wait3A_92] : memref<10000x128xf32, #tpu.memory_space<vmem_shared>> -> memref<10000x128xf32, #tpu.memory_space<vmem_shared>>
      tpu.wait_indirect_dma semaphore(%run_scoped3A_73 : memref<!tpu.dma_semaphore, #tpu.memory_space<semaphore_mem>>) src(%dma_wait3A_87 : memref<80x128xf32, #tpu.memory_space<vmem>>) dst(%dma_wait3A_93 : memref<10000x128xf32, #tpu.memory_space<vmem_shared>>)
      tpu.yield
    }) : () -> ()
    %dma_wait3A_53 = arith.constant 124 : i32
    %dma_wait3A_54 = arith.constant 1 : i32
    %dma_wait3A_55 = arith.constant 0 : i32
    %dma_wait3A_56 = arith.constant 0 : i32
    %dma_wait3A_57 = tpu.memref_slice %arg9[%dma_wait3A_54, %dma_wait3A_55, %dma_wait3A_56] : memref<3x80x128xf32, #tpu.memory_space<vmem>> -> memref<1x80x128xf32, #tpu.memory_space<vmem>>
    %dma_wait3A_58 = tpu.memref_squeeze %dma_wait3A_57 : memref<1x80x128xf32, #tpu.memory_space<vmem>> -> memref<80x128xf32, #tpu.memory_space<vmem>>
    %dma_wait3A_59 = arith.constant 0 : i32
    %dma_wait3A_60 = tpu.memref_slice %arg7[%dma_wait3A_53, %dma_wait3A_59] : memref<125x80xi32, #tpu.memory_space<vmem>> -> memref<1x80xi32, #tpu.memory_space<vmem>>
    %dma_wait3A_61 = tpu.memref_squeeze %dma_wait3A_60 : memref<1x80xi32, #tpu.memory_space<vmem>> -> memref<80xi32, #tpu.memory_space<vmem>>
    %dma_wait3A_62 = arith.constant 0 : i32
    %dma_wait3A_63 = arith.constant 0 : i32
    %dma_wait3A_64 = tpu.memref_slice %arg2[%dma_wait3A_62, %dma_wait3A_63] : memref<10000x128xf32, #tpu.memory_space<hbm>> -> memref<10000x128xf32, #tpu.memory_space<hbm>>
    tpu.wait_indirect_dma semaphore(%arg12 : memref<!tpu.dma_semaphore, #tpu.memory_space<semaphore_mem>>) src(%dma_wait3A_64 : memref<10000x128xf32, #tpu.memory_space<hbm>>) dst(%dma_wait3A_58 : memref<80x128xf32, #tpu.memory_space<vmem>>)
    %run_scoped3A_65 = arith.constant 1 : i32
    %run_scoped3A_66 = arith.constant 124 : i32
    "tpu.region"() ({
      %run_scoped3A_73 = tpu.sem_alloc : memref<!tpu.dma_semaphore, #tpu.memory_space<semaphore_mem>>
      %dma_start3A_74 = arith.constant 0 : i32
      %dma_start3A_75 = arith.constant 0 : i32
      %dma_start3A_76 = tpu.memref_slice %arg9[%run_scoped3A_65, %dma_start3A_74, %dma_start3A_75] : memref<3x80x128xf32, #tpu.memory_space<vmem>> -> memref<1x80x128xf32, #tpu.memory_space<vmem>>
      %dma_start3A_77 = tpu.memref_squeeze %dma_start3A_76 : memref<1x80x128xf32, #tpu.memory_space<vmem>> -> memref<80x128xf32, #tpu.memory_space<vmem>>
      %dma_start3A_78 = arith.constant 0 : i32
      %dma_start3A_79 = tpu.memref_slice %arg8[%run_scoped3A_66, %dma_start3A_78] : memref<125x80xi32, #tpu.memory_space<vmem>> -> memref<1x80xi32, #tpu.memory_space<vmem>>
      %dma_start3A_80 = tpu.memref_squeeze %dma_start3A_79 : memref<1x80xi32, #tpu.memory_space<vmem>> -> memref<80xi32, #tpu.memory_space<vmem>>
      %dma_start3A_81 = arith.constant 0 : i32
      %dma_start3A_82 = arith.constant 0 : i32
      %dma_start3A_83 = tpu.memref_slice %arg10[%dma_start3A_81, %dma_start3A_82] : memref<10000x128xf32, #tpu.memory_space<vmem_shared>> -> memref<10000x128xf32, #tpu.memory_space<vmem_shared>>
      tpu.enqueue_indirect_dma source(%dma_start3A_77 : memref<80x128xf32, #tpu.memory_space<vmem>>) target(%dma_start3A_83 : memref<10000x128xf32, #tpu.memory_space<vmem_shared>>) offsets(%dma_start3A_80 : memref<80xi32, #tpu.memory_space<vmem>>) semaphore(%run_scoped3A_73 : memref<!tpu.dma_semaphore, #tpu.memory_space<semaphore_mem>>) {add = true}
      %dma_wait3A_84 = arith.constant 0 : i32
      %dma_wait3A_85 = arith.constant 0 : i32
      %dma_wait3A_86 = tpu.memref_slice %arg9[%run_scoped3A_65, %dma_wait3A_84, %dma_wait3A_85] : memref<3x80x128xf32, #tpu.memory_space<vmem>> -> memref<1x80x128xf32, #tpu.memory_space<vmem>>
      %dma_wait3A_87 = tpu.memref_squeeze %dma_wait3A_86 : memref<1x80x128xf32, #tpu.memory_space<vmem>> -> memref<80x128xf32, #tpu.memory_space<vmem>>
      %dma_wait3A_88 = arith.constant 0 : i32
      %dma_wait3A_89 = tpu.memref_slice %arg8[%run_scoped3A_66, %dma_wait3A_88] : memref<125x80xi32, #tpu.memory_space<vmem>> -> memref<1x80xi32, #tpu.memory_space<vmem>>
      %dma_wait3A_90 = tpu.memref_squeeze %dma_wait3A_89 : memref<1x80xi32, #tpu.memory_space<vmem>> -> memref<80xi32, #tpu.memory_space<vmem>>
      %dma_wait3A_91 = arith.constant 0 : i32
      %dma_wait3A_92 = arith.constant 0 : i32
      %dma_wait3A_93 = tpu.memref_slice %arg10[%dma_wait3A_91, %dma_wait3A_92] : memref<10000x128xf32, #tpu.memory_space<vmem_shared>> -> memref<10000x128xf32, #tpu.memory_space<vmem_shared>>
      tpu.wait_indirect_dma semaphore(%run_scoped3A_73 : memref<!tpu.dma_semaphore, #tpu.memory_space<semaphore_mem>>) src(%dma_wait3A_87 : memref<80x128xf32, #tpu.memory_space<vmem>>) dst(%dma_wait3A_93 : memref<10000x128xf32, #tpu.memory_space<vmem_shared>>)
      tpu.yield
    }) : () -> ()
    %barrier3A_67 = arith.constant 0 : index
    tpu.barrier barrier_id(%barrier3A_67)
    %lt3A_68 = arith.constant 10 : i32
    %lt3A_69 = arith.cmpi slt, %arg1, %lt3A_68 : i32
    %convert_element_type3A_70 = arith.extui %lt3A_69 : i1 to i32
    %cond3A_71 = arith.constant 0 : i32
    %cond3A_72 = arith.cmpi ne, %convert_element_type3A_70, %cond3A_71 : i32
    scf.if %cond3A_72 {
      %mul3A = arith.constant 1000 : i32
      %mul3A_73 = arith.muli %arg1, %mul3A : i32
      %mul3A_74 = arith.constant 1000 : i32
      %mul3A_75 = arith.muli %arg1, %mul3A_74 : i32
      "tpu.region"() ({
        %run_scoped3A_76 = tpu.sem_alloc : memref<!tpu.dma_semaphore, #tpu.memory_space<semaphore_mem>>
        %dma_start3A_77 = arith.constant 0 : i32
        %dma_start3A_78 = tpu.memref_slice %arg6[%arg0, %mul3A_75, %dma_start3A_77] : memref<2x10000x128xf32, #tpu.memory_space<hbm>> -> memref<1x1000x128xf32, #tpu.memory_space<hbm>>
        %dma_start3A_79 = tpu.memref_squeeze %dma_start3A_78 : memref<1x1000x128xf32, #tpu.memory_space<hbm>> -> memref<1000x128xf32, #tpu.memory_space<hbm>>
        %dma_start3A_80 = arith.constant 0 : i32
        %dma_start3A_81 = tpu.memref_slice %arg10[%mul3A_73, %dma_start3A_80] : memref<10000x128xf32, #tpu.memory_space<vmem_shared>> -> memref<1000x128xf32, #tpu.memory_space<vmem_shared>>
        tpu.enqueue_dma source(%dma_start3A_81 : memref<1000x128xf32, #tpu.memory_space<vmem_shared>>) target(%dma_start3A_79 : memref<1000x128xf32, #tpu.memory_space<hbm>>) target_semaphore(%run_scoped3A_76 : memref<!tpu.dma_semaphore, #tpu.memory_space<semaphore_mem>>)
        %dma_wait3A_82 = arith.constant 0 : i32
        %dma_wait3A_83 = tpu.memref_slice %arg6[%arg0, %mul3A_75, %dma_wait3A_82] : memref<2x10000x128xf32, #tpu.memory_space<hbm>> -> memref<1x1000x128xf32, #tpu.memory_space<hbm>>
        %dma_wait3A_84 = tpu.memref_squeeze %dma_wait3A_83 : memref<1x1000x128xf32, #tpu.memory_space<hbm>> -> memref<1000x128xf32, #tpu.memory_space<hbm>>
        %dma_wait3A_85 = arith.constant 0 : i32
        %dma_wait3A_86 = tpu.memref_slice %arg10[%mul3A_73, %dma_wait3A_85] : memref<10000x128xf32, #tpu.memory_space<vmem_shared>> -> memref<1000x128xf32, #tpu.memory_space<vmem_shared>>
        tpu.wait_dma2 semaphore(%run_scoped3A_76 : memref<!tpu.dma_semaphore, #tpu.memory_space<semaphore_mem>>) src(%dma_wait3A_86 : memref<1000x128xf32, #tpu.memory_space<vmem_shared>>) dst(%dma_wait3A_84 : memref<1000x128xf32, #tpu.memory_space<hbm>>)
        tpu.yield
      }) : () -> ()
    } else {
    }
    return
  }
}

module attributes {stable_mosaic.version = 14 : i64} {
  func.func @_emb_body(%arg0: i32, %arg1: memref<2000x57xf32, #tpu.memory_space<vmem>>, %arg2: memref<57x8xf32, #tpu.memory_space<vmem>>, %arg3: memref<8x128xf32, #tpu.memory_space<vmem>>, %arg4: memref<2000x128xf32, #tpu.memory_space<vmem>>) attributes {dimension_semantics = [#tpu.dimension_semantics<arbitrary>], iteration_bounds = array<i64: 5>, scalar_prefetch = 0 : i64, scratch_operands = 0 : i64, tpu.core_type = #tpu.core_type<tc>, window_params = [{transform_indices = @transform_0, window_bounds = array<i64: 2000, 57>}, {pipeline_mode = #tpu.pipeline_mode<synchronous>, transform_indices = @transform_1, window_bounds = array<i64: 57, 8>}, {pipeline_mode = #tpu.pipeline_mode<synchronous>, transform_indices = @transform_2, window_bounds = array<i64: 8, 128>}, {transform_indices = @transform_3, window_bounds = array<i64: 2000, 128>}]} {
    %get3A = arith.constant 0 : index
    %get3A_0 = arith.constant 0 : index
    %get3A_1 = vector.load %arg2[%get3A, %get3A_0] : memref<57x8xf32, #tpu.memory_space<vmem>>, vector<57x8xf32>
    %get3A_2 = arith.constant 0 : index
    %get3A_3 = arith.constant 0 : index
    %get3A_4 = vector.load %arg3[%get3A_2, %get3A_3] : memref<8x128xf32, #tpu.memory_space<vmem>>, vector<8x128xf32>
    %dot_general3A = arith.constant dense<0.000000e+00> : vector<57x128xf32>
    %dot_general3A_5 = tpu.matmul %get3A_1, %get3A_4, %dot_general3A {dimension_numbers = #tpu.dot_dimension_numbers<[1], [0], [0], [1], [0, 0, 1, 1], [], []>, transpose_lhs_hint = false} : vector<57x8xf32>, vector<8x128xf32>, vector<57x128xf32> -> vector<57x128xf32>
    %get3A_6 = arith.constant 0 : index
    %get3A_7 = arith.constant 0 : index
    %get3A_8 = vector.load %arg1[%get3A_6, %get3A_7] : memref<2000x57xf32, #tpu.memory_space<vmem>>, vector<2000x57xf32>
    %dot_general3A_9 = arith.constant dense<0.000000e+00> : vector<2000x128xf32>
    %dot_general3A_10 = tpu.matmul %get3A_8, %dot_general3A_5, %dot_general3A_9 {dimension_numbers = #tpu.dot_dimension_numbers<[1], [0], [0], [1], [0, 0, 1, 1], [], []>, transpose_lhs_hint = false} : vector<2000x57xf32>, vector<57x128xf32>, vector<2000x128xf32> -> vector<2000x128xf32>
    %swap3A = arith.constant 0 : index
    %swap3A_11 = arith.constant 0 : index
    %swap3A_12 = vector.load %arg4[%swap3A, %swap3A_11] : memref<2000x128xf32, #tpu.memory_space<vmem>>, vector<2000x128xf32>
    tpu.vector_store %arg4[%swap3A, %swap3A_11], %dot_general3A_10 {strides = array<i32>} : memref<2000x128xf32, #tpu.memory_space<vmem>>, vector<2000x128xf32>,
    return
  }
  func.func @transform_0(%arg0: i32) -> (i32, i32) {
    %c0_i32 = arith.constant 0 : i32
    %c0_i32_0 = arith.constant 0 : i32
    return %arg0, %c0_i32 : i32, i32
  }
  func.func @transform_1(%arg0: i32) -> (i32, i32) {
    %c0_i32 = arith.constant 0 : i32
    %c0_i32_0 = arith.constant 0 : i32
    %c0_i32_1 = arith.constant 0 : i32
    return %c0_i32, %c0_i32_0 : i32, i32
  }
  func.func @transform_2(%arg0: i32) -> (i32, i32) {
    %c0_i32 = arith.constant 0 : i32
    %c0_i32_0 = arith.constant 0 : i32
    %c0_i32_1 = arith.constant 0 : i32
    return %c0_i32, %c0_i32_0 : i32, i32
  }
  func.func @transform_3(%arg0: i32) -> (i32, i32) {
    %c0_i32 = arith.constant 0 : i32
    %c0_i32_0 = arith.constant 0 : i32
    return %arg0, %c0_i32 : i32, i32
  }
}

module attributes {stable_mosaic.version = 14 : i64} {
  func.func @_bias_relu_body(%arg0: i32, %arg1: memref<2x2000x128xf32, #tpu.memory_space<vmem>>, %arg2: memref<1x128xf32, #tpu.memory_space<vmem>>, %arg3: memref<2000x128xf32, #tpu.memory_space<vmem>>) attributes {dimension_semantics = [#tpu.dimension_semantics<arbitrary>], iteration_bounds = array<i64: 5>, scalar_prefetch = 0 : i64, scratch_operands = 0 : i64, tpu.core_type = #tpu.core_type<tc>, window_params = [{transform_indices = @transform_0, window_bounds = array<i64: 2, 2000, 128>}, {pipeline_mode = #tpu.pipeline_mode<synchronous>, transform_indices = @transform_1, window_bounds = array<i64: 1, 128>}, {transform_indices = @transform_2, window_bounds = array<i64: 2000, 128>}]} {
    %get3A = arith.constant 0 : index
    %get3A_0 = arith.constant 0 : index
    %get3A_1 = arith.constant 0 : index
    %get3A_2 = vector.load %arg1[%get3A, %get3A_0, %get3A_1] : memref<2x2000x128xf32, #tpu.memory_space<vmem>>, vector<1x2000x128xf32>
    %get3A_3 = vector.shape_cast %get3A_2 : vector<1x2000x128xf32> to vector<2000x128xf32>
    %get3A_4 = arith.constant 1 : index
    %get3A_5 = arith.constant 0 : index
    %get3A_6 = arith.constant 0 : index
    %get3A_7 = vector.load %arg1[%get3A_4, %get3A_5, %get3A_6] : memref<2x2000x128xf32, #tpu.memory_space<vmem>>, vector<1x2000x128xf32>
    %get3A_8 = vector.shape_cast %get3A_7 : vector<1x2000x128xf32> to vector<2000x128xf32>
    %add3A = arith.addf %get3A_3, %get3A_8 : vector<2000x128xf32>
    %get3A_9 = arith.constant 0 : index
    %get3A_10 = arith.constant 0 : index
    %get3A_11 = vector.load %arg2[%get3A_9, %get3A_10] : memref<1x128xf32, #tpu.memory_space<vmem>>, vector<1x128xf32>
    %add3A_12 = vector.broadcast %get3A_11 : vector<1x128xf32> to vector<2000x128xf32>
    %add3A_13 = arith.addf %add3A, %add3A_12 : vector<2000x128xf32>
    %max3A = arith.constant 0.000000e+00 : f32
    %max3A_14 = vector.broadcast %max3A : f32 to vector<2000x128xf32>
    %max3A_15 = arith.maximumf %add3A_13, %max3A_14 : vector<2000x128xf32>
    %swap3A = arith.constant 0 : index
    %swap3A_16 = arith.constant 0 : index
    %swap3A_17 = vector.load %arg3[%swap3A, %swap3A_16] : memref<2000x128xf32, #tpu.memory_space<vmem>>, vector<2000x128xf32>
    tpu.vector_store %arg3[%swap3A, %swap3A_16], %max3A_15 {strides = array<i32>} : memref<2000x128xf32, #tpu.memory_space<vmem>>, vector<2000x128xf32>,
    return
  }
  func.func @transform_0(%arg0: i32) -> (i32, i32, i32) {
    %c0_i32 = arith.constant 0 : i32
    %c0_i32_0 = arith.constant 0 : i32
    %c0_i32_1 = arith.constant 0 : i32
    return %c0_i32, %arg0, %c0_i32_0 : i32, i32, i32
  }
  func.func @transform_1(%arg0: i32) -> (i32, i32) {
    %c0_i32 = arith.constant 0 : i32
    %c0_i32_0 = arith.constant 0 : i32
    %c0_i32_1 = arith.constant 0 : i32
    return %c0_i32, %c0_i32_0 : i32, i32
  }
  func.func @transform_2(%arg0: i32) -> (i32, i32) {
    %c0_i32 = arith.constant 0 : i32
    %c0_i32_0 = arith.constant 0 : i32
    return %arg0, %c0_i32 : i32, i32
  }
}

module attributes {stable_mosaic.version = 14 : i64} {
  func.func @_mm_res_body(%arg0: i32, %arg1: memref<2x2000x128xf32, #tpu.memory_space<vmem>>, %arg2: memref<128x128xf32, #tpu.memory_space<vmem>>, %arg3: memref<1x128xf32, #tpu.memory_space<vmem>>, %arg4: memref<2000x128xf32, #tpu.memory_space<vmem>>, %arg5: memref<2000x128xf32, #tpu.memory_space<vmem>>) attributes {dimension_semantics = [#tpu.dimension_semantics<arbitrary>], iteration_bounds = array<i64: 5>, scalar_prefetch = 0 : i64, scratch_operands = 0 : i64, tpu.core_type = #tpu.core_type<tc>, window_params = [{transform_indices = @transform_0, window_bounds = array<i64: 2, 2000, 128>}, {pipeline_mode = #tpu.pipeline_mode<synchronous>, transform_indices = @transform_1, window_bounds = array<i64: 128, 128>}, {pipeline_mode = #tpu.pipeline_mode<synchronous>, transform_indices = @transform_2, window_bounds = array<i64: 1, 128>}, {transform_indices = @transform_3, window_bounds = array<i64: 2000, 128>}, {transform_indices = @transform_4, window_bounds = array<i64: 2000, 128>}]} {
    %get3A = arith.constant 0 : index
    %get3A_0 = arith.constant 0 : index
    %get3A_1 = arith.constant 0 : index
    %get3A_2 = vector.load %arg1[%get3A, %get3A_0, %get3A_1] : memref<2x2000x128xf32, #tpu.memory_space<vmem>>, vector<1x2000x128xf32>
    %get3A_3 = vector.shape_cast %get3A_2 : vector<1x2000x128xf32> to vector<2000x128xf32>
    %get3A_4 = arith.constant 1 : index
    %get3A_5 = arith.constant 0 : index
    %get3A_6 = arith.constant 0 : index
    %get3A_7 = vector.load %arg1[%get3A_4, %get3A_5, %get3A_6] : memref<2x2000x128xf32, #tpu.memory_space<vmem>>, vector<1x2000x128xf32>
    %get3A_8 = vector.shape_cast %get3A_7 : vector<1x2000x128xf32> to vector<2000x128xf32>
    %add3A = arith.addf %get3A_3, %get3A_8 : vector<2000x128xf32>
    %get3A_9 = arith.constant 0 : index
    %get3A_10 = arith.constant 0 : index
    %get3A_11 = vector.load %arg2[%get3A_9, %get3A_10] : memref<128x128xf32, #tpu.memory_space<vmem>>, vector<128x128xf32>
    %dot_general3A = arith.constant dense<0.000000e+00> : vector<2000x128xf32>
    %dot_general3A_12 = tpu.matmul %add3A, %get3A_11, %dot_general3A {dimension_numbers = #tpu.dot_dimension_numbers<[1], [0], [0], [1], [0, 0, 1, 1], [], []>, transpose_lhs_hint = false} : vector<2000x128xf32>, vector<128x128xf32>, vector<2000x128xf32> -> vector<2000x128xf32>
    %get3A_13 = arith.constant 0 : index
    %get3A_14 = arith.constant 0 : index
    %get3A_15 = vector.load %arg3[%get3A_13, %get3A_14] : memref<1x128xf32, #tpu.memory_space<vmem>>, vector<1x128xf32>
    %add3A_16 = vector.broadcast %get3A_15 : vector<1x128xf32> to vector<2000x128xf32>
    %add3A_17 = arith.addf %dot_general3A_12, %add3A_16 : vector<2000x128xf32>
    %max3A = arith.constant 0.000000e+00 : f32
    %max3A_18 = vector.broadcast %max3A : f32 to vector<2000x128xf32>
    %max3A_19 = arith.maximumf %add3A_17, %max3A_18 : vector<2000x128xf32>
    %get3A_20 = arith.constant 0 : index
    %get3A_21 = arith.constant 0 : index
    %get3A_22 = vector.load %arg4[%get3A_20, %get3A_21] : memref<2000x128xf32, #tpu.memory_space<vmem>>, vector<2000x128xf32>
    %add3A_23 = arith.addf %max3A_19, %get3A_22 : vector<2000x128xf32>
    %swap3A = arith.constant 0 : index
    %swap3A_24 = arith.constant 0 : index
    %swap3A_25 = vector.load %arg5[%swap3A, %swap3A_24] : memref<2000x128xf32, #tpu.memory_space<vmem>>, vector<2000x128xf32>
    tpu.vector_store %arg5[%swap3A, %swap3A_24], %add3A_23 {strides = array<i32>} : memref<2000x128xf32, #tpu.memory_space<vmem>>, vector<2000x128xf32>,
    return
  }
  func.func @transform_0(%arg0: i32) -> (i32, i32, i32) {
    %c0_i32 = arith.constant 0 : i32
    %c0_i32_0 = arith.constant 0 : i32
    %c0_i32_1 = arith.constant 0 : i32
    return %c0_i32, %arg0, %c0_i32_0 : i32, i32, i32
  }
  func.func @transform_1(%arg0: i32) -> (i32, i32) {
    %c0_i32 = arith.constant 0 : i32
    %c0_i32_0 = arith.constant 0 : i32
    %c0_i32_1 = arith.constant 0 : i32
    return %c0_i32, %c0_i32_0 : i32, i32
  }
  func.func @transform_2(%arg0: i32) -> (i32, i32) {
    %c0_i32 = arith.constant 0 : i32
    %c0_i32_0 = arith.constant 0 : i32
    %c0_i32_1 = arith.constant 0 : i32
    return %c0_i32, %c0_i32_0 : i32, i32
  }
  func.func @transform_3(%arg0: i32) -> (i32, i32) {
    %c0_i32 = arith.constant 0 : i32
    %c0_i32_0 = arith.constant 0 : i32
    return %arg0, %c0_i32 : i32, i32
  }
  func.func @transform_4(%arg0: i32) -> (i32, i32) {
    %c0_i32 = arith.constant 0 : i32
    %c0_i32_0 = arith.constant 0 : i32
    return %arg0, %c0_i32 : i32, i32
  }
}

module attributes {stable_mosaic.version = 14 : i64} {
  func.func @_final_body(%arg0: i32, %arg1: memref<2x2000x128xf32, #tpu.memory_space<vmem>>, %arg2: memref<128x128xf32, #tpu.memory_space<vmem>>, %arg3: memref<1x128xf32, #tpu.memory_space<vmem>>, %arg4: memref<2000x128xf32, #tpu.memory_space<vmem>>, %arg5: memref<1x1x2000xi32, #tpu.memory_space<vmem>>, %arg6: memref<128x64xf32, #tpu.memory_space<vmem>>, %arg7: memref<64x1xf32, #tpu.memory_space<vmem>>, %arg8: memref<1x1xf32, #tpu.memory_space<vmem>>, %arg9: memref<128x1xf32, #tpu.memory_space<vmem>>, %arg10: memref<128x128xf32, #tpu.memory_space<vmem>>) attributes {dimension_semantics = [#tpu.dimension_semantics<arbitrary>], iteration_bounds = array<i64: 5>, scalar_prefetch = 0 : i64, scratch_operands = 1 : i64, tpu.core_type = #tpu.core_type<tc>, window_params = [{transform_indices = @transform_0, window_bounds = array<i64: 2, 2000, 128>}, {pipeline_mode = #tpu.pipeline_mode<synchronous>, transform_indices = @transform_1, window_bounds = array<i64: 128, 128>}, {pipeline_mode = #tpu.pipeline_mode<synchronous>, transform_indices = @transform_2, window_bounds = array<i64: 1, 128>}, {transform_indices = @transform_3, window_bounds = array<i64: 2000, 128>}, {transform_indices = @transform_4, window_bounds = array<i64: 1, 1, 2000>}, {pipeline_mode = #tpu.pipeline_mode<synchronous>, transform_indices = @transform_5, window_bounds = array<i64: 128, 64>}, {pipeline_mode = #tpu.pipeline_mode<synchronous>, transform_indices = @transform_6, window_bounds = array<i64: 64, 1>}, {pipeline_mode = #tpu.pipeline_mode<synchronous>, transform_indices = @transform_7, window_bounds = array<i64: 1, 1>}, {pipeline_mode = #tpu.pipeline_mode<synchronous>, transform_indices = @transform_8, window_bounds = array<i64: 128, 1>}]} {
    %get3A = arith.constant 0 : index
    %get3A_0 = arith.constant 0 : index
    %get3A_1 = arith.constant 0 : index
    %get3A_2 = vector.load %arg1[%get3A, %get3A_0, %get3A_1] : memref<2x2000x128xf32, #tpu.memory_space<vmem>>, vector<1x2000x128xf32>
    %get3A_3 = vector.shape_cast %get3A_2 : vector<1x2000x128xf32> to vector<2000x128xf32>
    %get3A_4 = arith.constant 1 : index
    %get3A_5 = arith.constant 0 : index
    %get3A_6 = arith.constant 0 : index
    %get3A_7 = vector.load %arg1[%get3A_4, %get3A_5, %get3A_6] : memref<2x2000x128xf32, #tpu.memory_space<vmem>>, vector<1x2000x128xf32>
    %get3A_8 = vector.shape_cast %get3A_7 : vector<1x2000x128xf32> to vector<2000x128xf32>
    %add3A = arith.addf %get3A_3, %get3A_8 : vector<2000x128xf32>
    %get3A_9 = arith.constant 0 : index
    %get3A_10 = arith.constant 0 : index
    %get3A_11 = vector.load %arg2[%get3A_9, %get3A_10] : memref<128x128xf32, #tpu.memory_space<vmem>>, vector<128x128xf32>
    %dot_general3A = arith.constant dense<0.000000e+00> : vector<2000x128xf32>
    %dot_general3A_12 = tpu.matmul %add3A, %get3A_11, %dot_general3A {dimension_numbers = #tpu.dot_dimension_numbers<[1], [0], [0], [1], [0, 0, 1, 1], [], []>, transpose_lhs_hint = false} : vector<2000x128xf32>, vector<128x128xf32>, vector<2000x128xf32> -> vector<2000x128xf32>
    %get3A_13 = arith.constant 0 : index
    %get3A_14 = arith.constant 0 : index
    %get3A_15 = vector.load %arg3[%get3A_13, %get3A_14] : memref<1x128xf32, #tpu.memory_space<vmem>>, vector<1x128xf32>
    %add3A_16 = vector.broadcast %get3A_15 : vector<1x128xf32> to vector<2000x128xf32>
    %add3A_17 = arith.addf %dot_general3A_12, %add3A_16 : vector<2000x128xf32>
    %max3A = arith.constant 0.000000e+00 : f32
    %max3A_18 = vector.broadcast %max3A : f32 to vector<2000x128xf32>
    %max3A_19 = arith.maximumf %add3A_17, %max3A_18 : vector<2000x128xf32>
    %get3A_20 = arith.constant 0 : index
    %get3A_21 = arith.constant 0 : index
    %get3A_22 = vector.load %arg4[%get3A_20, %get3A_21] : memref<2000x128xf32, #tpu.memory_space<vmem>>, vector<2000x128xf32>
    %add3A_23 = arith.addf %max3A_19, %get3A_22 : vector<2000x128xf32>
    %get3A_24 = arith.constant 0 : index
    %get3A_25 = arith.constant 0 : index
    %get3A_26 = arith.constant 0 : index
    %get3A_27 = vector.load %arg5[%get3A_24, %get3A_25, %get3A_26] : memref<1x1x2000xi32, #tpu.memory_space<vmem>>, vector<1x1x2000xi32>
    %get3A_28 = vector.shape_cast %get3A_27 : vector<1x1x2000xi32> to vector<2000xi32>
    %broadcast_in_dim3A = vector.shape_cast %get3A_28 : vector<2000xi32> to vector<2000x1xi32>
    %iota3A = tpu.iota {dimensions = array<i32: 1>} : vector<2000x128xi32>
    %eq3A = vector.broadcast %broadcast_in_dim3A : vector<2000x1xi32> to vector<2000x128xi32>
    %eq3A_29 = arith.cmpi eq, %eq3A, %iota3A : vector<2000x128xi32>
    %convert_element_type3A = arith.extui %eq3A_29 : vector<2000x128xi1> to vector<2000x128xi32>
    %convert_element_type3A_30 = arith.sitofp %convert_element_type3A : vector<2000x128xi32> to vector<2000x128xf32>
    %dot_general3A_31 = arith.constant dense<0.000000e+00> : vector<128x128xf32>
    %dot_general3A_32 = tpu.matmul %convert_element_type3A_30, %add3A_23, %dot_general3A_31 {dimension_numbers = #tpu.dot_dimension_numbers<[0], [0], [1], [1], [0, 1, 1, 1], [], []>, transpose_lhs_hint = false} : vector<2000x128xf32>, vector<2000x128xf32>, vector<128x128xf32> -> vector<128x128xf32>
    %eq3A_33 = arith.constant 0 : i32
    %eq3A_34 = arith.cmpi eq, %arg0, %eq3A_33 : i32
    %convert_element_type3A_35 = arith.extui %eq3A_34 : i1 to i32
    %cond3A = arith.constant 0 : i32
    %cond3A_36 = arith.cmpi ne, %convert_element_type3A_35, %cond3A : i32
    scf.if %cond3A_36 {
      %broadcast_in_dim3A_48 = arith.constant 0.000000e+00 : f32
      %broadcast_in_dim3A_49 = vector.broadcast %broadcast_in_dim3A_48 : f32 to vector<128x128xf32>
      %swap3A_50 = arith.constant 0 : index
      %swap3A_51 = arith.constant 0 : index
      %swap3A_52 = vector.load %arg10[%swap3A_50, %swap3A_51] : memref<128x128xf32, #tpu.memory_space<vmem>>, vector<128x128xf32>
      tpu.vector_store %arg10[%swap3A_50, %swap3A_51], %broadcast_in_dim3A_49 {strides = array<i32>} : memref<128x128xf32, #tpu.memory_space<vmem>>, vector<128x128xf32>,
    } else {
    }
    %get3A_37 = arith.constant 0 : index
    %get3A_38 = arith.constant 0 : index
    %get3A_39 = vector.load %arg10[%get3A_37, %get3A_38] : memref<128x128xf32, #tpu.memory_space<vmem>>, vector<128x128xf32>
    %add3A_40 = arith.addf %get3A_39, %dot_general3A_32 : vector<128x128xf32>
    %swap3A = arith.constant 0 : index
    %swap3A_41 = arith.constant 0 : index
    %swap3A_42 = vector.load %arg10[%swap3A, %swap3A_41] : memref<128x128xf32, #tpu.memory_space<vmem>>, vector<128x128xf32>
    tpu.vector_store %arg10[%swap3A, %swap3A_41], %add3A_40 {strides = array<i32>} : memref<128x128xf32, #tpu.memory_space<vmem>>, vector<128x128xf32>,
    %eq3A_43 = arith.constant 4 : i32
    %eq3A_44 = arith.cmpi eq, %arg0, %eq3A_43 : i32
    %convert_element_type3A_45 = arith.extui %eq3A_44 : i1 to i32
    %cond3A_46 = arith.constant 0 : i32
    %cond3A_47 = arith.cmpi ne, %convert_element_type3A_45, %cond3A_46 : i32
    scf.if %cond3A_47 {
      %get3A_48 = arith.constant 0 : index
      %get3A_49 = arith.constant 0 : index
      %get3A_50 = vector.load %arg10[%get3A_48, %get3A_49] : memref<128x128xf32, #tpu.memory_space<vmem>>, vector<128x128xf32>
      %get3A_51 = arith.constant 0 : index
      %get3A_52 = arith.constant 0 : index
      %get3A_53 = vector.load %arg6[%get3A_51, %get3A_52] : memref<128x64xf32, #tpu.memory_space<vmem>>, vector<128x64xf32>
      %dot_general3A_54 = arith.constant dense<0.000000e+00> : vector<128x64xf32>
      %dot_general3A_55 = tpu.matmul %get3A_50, %get3A_53, %dot_general3A_54 {dimension_numbers = #tpu.dot_dimension_numbers<[1], [0], [0], [1], [0, 0, 1, 1], [], []>, transpose_lhs_hint = false} : vector<128x128xf32>, vector<128x64xf32>, vector<128x64xf32> -> vector<128x64xf32>
      %max3A_56 = arith.constant 0.000000e+00 : f32
      %max3A_57 = vector.broadcast %max3A_56 : f32 to vector<128x64xf32>
      %max3A_58 = arith.maximumf %dot_general3A_55, %max3A_57 : vector<128x64xf32>
      %get3A_59 = arith.constant 0 : index
      %get3A_60 = arith.constant 0 : index
      %get3A_61 = vector.load %arg7[%get3A_59, %get3A_60] : memref<64x1xf32, #tpu.memory_space<vmem>>, vector<64x1xf32>
      %dot_general3A_62 = arith.constant dense<0.000000e+00> : vector<128x1xf32>
      %dot_general3A_63 = tpu.matmul %max3A_58, %get3A_61, %dot_general3A_62 {dimension_numbers = #tpu.dot_dimension_numbers<[1], [0], [0], [1], [0, 0, 1, 1], [], []>, transpose_lhs_hint = false} : vector<128x64xf32>, vector<64x1xf32>, vector<128x1xf32> -> vector<128x1xf32>
      %get3A_64 = arith.constant 0 : index
      %get3A_65 = arith.constant 0 : index
      %get3A_66 = vector.load %arg8[%get3A_64, %get3A_65] : memref<1x1xf32, #tpu.memory_space<vmem>>, vector<1x1xf32>
      %add3A_67 = vector.broadcast %get3A_66 : vector<1x1xf32> to vector<128x1xf32>
      %add3A_68 = arith.addf %dot_general3A_63, %add3A_67 : vector<128x1xf32>
      %swap3A_69 = arith.constant 0 : index
      %swap3A_70 = arith.constant 0 : index
      %swap3A_71 = vector.load %arg9[%swap3A_69, %swap3A_70] : memref<128x1xf32, #tpu.memory_space<vmem>>, vector<128x1xf32>
      tpu.vector_store %arg9[%swap3A_69, %swap3A_70], %add3A_68 {strides = array<i32>} : memref<128x1xf32, #tpu.memory_space<vmem>>, vector<128x1xf32>,
    } else {
    }
    return
  }
  func.func @transform_0(%arg0: i32) -> (i32, i32, i32) {
    %c0_i32 = arith.constant 0 : i32
    %c0_i32_0 = arith.constant 0 : i32
    %c0_i32_1 = arith.constant 0 : i32
    return %c0_i32, %arg0, %c0_i32_0 : i32, i32, i32
  }
  func.func @transform_1(%arg0: i32) -> (i32, i32) {
    %c0_i32 = arith.constant 0 : i32
    %c0_i32_0 = arith.constant 0 : i32
    %c0_i32_1 = arith.constant 0 : i32
    return %c0_i32, %c0_i32_0 : i32, i32
  }
  func.func @transform_2(%arg0: i32) -> (i32, i32) {
    %c0_i32 = arith.constant 0 : i32
    %c0_i32_0 = arith.constant 0 : i32
    %c0_i32_1 = arith.constant 0 : i32
    return %c0_i32, %c0_i32_0 : i32, i32
  }
  func.func @transform_3(%arg0: i32) -> (i32, i32) {
    %c0_i32 = arith.constant 0 : i32
    %c0_i32_0 = arith.constant 0 : i32
    return %arg0, %c0_i32 : i32, i32
  }
  func.func @transform_4(%arg0: i32) -> (i32, i32, i32) {
    %c0_i32 = arith.constant 0 : i32
    %c0_i32_0 = arith.constant 0 : i32
    %c0_i32_1 = arith.constant 0 : i32
    return %arg0, %c0_i32, %c0_i32_0 : i32, i32, i32
  }
  func.func @transform_5(%arg0: i32) -> (i32, i32) {
    %c0_i32 = arith.constant 0 : i32
    %c0_i32_0 = arith.constant 0 : i32
    %c0_i32_1 = arith.constant 0 : i32
    return %c0_i32, %c0_i32_0 : i32, i32
  }
  func.func @transform_6(%arg0: i32) -> (i32, i32) {
    %c0_i32 = arith.constant 0 : i32
    %c0_i32_0 = arith.constant 0 : i32
    %c0_i32_1 = arith.constant 0 : i32
    return %c0_i32, %c0_i32_0 : i32, i32
  }
  func.func @transform_7(%arg0: i32) -> (i32, i32) {
    %c0_i32 = arith.constant 0 : i32
    %c0_i32_0 = arith.constant 0 : i32
    %c0_i32_1 = arith.constant 0 : i32
    return %c0_i32, %c0_i32_0 : i32, i32
  }
  func.func @transform_8(%arg0: i32) -> (i32, i32) {
    %c0_i32 = arith.constant 0 : i32
    %c0_i32_0 = arith.constant 0 : i32
    %c0_i32_1 = arith.constant 0 : i32
    return %c0_i32, %c0_i32_0 : i32, i32
  }
}

</mosaic_0001>

<sc_bundles>
// kernel: kernel.12.cloned.1.call-start
scs
__scs_entry_jumppad:
0x0: {  	(pc) =	sbr.rel $0x88, $3  }
0x1: {  	(tag) =	ssettag $0x0;
	lr =	simm.s32 $0x1  }
0x2: {  	[smem:$0x3F94] =	sst lr;
	_ =	strace $0xD0000000  }
0x3: {  	_ = 	snop  }
0x4: {  	_ = 	snop  }
0x5: {  	_ = 	snop  }
0x6: {  	_ = 	snop  }
0x7: {  	_ = 	snop  }
__scs_overlays_trampoline_lowered:
0x8: {  	[smem:$0x3FA3] =	sst s0  }
0x9: {  	[smem:$0x3FA4] =	sst s1  }
0xa: {  	[smem:$0x3FA5] =	sst s2  }
0xb: {  	[smem:$0x3FA6] =	sst s3  }
0xc: {  	[smem:$0x3FA7] =	sst s4  }
0xd: {  	[smem:$0x3FA8] =	sst s5  }
0xe: {  	[smem:$0x3FA9] =	sst s6  }
0xf: {  	[smem:$0x3FAA] =	sst s7  }
0x10: {  	[smem:$0x3FAB] =	sst s8  }
0x11: {  	[smem:$0x3FAC] =	sst s9;
	s0 =	simm.s32 @!p0 $0x0  }
0x12: {  	s1 =	sld [smem:$0x3F92];
	s0 =	simm.s32 @p0 $0x1  }
0x13: {  	[smem:$0x3FAD] =	sst s0;
	s0 =	simm.s32 @!p1 $0x0  }
0x14: {  	s2 =	sld [smem:$0x3F91];
	s0 =	simm.s32 @p1 $0x1  }
0x15: {  	[smem:$0x3FAE] =	sst s0;
	s0 =	simm.s32 @!p2 $0x0  }
0x16: {  	s3 =	sld [smem:$0x3FDB];
	s0 =	simm.s32 @p2 $0x1  }
0x17: {  	s4 =	simm.s32 $0x1BF5;
	[smem:$0x3FB0] =	sst s0  }
0x18: {  	s0 =	sld [smem:$0x3F93];
	_ =	swait.ge [sflag:s4], $0x0  }
0x19: {  	s7 =	sld [smem:$0x3F94]  }
0x1a: {  	s8 =	sadd.s32 $0xFFFFE003, lr  }
0x1b: {  	s9 =	sadd.s32 $0xFFFFFEF7, lr;
	s5 =	simm.s32 $0xFFFFFFFF;
	p2 =	slt.u32 s8, $0xFFFFF086  }
0x1c: {  	p1 =	slt.u32 s9, $0xF7A;
	s5 =	simm.s32 @!p2 $0x0  }
0x1d: {  	s5 =	simm.s32 @p1 $0x1;
	p0 =	seq.s32 s7, s2  }
0x1e: {  	s7 =	smul.u32 @!p0 $0xF7A, s2;
	p2 =	seq.s32 @!p0 s5, $0x0  }
0x1f: {  	s9 =	smul.u32 $0xF7A, s1;
	s8 =	simm.s32 @!p0 $0x1BF5;
	p2 =	por !p2, p0  }
0x20: {  	[sflag:s8] =	ssyncset.s32 @!p0 $0xFFFFF086;
	s6 =	sadd.s32 @!p0 s3, s7;
	s7 =	simm.s32 @!p0 $0x108  }
0x21: {  	s3 =	sadd.s32 s3, s9;
	s6 =	sadd.s32 @!p0 $0x88, s6;
	s7 =	simm.s32 @p2 $0x1082  }
0x22: {  	[simem:s7], [sflag:s8] =	dma.local @!p0 [hbm:s6], $0xF7A  }
0x23: {  	s9 =	sor.u32 $0xD0000000, s2;
	s6 =	simm.s32 $0x108;
	_ =	swait.ge @!p0 [sflag:s8], $0x0  }
0x24: {  	s3 =	sadd.s32 $0x88, s3;
	s6 =	simm.s32 @!p1 $0x1082;
	[sflag:s4] =	ssyncset.s32 $0xFFFFF086  }
0x25: {  	[simem:s6], [sflag:s4] =	dma.local [hbm:s3], $0xF7A  }
0x26: {  	[smem:$0x3F94] =	sst s1;
	(tag) =	ssettag s2;
	_ =	strace s9  }
0x27: {  	s1 =	sld [smem:$0x3FA4]  }
0x28: {  	s2 =	sld [smem:$0x3FA5]  }
0x29: {  	s4 =	sld [smem:$0x3FA7]  }
0x2a: {  	p0 =	seq.s32 s5, $0x0;
	s5 =	sld [smem:$0x3FA8]  }
0x2b: {  	s6 =	sld [smem:$0x3FA9]  }
0x2c: {  	s7 =	sld [smem:$0x3FAA]  }
0x2d: {  	s3 =	simm.s32 $0x108;
	s8 =	sld [smem:$0x3FAB]  }
0x2e: {  	s3 =	simm.s32 @!p0 $0x1082;
	s9 =	sld [smem:$0x3FAC]  }
0x2f: {  	lr =	sadd.s32 s0, s3;
	s0 =	sld [smem:$0x3FA3]  }
0x30: {  	s3 =	sld [smem:$0x3FA6]  }
0x31: {  	[smem:$0x3FAF] =	sst s10  }
0x32: {  	s10 =	sld [smem:$0x3FAD];
	_ =	sdelay $0x3  }
0x33: {  	p0 =	seq.s32 s10, $0x1;
	s10 =	sld [smem:$0x3FAF];
	_ =	sdelay $0x3  }
0x34: {  	[smem:$0x3FAF] =	sst s10  }
0x35: {  	s10 =	sld [smem:$0x3FAE];
	_ =	sdelay $0x3  }
0x36: {  	p1 =	seq.s32 s10, $0x1;
	s10 =	sld [smem:$0x3FAF];
	_ =	sdelay $0x3  }
0x37: {  	[smem:$0x3FAF] =	sst s10  }
0x38: {  	s10 =	sld [smem:$0x3FB0]  }
0x39: {  	_ = 	snop;
	(pc) =	sbr.ind lr, $3  }
0x3a: {  	_ = 	snop  }
0x3b: {  	_ = 	snop  }
0x3c: {  	p2 =	seq.s32 s10, $0x1;
	s10 =	sld [smem:$0x3FAF]  }
0x3d: {  	_ =	shalt  }
0x3e: {  	_ =	shalt  }
0x3f: {  	_ =	shalt  }
0x40: {  	_ =	shalt  }
0x41: {  	_ =	shalt  }
0x42: {  	_ =	shalt  }
0x43: {  	_ =	shalt  }
0x44: {  	_ =	shalt  }
0x45: {  	_ =	shalt  }
0x46: {  	_ =	shalt  }
0x47: {  	_ =	shalt  }
0x48: {  	_ =	shalt  }
0x49: {  	_ =	shalt  }
0x4a: {  	_ =	shalt  }
0x4b: {  	_ =	shalt  }
0x4c: {  	_ =	shalt  }
0x4d: {  	_ =	shalt  }
0x4e: {  	_ =	shalt  }
0x4f: {  	_ =	shalt  }
0x50: {  	_ =	shalt  }
0x51: {  	_ =	shalt  }
0x52: {  	_ =	shalt  }
0x53: {  	_ =	shalt  }
0x54: {  	_ =	shalt  }
0x55: {  	_ =	shalt  }
0x56: {  	_ =	shalt  }
0x57: {  	_ =	shalt  }
0x58: {  	_ =	shalt  }
0x59: {  	_ =	shalt  }
0x5a: {  	_ =	shalt  }
0x5b: {  	_ =	shalt  }
0x5c: {  	_ =	shalt  }
0x5d: {  	_ =	shalt  }
0x5e: {  	_ =	shalt  }
0x5f: {  	_ =	shalt  }
0x60: {  	_ =	shalt  }
0x61: {  	_ =	shalt  }
0x62: {  	_ =	shalt  }
0x63: {  	_ =	shalt  }
0x64: {  	_ =	shalt  }
0x65: {  	_ =	shalt  }
0x66: {  	_ =	shalt  }
0x67: {  	_ =	shalt  }
0x68: {  	_ =	shalt  }
0x69: {  	_ =	shalt  }
0x6a: {  	_ =	shalt  }
0x6b: {  	_ =	shalt  }
0x6c: {  	_ =	shalt  }
0x6d: {  	_ =	shalt  }
0x6e: {  	_ =	shalt  }
0x6f: {  	_ =	shalt  }
0x70: {  	_ =	shalt  }
0x71: {  	_ =	shalt  }
0x72: {  	_ =	shalt  }
0x73: {  	_ =	shalt  }
0x74: {  	_ =	shalt  }
0x75: {  	_ =	shalt  }
0x76: {  	_ =	shalt  }
0x77: {  	_ =	shalt  }
0x78: {  	_ =	shalt  }
0x79: {  	_ =	shalt  }
0x7a: {  	_ =	shalt  }
0x7b: {  	_ =	shalt  }
0x7c: {  	_ =	shalt  }
0x7d: {  	_ =	shalt  }
0x7e: {  	_ =	shalt  }
0x7f: {  	_ =	shalt  }
0x80: {  	_ =	shalt  }
0x81: {  	_ =	shalt  }
0x82: {  	_ =	shalt  }
0x83: {  	_ =	shalt  }
0x84: {  	_ =	shalt  }
0x85: {  	_ =	shalt  }
0x86: {  	_ =	shalt  }
0x87: {  	_ =	shalt  }
.Lfunc_end0:
.L_simem_size_0:
called_computation.1_lowered:
.L_overlay_start_0:
0x88: {  	s2 =	sld [smem:$0x3FD9]  }
0x89: {  	s3 =	sld [smem:$0x3FFE];
	_ =	sdelay $0x1  }
0x8a: {  	s1 =	srdreg.scid  }
0x8b: {  	s0 =	sand.u32 $0x1, s1  }
0x8c: {  	s16 =	sshll.u32 s0, $0xA;
	s2 =	sadd.s32 s3, s2  }
0x8d: {  	s2 =	sadd.s32 s2, s16  }
0x8e: {  	[smem:$0x3FBB] =	sst s2  }
0x8f: {  	_ = 	snop  }
0x90: {  	(tm) =	ssettm $0x1  }
0x91: {  	s17 =	sld [smem:$0x3FFB];
	_ =	sdelay $0x3  }
0x92: {  	_ =	strace s17  }
0x93: {  	s2 =	sld [smem:$0x3FFC];
	_ =	sdelay $0x3  }
0x94: {  	_ =	strace s2  }
0x95: {  	s2 =	sld [smem:$0x3FFD];
	_ =	sdelay $0x3  }
0x96: {  	_ =	strace s2  }
0x97: {  	_ =	strace $0x8FFFFFFF  }
0x98: {  	s18 =	sld [smem:$0x3FDB];
	_ =	sdelay $0x1  }
0x99: {  	s19 =	simm.s32 $_scs_section_size  }
0x9a: {  	s4 =	simm.s32 $_size__tile_overlayer_lowered;
	s5 =	simm.s32 $_tile_overlayer_lowered  }
0x9b: {  	s22 =	simm.s32 $0x1BFF;
	s21 =	sshll.u32 s5, $0x1;
	s2 =	sadd.s32 s19, s18  }
0x9c: {  	s6 =	simm.s32 $0x0;
	s20 =	sshll.u32 s4, $0x1;
	s4 =	sadd.s32 s21, s2  }
0x9d: {  	[timem:s6], [sflag:s22] =	dma.local [hbm:s4], s20  }
0x9e: {  	_ =	swait.ge [sflag:s22], s20  }
0x9f: {  	s3 =	ssub.s32 $0x0, s20;
	[sflag:s22] =	ssyncset.done $0x0  }
0xa0: {  	[sflag:s22] =	ssyncadd.s32 s3;
	_ =	sdelay $0x1  }
0xa1: {  	s23 =	simm.s32 $0x1B8B  }
0xa2: {  	_ =	swait.ge [sflag:s23], $0x1  }
0xa3: {  	[sflag:s23] =	ssyncset.done $0x0  }
0xa4: {  	s25 =	simm.s32 $0x1B8E;
	s24 =	sld [smem:$0x3FFE];
	[sflag:s23] =	ssyncadd.s32 $0xFFFFFFFF  }
0xa5: {  	s26 =	simm.s32 $execute0_lowered;
	[smem:$0x3FD2] =	sst s25  }
0xa6: {  	s4 =	sshll.u32 s26, $0x1;
	_ =	strace $0x80000049;
	[dreg:$0x1] =	wrdreg $0xFFFFFFFF  }
0xa7: {  	s28 =	simm.s32 $_size_execute0_lowered;
	s2 =	sadd.s32 s2, s4;
	[dreg:$0x0] =	wrdreg $0x0  }
0xa8: {  	s4 =	sshll.u32 s28, $0x1;
	[dreg:$0x2] =	wrdreg s2  }
0xa9: {  	[dreg:$0x3] =	wrdreg s4  }
0xaa: {  	[dreg:$0x4] =	wrdreg $0xC0  }
0xab: {  	_ =	task [dreg:s6], $0x5FFFF  }
0xac: {  	[dreg:$0x1] =	wrdreg $0xFFFFFFFF  }
0xad: {  	[dreg:$0x0] =	wrdreg $0x60  }
0xae: {  	[dreg:$0x2] =	wrdreg s24  }
0xaf: {  	[dreg:$0x3] =	wrdreg $0xC6200  }
0xb0: {  	[dreg:$0x4] =	wrdreg $0x9  }
0xb1: {  	_ =	task.clear_ibuf [dreg:s6], $0x5FFFF;
	_ =	strace $0x90000049  }
0xb2: {  	s29 =	simm.s32 $0x9;
	_ =	strace $0x8000004B  }
0xb3: {  	_ =	swait.ge [sflag:s29], $0x1  }
0xb4: {  	[sflag:s29] =	ssyncadd.s32 $0xFFFFFFFF  }
0xb5: {  	_ =	strace $0x9000004B  }
0xb6: {  	_ =	sfence  }
0xb7: {  	s30 =	sld [smem:$0x0];
	_ =	sdelay $0x2  }
0xb8: {  	s31 =	sshll.u32 s1, $0xD;
	s1 =	sshrl.u32 s1, $0x2  }
0xb9: {  	s3 =	sand.u32 $0x4000, s31;
	s1 =	sadd.s32 s1, s30  }
0xba: {  	s0 =	sor.u32 s3, s0;
	s1 =	sshll.u32 s1, $0x11  }
0xbb: {  	s0 =	sor.u32 s1, s0  }
0xbc: {  	s0 =	sadd.s32 $0x8F2B, s0  }
0xbd: {  	[sflag:s0] =	ssyncadd.remote.s32 $0x1  }
0xbe: {  	_ =	sfence.sel $0xFFFF  }
0xbf: {  	[dreg:$0x0] =	wrdreg $0xFFFFFFFF;
	(pc) =	sbr.abs _section_cstart, $3  }
0xc0: {  	[dreg:$0x1] =	wrdreg $0xFFFFFFFF  }
0xc1: {  	_ =	task.clear_ibuf [dreg:s6], $0x2FFFF;
	_ =	strace $0x9FFFFFFF  }
0xc2: {  	(tm) =	ssettm $0x7FFFFFFF  }
0xc3: {  	_ =	shalt  }
tec
execute0_lowered:
.L_overlay_start_1:
0x0: {  	(tag) =	ssettag $0x1  }
0x1: {  	s1 =	rddreg [dreg:$0x0]  }
0x2: {  	s0 =	srdreg.scid;
	s2 =	rddreg [dreg:$0x1];
	s3 =	simm.s32 $0x0  }
0x3: {  	s12 =	simm.s32 $0x4;
	s13 =	simm.s32 $0x2710;
	s14 =	simm.s32 $0x50  }
0x4: {  	s15 =	simm.s32 $0x4E20;
	s16 =	simm.s32 $0x7620;
	s17 =	simm.s32 $0xA0  }
0x5: {  	s18 =	simm.s32 $0x9E20;
	s19 =	simm.s32 $0x1;
	s20 =	simm.s32 $0x2  }
0x6: {  	s21 =	simm.s32 $0x3;
	s22 =	simm.s32 $0x4C90;
	s23 =	simm.s32 $0x2670  }
0x7: {  	s24 =	simm.s32 $0x4CE0;
	s25 =	simm.s32 $0x26C0;
	s5 =	sand.u32 $0x1, s0  }
0x8: {  	s26 =	simm.s32 $0x4D30;
	s0 =	stileid.u32;
	s4 =	smul.u32 $0x27100, s5  }
0x9: {  	s28 =	simm.s32 $0x4D80;
	s29 =	simm.s32 $0x4DD0;
	s6 =	smul.u32 $0x2710, s0  }
0xa: {  	s30 =	simm.s32 $0x0;
	[smem:$0x7FF] =	sst s3;
	s31 =	smul.u32 $0x1F400, s0  }
0xb: {  	s8 =	smul.u32 $0x138800, s5;
	_ =	strace $0x8000004A;
	s5 =	ssub.s32 $0x2, s5  }
0xc: {  	p0 =	sgt.u32 s0, $0x9;
	s10 =	sshrl.u32 s5, $0x1;
	s4 =	sadd.s32 s6, s4  }
0xd: {  	s9 =	sshrl.u32 s31, $0x3;
	s8 =	sadd.s32 s31, s8;
	s10 =	ssub.s32 s5, s10  }
0xe: {  	s11 =	sadd.s32 s31, s2;
	s7 =	sshrl.u32 s4, $0x3;
	s4 =	sadd.s32 $0x17200, s1  }
0xf: {  	s9 =	sadd.s32 s9, s1;
	s8 =	sshrl.u32 s8, $0x3;
	s11 =	sshrl.u32 @!p0 s11, $0x3  }
0x10: {  	s7 =	sadd.s32 s7, s1;
	s1 =	sadd.s32 s8, s1;
	s5 =	sadd.s32 $0x3E400, s9  }
0x11: {  	s9 =	smax.u32 s10, $0x1;
	s8 =	sadd.s32 $0x65600, s1;
	s1 =	sshll.u32 @!p0 s0, $0x6  }
0x12: {  	s6 =	sadd.s32 $0xD400, s7;
	s7 =	sadd.s32 $0x3600, s7;
	s10 =	sor.u32 @!p0 $0x1C04, s1  }
.LBB2_1:
0x13: {  	[spmem:s11], [sflag:s10] =	dma.local @!p0 [hbm:s5], $0x3E80  }
0x14: {  	s1 =	simm.s32 @!p0 $0x4  }
0x15: {  	_ =	swait.ge @!p0 [sflag:s1], $0x3E80  }
0x16: {  	[sflag:s1] =	ssyncset.done @!p0 $0x0  }
0x17: {  	[sflag:s1] =	ssyncadd.s32 @!p0 $0xFFFFC180  }
0x18: {  	[tilespmem:s3], [sflag:$0x4] =	stream.linear.gather [hbm4b:s6+s3], $0x2710, $0x38;
	[tilespmem:$0x1FEA0] =	vst v63  }
0x19: {  	_ =	swait.ge [sflag:s12], $0x2710  }
0x1a: {  	[sflag:s12] =	ssyncset.done $0x0  }
0x1b: {  	[sflag:s12] =	ssyncadd.s32 $0xFFFFD8F0  }
0x1c: {  	[tilespmem:s13], [sflag:$0x4] =	stream.linear.gather [hbm4b:s7+s3], $0x2710, $0x38;
	[tilespmem:$0x1FEA0] =	vst v63  }
0x1d: {  	_ =	swait.ge [sflag:s12], $0x2710  }
0x1e: {  	[sflag:s12] =	ssyncset.done $0x0  }
0x1f: {  	[sflag:s12] =	ssyncadd.s32 $0xFFFFD8F0  }
0x20: {  	[bflag:$0x0] =	sbarrier.arrive $0xFFFF  }
0x21: {  	[tilespmem:s15], [sflag:$0x1] =	stream.indirect.gather [hbm4b:s4+s14], $0x80, s3, s14, $0xb8;
	[tilespmem:$0x1FEA0] =	vst v63  }
0x22: {  	_ = 	snop  }
0x23: {  	[tilespmem:s16], [sflag:$0x2] =	stream.indirect.gather [hbm4b:s4+s14], $0x80, s14, s14, $0xb8;
	[tilespmem:$0x1FEA0] =	vst v63  }
0x24: {  	_ = 	snop  }
0x25: {  	[tilespmem:s18], [sflag:$0x3] =	stream.indirect.gather [hbm4b:s4+s14], $0x80, s17, s14, $0xb8;
	[tilespmem:$0x1FEA0] =	vst v63  }
0x26: {  	_ =	swait.ge [sflag:s19], $0x2800  }
0x27: {  	[sflag:s19] =	ssyncset.done $0x0  }
0x28: {  	s0 =	simm.s32 $0x2710;
	[sflag:s19] =	ssyncadd.s32 $0xFFFFD800  }
0x29: {  	[spmem:s2] =	stream.indirect.scatter.add.f32 [tilespmem:s15], [sflag:$0x4], $0x80, s0, s14, $0xb8;
	[tilespmem:$0x1FEA0] =	vst v63  }
0x2a: {  	_ =	swait.ge [sflag:s12], $0x2800  }
0x2b: {  	[sflag:s12] =	ssyncset.done $0x0  }
0x2c: {  	s0 =	simm.s32 $0xF0;
	[sflag:s12] =	ssyncadd.s32 $0xFFFFD800  }
0x2d: {  	[tilespmem:s15], [sflag:$0x1] =	stream.indirect.gather [hbm4b:s4+s14], $0x80, s0, s14, $0xb8;
	[tilespmem:$0x1FEA0] =	vst v63  }
0x2e: {  	_ =	swait.ge [sflag:s20], $0x2800  }
0x2f: {  	[sflag:s20] =	ssyncset.done $0x0  }
0x30: {  	s0 =	simm.s32 $0x2760;
	[sflag:s20] =	ssyncadd.s32 $0xFFFFD800  }
0x31: {  	[spmem:s2] =	stream.indirect.scatter.add.f32 [tilespmem:s16], [sflag:$0x4], $0x80, s0, s14, $0xb8;
	[tilespmem:$0x1FEA0] =	vst v63  }
0x32: {  	_ =	swait.ge [sflag:s12], $0x2800  }
0x33: {  	[sflag:s12] =	ssyncset.done $0x0  }
0x34: {  	s0 =	simm.s32 $0x140;
	[sflag:s12] =	ssyncadd.s32 $0xFFFFD800  }
0x35: {  	[tilespmem:s16], [sflag:$0x2] =	stream.indirect.gather [hbm4b:s4+s14], $0x80, s0, s14, $0xb8;
	[tilespmem:$0x1FEA0] =	vst v63  }
0x36: {  	_ =	swait.ge [sflag:s21], $0x2800  }
0x37: {  	[sflag:s21] =	ssyncset.done $0x0  }
0x38: {  	s0 =	simm.s32 $0x27B0;
	[sflag:s21] =	ssyncadd.s32 $0xFFFFD800  }
0x39: {  	[spmem:s2] =	stream.indirect.scatter.add.f32 [tilespmem:s18], [sflag:$0x4], $0x80, s0, s14, $0xb8;
	[tilespmem:$0x1FEA0] =	vst v63  }
0x3a: {  	_ =	swait.ge [sflag:s12], $0x2800  }
0x3b: {  	[sflag:s12] =	ssyncset.done $0x0  }
0x3c: {  	s31 =	simm.s32 $0x3C0;
	s1 =	simm.s32 $0x190;
	[sflag:s12] =	ssyncadd.s32 $0xFFFFD800  }
.LBB2_2:
0x3d: {  	[tilespmem:s18], [sflag:$0x3] =	stream.indirect.gather [hbm4b:s4+s14], $0x80, s1, s14, $0xb8;
	[tilespmem:$0x1FEA0] =	vst v63  }
0x3e: {  	s1 =	smov.u32 s31  }
0x3f: {  	p1 =	sne.s32 s31, $0x9240;
	s31 =	sadd.s32 $0x3C0, s31;
	_ =	swait.ge [sflag:s19], $0x2800  }
0x40: {  	s1 =	sshra.s32 s1, $0x2;
	[sflag:s19] =	ssyncset.done $0x0  }
0x41: {  	s0 =	sadd.s32 $0x2710, s1;
	[sflag:s19] =	ssyncadd.s32 $0xFFFFD800  }
0x42: {  	[spmem:s2] =	stream.indirect.scatter.add.f32 [tilespmem:s15], [sflag:$0x4], $0x80, s0, s14, $0xb8;
	[tilespmem:$0x1FEA0] =	vst v63  }
0x43: {  	_ =	swait.ge [sflag:s12], $0x2800  }
0x44: {  	[sflag:s12] =	ssyncset.done $0x0  }
0x45: {  	s0 =	sadd.s32 $0xF0, s1;
	[sflag:s12] =	ssyncadd.s32 $0xFFFFD800  }
0x46: {  	[tilespmem:s15], [sflag:$0x1] =	stream.indirect.gather [hbm4b:s4+s14], $0x80, s0, s14, $0xb8;
	[tilespmem:$0x1FEA0] =	vst v63  }
0x47: {  	_ =	swait.ge [sflag:s20], $0x2800  }
0x48: {  	[sflag:s20] =	ssyncset.done $0x0  }
0x49: {  	s0 =	sadd.s32 $0x2760, s1;
	[sflag:s20] =	ssyncadd.s32 $0xFFFFD800  }
0x4a: {  	[spmem:s2] =	stream.indirect.scatter.add.f32 [tilespmem:s16], [sflag:$0x4], $0x80, s0, s14, $0xb8;
	[tilespmem:$0x1FEA0] =	vst v63  }
0x4b: {  	_ =	swait.ge [sflag:s12], $0x2800  }
0x4c: {  	[sflag:s12] =	ssyncset.done $0x0  }
0x4d: {  	s0 =	sadd.s32 $0x140, s1;
	[sflag:s12] =	ssyncadd.s32 $0xFFFFD800  }
0x4e: {  	[tilespmem:s16], [sflag:$0x2] =	stream.indirect.gather [hbm4b:s4+s14], $0x80, s0, s14, $0xb8;
	[tilespmem:$0x1FEA0] =	vst v63  }
0x4f: {  	_ =	swait.ge [sflag:s21], $0x2800  }
0x50: {  	[sflag:s21] =	ssyncset.done $0x0  }
.Ltmp0:
0x51: {  	s0 =	sadd.s32 $0x27B0, s1;
	[sflag:s21] =	ssyncadd.s32 $0xFFFFD800;
	(pc) =	sbr.rel @p1 .LBB2_2-.Ltmp0, $4  }
0x52: {  	[spmem:s2] =	stream.indirect.scatter.add.f32 [tilespmem:s18], [sflag:$0x4], $0x80, s0, s14, $0xb8;
	[tilespmem:$0x1FEA0] =	vst v63  }
0x53: {  	_ =	swait.ge [sflag:s12], $0x2800  }
0x54: {  	[sflag:s12] =	ssyncset.done $0x0  }
0x55: {  	s1 =	sadd.s32 $0x190, s1;
	[sflag:s12] =	ssyncadd.s32 $0xFFFFD800  }
0x56: {  	[tilespmem:s18], [sflag:$0x3] =	stream.indirect.gather [hbm4b:s4+s14], $0x80, s1, s14, $0xb8;
	[tilespmem:$0x1FEA0] =	vst v63  }
0x57: {  	_ =	swait.ge [sflag:s19], $0x2800  }
0x58: {  	[sflag:s19] =	ssyncset.done $0x0  }
0x59: {  	[sflag:s19] =	ssyncadd.s32 $0xFFFFD800  }
0x5a: {  	[spmem:s2] =	stream.indirect.scatter.add.f32 [tilespmem:s15], [sflag:$0x4], $0x80, s22, s14, $0xb8;
	[tilespmem:$0x1FEA0] =	vst v63  }
0x5b: {  	_ =	swait.ge [sflag:s12], $0x2800  }
0x5c: {  	[sflag:s12] =	ssyncset.done $0x0  }
0x5d: {  	[sflag:s12] =	ssyncadd.s32 $0xFFFFD800  }
0x5e: {  	[tilespmem:s15], [sflag:$0x1] =	stream.indirect.gather [hbm4b:s4+s14], $0x80, s23, s14, $0xb8;
	[tilespmem:$0x1FEA0] =	vst v63  }
0x5f: {  	_ =	swait.ge [sflag:s20], $0x2800  }
0x60: {  	[sflag:s20] =	ssyncset.done $0x0  }
0x61: {  	[sflag:s20] =	ssyncadd.s32 $0xFFFFD800  }
0x62: {  	[spmem:s2] =	stream.indirect.scatter.add.f32 [tilespmem:s16], [sflag:$0x4], $0x80, s24, s14, $0xb8;
	[tilespmem:$0x1FEA0] =	vst v63  }
0x63: {  	_ =	swait.ge [sflag:s12], $0x2800  }
0x64: {  	[sflag:s12] =	ssyncset.done $0x0  }
0x65: {  	[sflag:s12] =	ssyncadd.s32 $0xFFFFD800  }
0x66: {  	[tilespmem:s16], [sflag:$0x2] =	stream.indirect.gather [hbm4b:s4+s14], $0x80, s25, s14, $0xb8;
	[tilespmem:$0x1FEA0] =	vst v63  }
0x67: {  	_ =	swait.ge [sflag:s21], $0x2800  }
0x68: {  	[sflag:s21] =	ssyncset.done $0x0  }
0x69: {  	[sflag:s21] =	ssyncadd.s32 $0xFFFFD800  }
0x6a: {  	[spmem:s2] =	stream.indirect.scatter.add.f32 [tilespmem:s18], [sflag:$0x4], $0x80, s26, s14, $0xb8;
	[tilespmem:$0x1FEA0] =	vst v63  }
0x6b: {  	_ =	swait.ge [sflag:s12], $0x2800  }
0x6c: {  	[sflag:s12] =	ssyncset.done $0x0  }
0x6d: {  	[sflag:s12] =	ssyncadd.s32 $0xFFFFD800  }
0x6e: {  	_ =	swait.ge [sflag:s19], $0x2800  }
0x6f: {  	[sflag:s19] =	ssyncset.done $0x0  }
0x70: {  	[sflag:s19] =	ssyncadd.s32 $0xFFFFD800  }
0x71: {  	[spmem:s2] =	stream.indirect.scatter.add.f32 [tilespmem:s15], [sflag:$0x4], $0x80, s28, s14, $0xb8;
	[tilespmem:$0x1FEA0] =	vst v63  }
0x72: {  	_ =	swait.ge [sflag:s12], $0x2800  }
0x73: {  	[sflag:s12] =	ssyncset.done $0x0  }
0x74: {  	[sflag:s12] =	ssyncadd.s32 $0xFFFFD800  }
0x75: {  	_ =	swait.ge [sflag:s20], $0x2800  }
0x76: {  	[sflag:s20] =	ssyncset.done $0x0  }
0x77: {  	[sflag:s20] =	ssyncadd.s32 $0xFFFFD800  }
0x78: {  	[spmem:s2] =	stream.indirect.scatter.add.f32 [tilespmem:s16], [sflag:$0x4], $0x80, s29, s14, $0xb8;
	[tilespmem:$0x1FEA0] =	vst v63  }
0x79: {  	_ =	swait.ge [sflag:s12], $0x2800  }
0x7a: {  	s30 =	sadd.s32 $0x1, s30;
	[sflag:s12] =	ssyncset.done $0x0  }
0x7b: {  	p1 =	sne.s32 s30, s9;
	[sflag:s12] =	ssyncadd.s32 $0xFFFFD800  }
.Ltmp1:
0x7c: {  	s0 =	simm.s32 @!p0 $0x4;
	[bflag:$0x0] =	sbarrier.arrive $0xFFFF;
	(pc) =	sbr.rel @p1 .LBB2_1-.Ltmp1, $4  }
0x7d: {  	[hbm:s8], [sflag:s10] =	dma.local @!p0 [spmem:s11], $0x3E80  }
0x7e: {  	_ =	swait.ge @!p0 [sflag:s0], $0x3E80  }
0x7f: {  	[sflag:s0] =	ssyncset.done @!p0 $0x0  }
0x80: {  	[sflag:s0] =	ssyncadd.s32 @!p0 $0xFFFFC180  }
0x81: {  	_ =	sfence.sel $0x180000  }
0x82: {  	[bflag:$0x0] =	sbarrier.arrive $0xFFFF  }
0x83: {  	_ =	strace $0x9000004A  }
0x84: {  	s0 =	stileid.u32;
	[bflag:$0x2] =	sbarrier.arrive $0xFFFF  }
0x85: {  	p0 =	sne.s32 s0, $0x0;
	s0 =	rddreg [dreg:$0x2]  }
0x86: {  	s0 =	sadd.s32 @!p0 $0x100000, s0  }
0x87: {  	[sflag:s0] =	ssyncadd.tile.s32 @!p0 $0x1;
	_ =	shalt  }
.Lfunc_end2:
_tile_overlayer_lowered:
.L_overlay_start_2:
0x88: {  	(tag) =	ssettag $0x2  }
0x89: {  	s0 =	rddreg [dreg:$0x0];
	s2 =	stileid.u32  }
0x8a: {  	s1 =	rddreg [dreg:$0x1];
	p0 =	sne.s32 s2, $0x0  }
0x8b: {  	s3 =	rddreg [dreg:$0x2];
	[bflag:$0x3] =	sbarrier.arrive $0xFFFF;
	s2 =	simm.s32 @!p0 $0x1C04  }
0x8c: {  	[timem:s3], [sflag:s2] =	dma.local @!p0 [hbm:s0], s1  }
0x8d: {  	s0 =	simm.s32 @!p0 $0x4  }
0x8e: {  	_ =	swait.ge @!p0 [sflag:s0], s1  }
0x8f: {  	s1 =	ssub.s32 @!p0 $0x0, s1;
	[sflag:s0] =	ssyncset.done @!p0 $0x0  }
0x90: {  	[sflag:s0] =	ssyncadd.s32 @!p0 s1  }
0x91: {  	[bflag:$0x3] =	sbarrier.arrive $0xFFFF  }
0x92: {  	_ =	shalt  }

// kernel: kernel.15.cloned.1.call-start
scs
__scs_entry_jumppad:
0x0: {  	(pc) =	sbr.rel $0x88, $3  }
0x1: {  	(tag) =	ssettag $0x0;
	lr =	simm.s32 $0x1  }
0x2: {  	[smem:$0x3F94] =	sst lr;
	_ =	strace $0xD0000000  }
0x3: {  	_ = 	snop  }
0x4: {  	_ = 	snop  }
0x5: {  	_ = 	snop  }
0x6: {  	_ = 	snop  }
0x7: {  	_ = 	snop  }
__scs_overlays_trampoline_lowered:
0x8: {  	[smem:$0x3FA3] =	sst s0  }
0x9: {  	[smem:$0x3FA4] =	sst s1  }
0xa: {  	[smem:$0x3FA5] =	sst s2  }
0xb: {  	[smem:$0x3FA6] =	sst s3  }
0xc: {  	[smem:$0x3FA7] =	sst s4  }
0xd: {  	[smem:$0x3FA8] =	sst s5  }
0xe: {  	[smem:$0x3FA9] =	sst s6  }
0xf: {  	[smem:$0x3FAA] =	sst s7  }
0x10: {  	[smem:$0x3FAB] =	sst s8  }
0x11: {  	[smem:$0x3FAC] =	sst s9;
	s0 =	simm.s32 @!p0 $0x0  }
0x12: {  	s1 =	sld [smem:$0x3F92];
	s0 =	simm.s32 @p0 $0x1  }
0x13: {  	[smem:$0x3FAD] =	sst s0;
	s0 =	simm.s32 @!p1 $0x0  }
0x14: {  	s2 =	sld [smem:$0x3F91];
	s0 =	simm.s32 @p1 $0x1  }
0x15: {  	[smem:$0x3FAE] =	sst s0;
	s0 =	simm.s32 @!p2 $0x0  }
0x16: {  	s3 =	sld [smem:$0x3FDB];
	s0 =	simm.s32 @p2 $0x1  }
0x17: {  	s4 =	simm.s32 $0x1BF5;
	[smem:$0x3FB0] =	sst s0  }
0x18: {  	s0 =	sld [smem:$0x3F93];
	_ =	swait.ge [sflag:s4], $0x0  }
0x19: {  	s7 =	sld [smem:$0x3F94]  }
0x1a: {  	s8 =	sadd.s32 $0xFFFFE003, lr  }
0x1b: {  	s9 =	sadd.s32 $0xFFFFFEF7, lr;
	s5 =	simm.s32 $0xFFFFFFFF;
	p2 =	slt.u32 s8, $0xFFFFF086  }
0x1c: {  	p1 =	slt.u32 s9, $0xF7A;
	s5 =	simm.s32 @!p2 $0x0  }
0x1d: {  	s5 =	simm.s32 @p1 $0x1;
	p0 =	seq.s32 s7, s2  }
0x1e: {  	s7 =	smul.u32 @!p0 $0xF7A, s2;
	p2 =	seq.s32 @!p0 s5, $0x0  }
0x1f: {  	s9 =	smul.u32 $0xF7A, s1;
	s8 =	simm.s32 @!p0 $0x1BF5;
	p2 =	por !p2, p0  }
0x20: {  	[sflag:s8] =	ssyncset.s32 @!p0 $0xFFFFF086;
	s6 =	sadd.s32 @!p0 s3, s7;
	s7 =	simm.s32 @!p0 $0x108  }
0x21: {  	s3 =	sadd.s32 s3, s9;
	s6 =	sadd.s32 @!p0 $0x88, s6;
	s7 =	simm.s32 @p2 $0x1082  }
0x22: {  	[simem:s7], [sflag:s8] =	dma.local @!p0 [hbm:s6], $0xF7A  }
0x23: {  	s9 =	sor.u32 $0xD0000000, s2;
	s6 =	simm.s32 $0x108;
	_ =	swait.ge @!p0 [sflag:s8], $0x0  }
0x24: {  	s3 =	sadd.s32 $0x88, s3;
	s6 =	simm.s32 @!p1 $0x1082;
	[sflag:s4] =	ssyncset.s32 $0xFFFFF086  }
0x25: {  	[simem:s6], [sflag:s4] =	dma.local [hbm:s3], $0xF7A  }
0x26: {  	[smem:$0x3F94] =	sst s1;
	(tag) =	ssettag s2;
	_ =	strace s9  }
0x27: {  	s1 =	sld [smem:$0x3FA4]  }
0x28: {  	s2 =	sld [smem:$0x3FA5]  }
0x29: {  	s4 =	sld [smem:$0x3FA7]  }
0x2a: {  	p0 =	seq.s32 s5, $0x0;
	s5 =	sld [smem:$0x3FA8]  }
0x2b: {  	s6 =	sld [smem:$0x3FA9]  }
0x2c: {  	s7 =	sld [smem:$0x3FAA]  }
0x2d: {  	s3 =	simm.s32 $0x108;
	s8 =	sld [smem:$0x3FAB]  }
0x2e: {  	s3 =	simm.s32 @!p0 $0x1082;
	s9 =	sld [smem:$0x3FAC]  }
0x2f: {  	lr =	sadd.s32 s0, s3;
	s0 =	sld [smem:$0x3FA3]  }
0x30: {  	s3 =	sld [smem:$0x3FA6]  }
0x31: {  	[smem:$0x3FAF] =	sst s10  }
0x32: {  	s10 =	sld [smem:$0x3FAD];
	_ =	sdelay $0x3  }
0x33: {  	p0 =	seq.s32 s10, $0x1;
	s10 =	sld [smem:$0x3FAF];
	_ =	sdelay $0x3  }
0x34: {  	[smem:$0x3FAF] =	sst s10  }
0x35: {  	s10 =	sld [smem:$0x3FAE];
	_ =	sdelay $0x3  }
0x36: {  	p1 =	seq.s32 s10, $0x1;
	s10 =	sld [smem:$0x3FAF];
	_ =	sdelay $0x3  }
0x37: {  	[smem:$0x3FAF] =	sst s10  }
0x38: {  	s10 =	sld [smem:$0x3FB0]  }
0x39: {  	_ = 	snop;
	(pc) =	sbr.ind lr, $3  }
0x3a: {  	_ = 	snop  }
0x3b: {  	_ = 	snop  }
0x3c: {  	p2 =	seq.s32 s10, $0x1;
	s10 =	sld [smem:$0x3FAF]  }
0x3d: {  	_ =	shalt  }
0x3e: {  	_ =	shalt  }
0x3f: {  	_ =	shalt  }
0x40: {  	_ =	shalt  }
0x41: {  	_ =	shalt  }
0x42: {  	_ =	shalt  }
0x43: {  	_ =	shalt  }
0x44: {  	_ =	shalt  }
0x45: {  	_ =	shalt  }
0x46: {  	_ =	shalt  }
0x47: {  	_ =	shalt  }
0x48: {  	_ =	shalt  }
0x49: {  	_ =	shalt  }
0x4a: {  	_ =	shalt  }
0x4b: {  	_ =	shalt  }
0x4c: {  	_ =	shalt  }
0x4d: {  	_ =	shalt  }
0x4e: {  	_ =	shalt  }
0x4f: {  	_ =	shalt  }
0x50: {  	_ =	shalt  }
0x51: {  	_ =	shalt  }
0x52: {  	_ =	shalt  }
0x53: {  	_ =	shalt  }
0x54: {  	_ =	shalt  }
0x55: {  	_ =	shalt  }
0x56: {  	_ =	shalt  }
0x57: {  	_ =	shalt  }
0x58: {  	_ =	shalt  }
0x59: {  	_ =	shalt  }
0x5a: {  	_ =	shalt  }
0x5b: {  	_ =	shalt  }
0x5c: {  	_ =	shalt  }
0x5d: {  	_ =	shalt  }
0x5e: {  	_ =	shalt  }
0x5f: {  	_ =	shalt  }
0x60: {  	_ =	shalt  }
0x61: {  	_ =	shalt  }
0x62: {  	_ =	shalt  }
0x63: {  	_ =	shalt  }
0x64: {  	_ =	shalt  }
0x65: {  	_ =	shalt  }
0x66: {  	_ =	shalt  }
0x67: {  	_ =	shalt  }
0x68: {  	_ =	shalt  }
0x69: {  	_ =	shalt  }
0x6a: {  	_ =	shalt  }
0x6b: {  	_ =	shalt  }
0x6c: {  	_ =	shalt  }
0x6d: {  	_ =	shalt  }
0x6e: {  	_ =	shalt  }
0x6f: {  	_ =	shalt  }
0x70: {  	_ =	shalt  }
0x71: {  	_ =	shalt  }
0x72: {  	_ =	shalt  }
0x73: {  	_ =	shalt  }
0x74: {  	_ =	shalt  }
0x75: {  	_ =	shalt  }
0x76: {  	_ =	shalt  }
0x77: {  	_ =	shalt  }
0x78: {  	_ =	shalt  }
0x79: {  	_ =	shalt  }
0x7a: {  	_ =	shalt  }
0x7b: {  	_ =	shalt  }
0x7c: {  	_ =	shalt  }
0x7d: {  	_ =	shalt  }
0x7e: {  	_ =	shalt  }
0x7f: {  	_ =	shalt  }
0x80: {  	_ =	shalt  }
0x81: {  	_ =	shalt  }
0x82: {  	_ =	shalt  }
0x83: {  	_ =	shalt  }
0x84: {  	_ =	shalt  }
0x85: {  	_ =	shalt  }
0x86: {  	_ =	shalt  }
0x87: {  	_ =	shalt  }
.Lfunc_end0:
.L_simem_size_0:
called_computation.2_lowered:
.L_overlay_start_0:
0x88: {  	s2 =	sld [smem:$0x3FD9]  }
0x89: {  	s3 =	sld [smem:$0x3FFE];
	_ =	sdelay $0x1  }
0x8a: {  	s1 =	srdreg.scid  }
0x8b: {  	s0 =	sand.u32 $0x1, s1  }
0x8c: {  	s16 =	sshll.u32 s0, $0xA;
	s2 =	sadd.s32 s3, s2  }
0x8d: {  	s2 =	sadd.s32 s2, s16  }
0x8e: {  	[smem:$0x3FBB] =	sst s2  }
0x8f: {  	_ = 	snop  }
0x90: {  	(tm) =	ssettm $0x1  }
0x91: {  	s17 =	sld [smem:$0x3FFB];
	_ =	sdelay $0x3  }
0x92: {  	_ =	strace s17  }
0x93: {  	s2 =	sld [smem:$0x3FFC];
	_ =	sdelay $0x3  }
0x94: {  	_ =	strace s2  }
0x95: {  	s2 =	sld [smem:$0x3FFD];
	_ =	sdelay $0x3  }
0x96: {  	_ =	strace s2  }
0x97: {  	_ =	strace $0x8FFFFFFF  }
0x98: {  	s18 =	sld [smem:$0x3FDB];
	_ =	sdelay $0x1  }
0x99: {  	s19 =	simm.s32 $_scs_section_size  }
0x9a: {  	s4 =	simm.s32 $_size__tile_overlayer_lowered;
	s5 =	simm.s32 $_tile_overlayer_lowered  }
0x9b: {  	s22 =	simm.s32 $0x1BFF;
	s21 =	sshll.u32 s5, $0x1;
	s2 =	sadd.s32 s19, s18  }
0x9c: {  	s6 =	simm.s32 $0x0;
	s20 =	sshll.u32 s4, $0x1;
	s4 =	sadd.s32 s21, s2  }
0x9d: {  	[timem:s6], [sflag:s22] =	dma.local [hbm:s4], s20  }
0x9e: {  	_ =	swait.ge [sflag:s22], s20  }
0x9f: {  	s3 =	ssub.s32 $0x0, s20;
	[sflag:s22] =	ssyncset.done $0x0  }
0xa0: {  	[sflag:s22] =	ssyncadd.s32 s3;
	_ =	sdelay $0x1  }
0xa1: {  	s23 =	simm.s32 $0x1B8B  }
0xa2: {  	_ =	swait.ge [sflag:s23], $0x1  }
0xa3: {  	[sflag:s23] =	ssyncset.done $0x0  }
0xa4: {  	s25 =	simm.s32 $0x1B8E;
	s24 =	sld [smem:$0x3FFE];
	[sflag:s23] =	ssyncadd.s32 $0xFFFFFFFF  }
0xa5: {  	s26 =	simm.s32 $execute0_lowered;
	[smem:$0x3FD2] =	sst s25  }
0xa6: {  	s4 =	sshll.u32 s26, $0x1;
	_ =	strace $0x8000004C;
	[dreg:$0x1] =	wrdreg $0xFFFFFFFF  }
0xa7: {  	s28 =	simm.s32 $_size_execute0_lowered;
	s2 =	sadd.s32 s2, s4;
	[dreg:$0x0] =	wrdreg $0x0  }
0xa8: {  	s4 =	sshll.u32 s28, $0x1;
	[dreg:$0x2] =	wrdreg s2  }
0xa9: {  	[dreg:$0x3] =	wrdreg s4  }
0xaa: {  	[dreg:$0x4] =	wrdreg $0xC0  }
0xab: {  	_ =	task [dreg:s6], $0x5FFFF  }
0xac: {  	[dreg:$0x1] =	wrdreg $0xFFFFFFFF  }
0xad: {  	[dreg:$0x0] =	wrdreg $0x60  }
0xae: {  	[dreg:$0x2] =	wrdreg s24  }
0xaf: {  	[dreg:$0x3] =	wrdreg $0xC6200  }
0xb0: {  	[dreg:$0x4] =	wrdreg $0x9  }
0xb1: {  	_ =	task.clear_ibuf [dreg:s6], $0x5FFFF;
	_ =	strace $0x9000004C  }
0xb2: {  	s29 =	simm.s32 $0x9;
	_ =	strace $0x8000004E  }
0xb3: {  	_ =	swait.ge [sflag:s29], $0x1  }
0xb4: {  	[sflag:s29] =	ssyncadd.s32 $0xFFFFFFFF  }
0xb5: {  	_ =	strace $0x9000004E  }
0xb6: {  	_ =	sfence  }
0xb7: {  	s30 =	sld [smem:$0x0];
	_ =	sdelay $0x2  }
0xb8: {  	s31 =	sshll.u32 s1, $0xD;
	s1 =	sshrl.u32 s1, $0x2  }
0xb9: {  	s3 =	sand.u32 $0x4000, s31;
	s1 =	sadd.s32 s1, s30  }
0xba: {  	s0 =	sor.u32 s3, s0;
	s1 =	sshll.u32 s1, $0x11  }
0xbb: {  	s0 =	sor.u32 s1, s0  }
0xbc: {  	s0 =	sadd.s32 $0x8F2B, s0  }
0xbd: {  	[sflag:s0] =	ssyncadd.remote.s32 $0x1  }
0xbe: {  	_ =	sfence.sel $0xFFFF  }
0xbf: {  	[dreg:$0x0] =	wrdreg $0xFFFFFFFF;
	(pc) =	sbr.abs _section_cstart, $3  }
0xc0: {  	[dreg:$0x1] =	wrdreg $0xFFFFFFFF  }
0xc1: {  	_ =	task.clear_ibuf [dreg:s6], $0x2FFFF;
	_ =	strace $0x9FFFFFFF  }
0xc2: {  	(tm) =	ssettm $0x7FFFFFFF  }
0xc3: {  	_ =	shalt  }
tec
execute0_lowered:
.L_overlay_start_1:
0x0: {  	(tag) =	ssettag $0x1  }
0x1: {  	s1 =	rddreg [dreg:$0x0]  }
0x2: {  	s0 =	srdreg.scid;
	s2 =	rddreg [dreg:$0x1];
	s3 =	simm.s32 $0x0  }
0x3: {  	s12 =	simm.s32 $0x4;
	s13 =	simm.s32 $0x2710;
	s14 =	simm.s32 $0x50  }
0x4: {  	s15 =	simm.s32 $0x4E20;
	s16 =	simm.s32 $0x7620;
	s17 =	simm.s32 $0xA0  }
0x5: {  	s18 =	simm.s32 $0x9E20;
	s19 =	simm.s32 $0x1;
	s20 =	simm.s32 $0x2  }
0x6: {  	s21 =	simm.s32 $0x3;
	s22 =	simm.s32 $0x4C90;
	s23 =	simm.s32 $0x2670  }
0x7: {  	s24 =	simm.s32 $0x4CE0;
	s25 =	simm.s32 $0x26C0;
	s5 =	sand.u32 $0x1, s0  }
0x8: {  	s26 =	simm.s32 $0x4D30;
	s0 =	stileid.u32;
	s4 =	smul.u32 $0x27100, s5  }
0x9: {  	s28 =	simm.s32 $0x4D80;
	s29 =	simm.s32 $0x4DD0;
	s6 =	smul.u32 $0x2710, s0  }
0xa: {  	s30 =	simm.s32 $0x0;
	[smem:$0x7FF] =	sst s3;
	s31 =	smul.u32 $0x1F400, s0  }
0xb: {  	s8 =	smul.u32 $0x138800, s5;
	_ =	strace $0x8000004D;
	s5 =	ssub.s32 $0x2, s5  }
0xc: {  	p0 =	sgt.u32 s0, $0x9;
	s10 =	sshrl.u32 s5, $0x1;
	s4 =	sadd.s32 s6, s4  }
0xd: {  	s9 =	sshrl.u32 s31, $0x3;
	s8 =	sadd.s32 s31, s8;
	s10 =	ssub.s32 s5, s10  }
0xe: {  	s11 =	sadd.s32 s31, s2;
	s7 =	sshrl.u32 s4, $0x3;
	s4 =	sadd.s32 $0x17200, s1  }
0xf: {  	s9 =	sadd.s32 s9, s1;
	s8 =	sshrl.u32 s8, $0x3;
	s11 =	sshrl.u32 @!p0 s11, $0x3  }
0x10: {  	s7 =	sadd.s32 s7, s1;
	s1 =	sadd.s32 s8, s1;
	s5 =	sadd.s32 $0x3E400, s9  }
0x11: {  	s9 =	smax.u32 s10, $0x1;
	s8 =	sadd.s32 $0x65600, s1;
	s1 =	sshll.u32 @!p0 s0, $0x6  }
0x12: {  	s6 =	sadd.s32 $0xD400, s7;
	s7 =	sadd.s32 $0x3600, s7;
	s10 =	sor.u32 @!p0 $0x1C04, s1  }
.LBB2_1:
0x13: {  	[spmem:s11], [sflag:s10] =	dma.local @!p0 [hbm:s5], $0x3E80  }
0x14: {  	s1 =	simm.s32 @!p0 $0x4  }
0x15: {  	_ =	swait.ge @!p0 [sflag:s1], $0x3E80  }
0x16: {  	[sflag:s1] =	ssyncset.done @!p0 $0x0  }
0x17: {  	[sflag:s1] =	ssyncadd.s32 @!p0 $0xFFFFC180  }
0x18: {  	[tilespmem:s3], [sflag:$0x4] =	stream.linear.gather [hbm4b:s6+s3], $0x2710, $0x38;
	[tilespmem:$0x1FEA0] =	vst v63  }
0x19: {  	_ =	swait.ge [sflag:s12], $0x2710  }
0x1a: {  	[sflag:s12] =	ssyncset.done $0x0  }
0x1b: {  	[sflag:s12] =	ssyncadd.s32 $0xFFFFD8F0  }
0x1c: {  	[tilespmem:s13], [sflag:$0x4] =	stream.linear.gather [hbm4b:s7+s3], $0x2710, $0x38;
	[tilespmem:$0x1FEA0] =	vst v63  }
0x1d: {  	_ =	swait.ge [sflag:s12], $0x2710  }
0x1e: {  	[sflag:s12] =	ssyncset.done $0x0  }
0x1f: {  	[sflag:s12] =	ssyncadd.s32 $0xFFFFD8F0  }
0x20: {  	[bflag:$0x0] =	sbarrier.arrive $0xFFFF  }
0x21: {  	[tilespmem:s15], [sflag:$0x1] =	stream.indirect.gather [hbm4b:s4+s14], $0x80, s3, s14, $0xb8;
	[tilespmem:$0x1FEA0] =	vst v63  }
0x22: {  	_ = 	snop  }
0x23: {  	[tilespmem:s16], [sflag:$0x2] =	stream.indirect.gather [hbm4b:s4+s14], $0x80, s14, s14, $0xb8;
	[tilespmem:$0x1FEA0] =	vst v63  }
0x24: {  	_ = 	snop  }
0x25: {  	[tilespmem:s18], [sflag:$0x3] =	stream.indirect.gather [hbm4b:s4+s14], $0x80, s17, s14, $0xb8;
	[tilespmem:$0x1FEA0] =	vst v63  }
0x26: {  	_ =	swait.ge [sflag:s19], $0x2800  }
0x27: {  	[sflag:s19] =	ssyncset.done $0x0  }
0x28: {  	s0 =	simm.s32 $0x2710;
	[sflag:s19] =	ssyncadd.s32 $0xFFFFD800  }
0x29: {  	[spmem:s2] =	stream.indirect.scatter.add.f32 [tilespmem:s15], [sflag:$0x4], $0x80, s0, s14, $0xb8;
	[tilespmem:$0x1FEA0] =	vst v63  }
0x2a: {  	_ =	swait.ge [sflag:s12], $0x2800  }
0x2b: {  	[sflag:s12] =	ssyncset.done $0x0  }
0x2c: {  	s0 =	simm.s32 $0xF0;
	[sflag:s12] =	ssyncadd.s32 $0xFFFFD800  }
0x2d: {  	[tilespmem:s15], [sflag:$0x1] =	stream.indirect.gather [hbm4b:s4+s14], $0x80, s0, s14, $0xb8;
	[tilespmem:$0x1FEA0] =	vst v63  }
0x2e: {  	_ =	swait.ge [sflag:s20], $0x2800  }
0x2f: {  	[sflag:s20] =	ssyncset.done $0x0  }
0x30: {  	s0 =	simm.s32 $0x2760;
	[sflag:s20] =	ssyncadd.s32 $0xFFFFD800  }
0x31: {  	[spmem:s2] =	stream.indirect.scatter.add.f32 [tilespmem:s16], [sflag:$0x4], $0x80, s0, s14, $0xb8;
	[tilespmem:$0x1FEA0] =	vst v63  }
0x32: {  	_ =	swait.ge [sflag:s12], $0x2800  }
0x33: {  	[sflag:s12] =	ssyncset.done $0x0  }
0x34: {  	s0 =	simm.s32 $0x140;
	[sflag:s12] =	ssyncadd.s32 $0xFFFFD800  }
0x35: {  	[tilespmem:s16], [sflag:$0x2] =	stream.indirect.gather [hbm4b:s4+s14], $0x80, s0, s14, $0xb8;
	[tilespmem:$0x1FEA0] =	vst v63  }
0x36: {  	_ =	swait.ge [sflag:s21], $0x2800  }
0x37: {  	[sflag:s21] =	ssyncset.done $0x0  }
0x38: {  	s0 =	simm.s32 $0x27B0;
	[sflag:s21] =	ssyncadd.s32 $0xFFFFD800  }
0x39: {  	[spmem:s2] =	stream.indirect.scatter.add.f32 [tilespmem:s18], [sflag:$0x4], $0x80, s0, s14, $0xb8;
	[tilespmem:$0x1FEA0] =	vst v63  }
0x3a: {  	_ =	swait.ge [sflag:s12], $0x2800  }
0x3b: {  	[sflag:s12] =	ssyncset.done $0x0  }
0x3c: {  	s31 =	simm.s32 $0x3C0;
	s1 =	simm.s32 $0x190;
	[sflag:s12] =	ssyncadd.s32 $0xFFFFD800  }
.LBB2_2:
0x3d: {  	[tilespmem:s18], [sflag:$0x3] =	stream.indirect.gather [hbm4b:s4+s14], $0x80, s1, s14, $0xb8;
	[tilespmem:$0x1FEA0] =	vst v63  }
0x3e: {  	s1 =	smov.u32 s31  }
0x3f: {  	p1 =	sne.s32 s31, $0x9240;
	s31 =	sadd.s32 $0x3C0, s31;
	_ =	swait.ge [sflag:s19], $0x2800  }
0x40: {  	s1 =	sshra.s32 s1, $0x2;
	[sflag:s19] =	ssyncset.done $0x0  }
0x41: {  	s0 =	sadd.s32 $0x2710, s1;
	[sflag:s19] =	ssyncadd.s32 $0xFFFFD800  }
0x42: {  	[spmem:s2] =	stream.indirect.scatter.add.f32 [tilespmem:s15], [sflag:$0x4], $0x80, s0, s14, $0xb8;
	[tilespmem:$0x1FEA0] =	vst v63  }
0x43: {  	_ =	swait.ge [sflag:s12], $0x2800  }
0x44: {  	[sflag:s12] =	ssyncset.done $0x0  }
0x45: {  	s0 =	sadd.s32 $0xF0, s1;
	[sflag:s12] =	ssyncadd.s32 $0xFFFFD800  }
0x46: {  	[tilespmem:s15], [sflag:$0x1] =	stream.indirect.gather [hbm4b:s4+s14], $0x80, s0, s14, $0xb8;
	[tilespmem:$0x1FEA0] =	vst v63  }
0x47: {  	_ =	swait.ge [sflag:s20], $0x2800  }
0x48: {  	[sflag:s20] =	ssyncset.done $0x0  }
0x49: {  	s0 =	sadd.s32 $0x2760, s1;
	[sflag:s20] =	ssyncadd.s32 $0xFFFFD800  }
0x4a: {  	[spmem:s2] =	stream.indirect.scatter.add.f32 [tilespmem:s16], [sflag:$0x4], $0x80, s0, s14, $0xb8;
	[tilespmem:$0x1FEA0] =	vst v63  }
0x4b: {  	_ =	swait.ge [sflag:s12], $0x2800  }
0x4c: {  	[sflag:s12] =	ssyncset.done $0x0  }
0x4d: {  	s0 =	sadd.s32 $0x140, s1;
	[sflag:s12] =	ssyncadd.s32 $0xFFFFD800  }
0x4e: {  	[tilespmem:s16], [sflag:$0x2] =	stream.indirect.gather [hbm4b:s4+s14], $0x80, s0, s14, $0xb8;
	[tilespmem:$0x1FEA0] =	vst v63  }
0x4f: {  	_ =	swait.ge [sflag:s21], $0x2800  }
0x50: {  	[sflag:s21] =	ssyncset.done $0x0  }
.Ltmp0:
0x51: {  	s0 =	sadd.s32 $0x27B0, s1;
	[sflag:s21] =	ssyncadd.s32 $0xFFFFD800;
	(pc) =	sbr.rel @p1 .LBB2_2-.Ltmp0, $4  }
0x52: {  	[spmem:s2] =	stream.indirect.scatter.add.f32 [tilespmem:s18], [sflag:$0x4], $0x80, s0, s14, $0xb8;
	[tilespmem:$0x1FEA0] =	vst v63  }
0x53: {  	_ =	swait.ge [sflag:s12], $0x2800  }
0x54: {  	[sflag:s12] =	ssyncset.done $0x0  }
0x55: {  	s1 =	sadd.s32 $0x190, s1;
	[sflag:s12] =	ssyncadd.s32 $0xFFFFD800  }
0x56: {  	[tilespmem:s18], [sflag:$0x3] =	stream.indirect.gather [hbm4b:s4+s14], $0x80, s1, s14, $0xb8;
	[tilespmem:$0x1FEA0] =	vst v63  }
0x57: {  	_ =	swait.ge [sflag:s19], $0x2800  }
0x58: {  	[sflag:s19] =	ssyncset.done $0x0  }
0x59: {  	[sflag:s19] =	ssyncadd.s32 $0xFFFFD800  }
0x5a: {  	[spmem:s2] =	stream.indirect.scatter.add.f32 [tilespmem:s15], [sflag:$0x4], $0x80, s22, s14, $0xb8;
	[tilespmem:$0x1FEA0] =	vst v63  }
0x5b: {  	_ =	swait.ge [sflag:s12], $0x2800  }
0x5c: {  	[sflag:s12] =	ssyncset.done $0x0  }
0x5d: {  	[sflag:s12] =	ssyncadd.s32 $0xFFFFD800  }
0x5e: {  	[tilespmem:s15], [sflag:$0x1] =	stream.indirect.gather [hbm4b:s4+s14], $0x80, s23, s14, $0xb8;
	[tilespmem:$0x1FEA0] =	vst v63  }
0x5f: {  	_ =	swait.ge [sflag:s20], $0x2800  }
0x60: {  	[sflag:s20] =	ssyncset.done $0x0  }
0x61: {  	[sflag:s20] =	ssyncadd.s32 $0xFFFFD800  }
0x62: {  	[spmem:s2] =	stream.indirect.scatter.add.f32 [tilespmem:s16], [sflag:$0x4], $0x80, s24, s14, $0xb8;
	[tilespmem:$0x1FEA0] =	vst v63  }
0x63: {  	_ =	swait.ge [sflag:s12], $0x2800  }
0x64: {  	[sflag:s12] =	ssyncset.done $0x0  }
0x65: {  	[sflag:s12] =	ssyncadd.s32 $0xFFFFD800  }
0x66: {  	[tilespmem:s16], [sflag:$0x2] =	stream.indirect.gather [hbm4b:s4+s14], $0x80, s25, s14, $0xb8;
	[tilespmem:$0x1FEA0] =	vst v63  }
0x67: {  	_ =	swait.ge [sflag:s21], $0x2800  }
0x68: {  	[sflag:s21] =	ssyncset.done $0x0  }
0x69: {  	[sflag:s21] =	ssyncadd.s32 $0xFFFFD800  }
0x6a: {  	[spmem:s2] =	stream.indirect.scatter.add.f32 [tilespmem:s18], [sflag:$0x4], $0x80, s26, s14, $0xb8;
	[tilespmem:$0x1FEA0] =	vst v63  }
0x6b: {  	_ =	swait.ge [sflag:s12], $0x2800  }
0x6c: {  	[sflag:s12] =	ssyncset.done $0x0  }
0x6d: {  	[sflag:s12] =	ssyncadd.s32 $0xFFFFD800  }
0x6e: {  	_ =	swait.ge [sflag:s19], $0x2800  }
0x6f: {  	[sflag:s19] =	ssyncset.done $0x0  }
0x70: {  	[sflag:s19] =	ssyncadd.s32 $0xFFFFD800  }
0x71: {  	[spmem:s2] =	stream.indirect.scatter.add.f32 [tilespmem:s15], [sflag:$0x4], $0x80, s28, s14, $0xb8;
	[tilespmem:$0x1FEA0] =	vst v63  }
0x72: {  	_ =	swait.ge [sflag:s12], $0x2800  }
0x73: {  	[sflag:s12] =	ssyncset.done $0x0  }
0x74: {  	[sflag:s12] =	ssyncadd.s32 $0xFFFFD800  }
0x75: {  	_ =	swait.ge [sflag:s20], $0x2800  }
0x76: {  	[sflag:s20] =	ssyncset.done $0x0  }
0x77: {  	[sflag:s20] =	ssyncadd.s32 $0xFFFFD800  }
0x78: {  	[spmem:s2] =	stream.indirect.scatter.add.f32 [tilespmem:s16], [sflag:$0x4], $0x80, s29, s14, $0xb8;
	[tilespmem:$0x1FEA0] =	vst v63  }
0x79: {  	_ =	swait.ge [sflag:s12], $0x2800  }
0x7a: {  	s30 =	sadd.s32 $0x1, s30;
	[sflag:s12] =	ssyncset.done $0x0  }
0x7b: {  	p1 =	sne.s32 s30, s9;
	[sflag:s12] =	ssyncadd.s32 $0xFFFFD800  }
.Ltmp1:
0x7c: {  	s0 =	simm.s32 @!p0 $0x4;
	[bflag:$0x0] =	sbarrier.arrive $0xFFFF;
	(pc) =	sbr.rel @p1 .LBB2_1-.Ltmp1, $4  }
0x7d: {  	[hbm:s8], [sflag:s10] =	dma.local @!p0 [spmem:s11], $0x3E80  }
0x7e: {  	_ =	swait.ge @!p0 [sflag:s0], $0x3E80  }
0x7f: {  	[sflag:s0] =	ssyncset.done @!p0 $0x0  }
0x80: {  	[sflag:s0] =	ssyncadd.s32 @!p0 $0xFFFFC180  }
0x81: {  	_ =	sfence.sel $0x180000  }
0x82: {  	[bflag:$0x0] =	sbarrier.arrive $0xFFFF  }
0x83: {  	_ =	strace $0x9000004D  }
0x84: {  	s0 =	stileid.u32;
	[bflag:$0x2] =	sbarrier.arrive $0xFFFF  }
0x85: {  	p0 =	sne.s32 s0, $0x0;
	s0 =	rddreg [dreg:$0x2]  }
0x86: {  	s0 =	sadd.s32 @!p0 $0x100000, s0  }
0x87: {  	[sflag:s0] =	ssyncadd.tile.s32 @!p0 $0x1;
	_ =	shalt  }
.Lfunc_end2:
_tile_overlayer_lowered:
.L_overlay_start_2:
0x88: {  	(tag) =	ssettag $0x2  }
0x89: {  	s0 =	rddreg [dreg:$0x0];
	s2 =	stileid.u32  }
0x8a: {  	s1 =	rddreg [dreg:$0x1];
	p0 =	sne.s32 s2, $0x0  }
0x8b: {  	s3 =	rddreg [dreg:$0x2];
	[bflag:$0x3] =	sbarrier.arrive $0xFFFF;
	s2 =	simm.s32 @!p0 $0x1C04  }
0x8c: {  	[timem:s3], [sflag:s2] =	dma.local @!p0 [hbm:s0], s1  }
0x8d: {  	s0 =	simm.s32 @!p0 $0x4  }
0x8e: {  	_ =	swait.ge @!p0 [sflag:s0], s1  }
0x8f: {  	s1 =	ssub.s32 @!p0 $0x0, s1;
	[sflag:s0] =	ssyncset.done @!p0 $0x0  }
0x90: {  	[sflag:s0] =	ssyncadd.s32 @!p0 s1  }
0x91: {  	[bflag:$0x3] =	sbarrier.arrive $0xFFFF  }
0x92: {  	_ =	shalt  }

// kernel: kernel.9.cloned.1.call-start
scs
__scs_entry_jumppad:
0x0: {  	(pc) =	sbr.rel $0x88, $3  }
0x1: {  	(tag) =	ssettag $0x0;
	lr =	simm.s32 $0x1  }
0x2: {  	[smem:$0x3F94] =	sst lr;
	_ =	strace $0xD0000000  }
0x3: {  	_ = 	snop  }
0x4: {  	_ = 	snop  }
0x5: {  	_ = 	snop  }
0x6: {  	_ = 	snop  }
0x7: {  	_ = 	snop  }
__scs_overlays_trampoline_lowered:
0x8: {  	[smem:$0x3FA3] =	sst s0  }
0x9: {  	[smem:$0x3FA4] =	sst s1  }
0xa: {  	[smem:$0x3FA5] =	sst s2  }
0xb: {  	[smem:$0x3FA6] =	sst s3  }
0xc: {  	[smem:$0x3FA7] =	sst s4  }
0xd: {  	[smem:$0x3FA8] =	sst s5  }
0xe: {  	[smem:$0x3FA9] =	sst s6  }
0xf: {  	[smem:$0x3FAA] =	sst s7  }
0x10: {  	[smem:$0x3FAB] =	sst s8  }
0x11: {  	[smem:$0x3FAC] =	sst s9;
	s0 =	simm.s32 @!p0 $0x0  }
0x12: {  	s1 =	sld [smem:$0x3F92];
	s0 =	simm.s32 @p0 $0x1  }
0x13: {  	[smem:$0x3FAD] =	sst s0;
	s0 =	simm.s32 @!p1 $0x0  }
0x14: {  	s2 =	sld [smem:$0x3F91];
	s0 =	simm.s32 @p1 $0x1  }
0x15: {  	[smem:$0x3FAE] =	sst s0;
	s0 =	simm.s32 @!p2 $0x0  }
0x16: {  	s3 =	sld [smem:$0x3FDB];
	s0 =	simm.s32 @p2 $0x1  }
0x17: {  	s4 =	simm.s32 $0x1BF5;
	[smem:$0x3FB0] =	sst s0  }
0x18: {  	s0 =	sld [smem:$0x3F93];
	_ =	swait.ge [sflag:s4], $0x0  }
0x19: {  	s7 =	sld [smem:$0x3F94]  }
0x1a: {  	s8 =	sadd.s32 $0xFFFFE003, lr  }
0x1b: {  	s9 =	sadd.s32 $0xFFFFFEF7, lr;
	s5 =	simm.s32 $0xFFFFFFFF;
	p2 =	slt.u32 s8, $0xFFFFF086  }
0x1c: {  	p1 =	slt.u32 s9, $0xF7A;
	s5 =	simm.s32 @!p2 $0x0  }
0x1d: {  	s5 =	simm.s32 @p1 $0x1;
	p0 =	seq.s32 s7, s2  }
0x1e: {  	s7 =	smul.u32 @!p0 $0xF7A, s2;
	p2 =	seq.s32 @!p0 s5, $0x0  }
0x1f: {  	s9 =	smul.u32 $0xF7A, s1;
	s8 =	simm.s32 @!p0 $0x1BF5;
	p2 =	por !p2, p0  }
0x20: {  	[sflag:s8] =	ssyncset.s32 @!p0 $0xFFFFF086;
	s6 =	sadd.s32 @!p0 s3, s7;
	s7 =	simm.s32 @!p0 $0x108  }
0x21: {  	s3 =	sadd.s32 s3, s9;
	s6 =	sadd.s32 @!p0 $0x88, s6;
	s7 =	simm.s32 @p2 $0x1082  }
0x22: {  	[simem:s7], [sflag:s8] =	dma.local @!p0 [hbm:s6], $0xF7A  }
0x23: {  	s9 =	sor.u32 $0xD0000000, s2;
	s6 =	simm.s32 $0x108;
	_ =	swait.ge @!p0 [sflag:s8], $0x0  }
0x24: {  	s3 =	sadd.s32 $0x88, s3;
	s6 =	simm.s32 @!p1 $0x1082;
	[sflag:s4] =	ssyncset.s32 $0xFFFFF086  }
0x25: {  	[simem:s6], [sflag:s4] =	dma.local [hbm:s3], $0xF7A  }
0x26: {  	[smem:$0x3F94] =	sst s1;
	(tag) =	ssettag s2;
	_ =	strace s9  }
0x27: {  	s1 =	sld [smem:$0x3FA4]  }
0x28: {  	s2 =	sld [smem:$0x3FA5]  }
0x29: {  	s4 =	sld [smem:$0x3FA7]  }
0x2a: {  	p0 =	seq.s32 s5, $0x0;
	s5 =	sld [smem:$0x3FA8]  }
0x2b: {  	s6 =	sld [smem:$0x3FA9]  }
0x2c: {  	s7 =	sld [smem:$0x3FAA]  }
0x2d: {  	s3 =	simm.s32 $0x108;
	s8 =	sld [smem:$0x3FAB]  }
0x2e: {  	s3 =	simm.s32 @!p0 $0x1082;
	s9 =	sld [smem:$0x3FAC]  }
0x2f: {  	lr =	sadd.s32 s0, s3;
	s0 =	sld [smem:$0x3FA3]  }
0x30: {  	s3 =	sld [smem:$0x3FA6]  }
0x31: {  	[smem:$0x3FAF] =	sst s10  }
0x32: {  	s10 =	sld [smem:$0x3FAD];
	_ =	sdelay $0x3  }
0x33: {  	p0 =	seq.s32 s10, $0x1;
	s10 =	sld [smem:$0x3FAF];
	_ =	sdelay $0x3  }
0x34: {  	[smem:$0x3FAF] =	sst s10  }
0x35: {  	s10 =	sld [smem:$0x3FAE];
	_ =	sdelay $0x3  }
0x36: {  	p1 =	seq.s32 s10, $0x1;
	s10 =	sld [smem:$0x3FAF];
	_ =	sdelay $0x3  }
0x37: {  	[smem:$0x3FAF] =	sst s10  }
0x38: {  	s10 =	sld [smem:$0x3FB0]  }
0x39: {  	_ = 	snop;
	(pc) =	sbr.ind lr, $3  }
0x3a: {  	_ = 	snop  }
0x3b: {  	_ = 	snop  }
0x3c: {  	p2 =	seq.s32 s10, $0x1;
	s10 =	sld [smem:$0x3FAF]  }
0x3d: {  	_ =	shalt  }
0x3e: {  	_ =	shalt  }
0x3f: {  	_ =	shalt  }
0x40: {  	_ =	shalt  }
0x41: {  	_ =	shalt  }
0x42: {  	_ =	shalt  }
0x43: {  	_ =	shalt  }
0x44: {  	_ =	shalt  }
0x45: {  	_ =	shalt  }
0x46: {  	_ =	shalt  }
0x47: {  	_ =	shalt  }
0x48: {  	_ =	shalt  }
0x49: {  	_ =	shalt  }
0x4a: {  	_ =	shalt  }
0x4b: {  	_ =	shalt  }
0x4c: {  	_ =	shalt  }
0x4d: {  	_ =	shalt  }
0x4e: {  	_ =	shalt  }
0x4f: {  	_ =	shalt  }
0x50: {  	_ =	shalt  }
0x51: {  	_ =	shalt  }
0x52: {  	_ =	shalt  }
0x53: {  	_ =	shalt  }
0x54: {  	_ =	shalt  }
0x55: {  	_ =	shalt  }
0x56: {  	_ =	shalt  }
0x57: {  	_ =	shalt  }
0x58: {  	_ =	shalt  }
0x59: {  	_ =	shalt  }
0x5a: {  	_ =	shalt  }
0x5b: {  	_ =	shalt  }
0x5c: {  	_ =	shalt  }
0x5d: {  	_ =	shalt  }
0x5e: {  	_ =	shalt  }
0x5f: {  	_ =	shalt  }
0x60: {  	_ =	shalt  }
0x61: {  	_ =	shalt  }
0x62: {  	_ =	shalt  }
0x63: {  	_ =	shalt  }
0x64: {  	_ =	shalt  }
0x65: {  	_ =	shalt  }
0x66: {  	_ =	shalt  }
0x67: {  	_ =	shalt  }
0x68: {  	_ =	shalt  }
0x69: {  	_ =	shalt  }
0x6a: {  	_ =	shalt  }
0x6b: {  	_ =	shalt  }
0x6c: {  	_ =	shalt  }
0x6d: {  	_ =	shalt  }
0x6e: {  	_ =	shalt  }
0x6f: {  	_ =	shalt  }
0x70: {  	_ =	shalt  }
0x71: {  	_ =	shalt  }
0x72: {  	_ =	shalt  }
0x73: {  	_ =	shalt  }
0x74: {  	_ =	shalt  }
0x75: {  	_ =	shalt  }
0x76: {  	_ =	shalt  }
0x77: {  	_ =	shalt  }
0x78: {  	_ =	shalt  }
0x79: {  	_ =	shalt  }
0x7a: {  	_ =	shalt  }
0x7b: {  	_ =	shalt  }
0x7c: {  	_ =	shalt  }
0x7d: {  	_ =	shalt  }
0x7e: {  	_ =	shalt  }
0x7f: {  	_ =	shalt  }
0x80: {  	_ =	shalt  }
0x81: {  	_ =	shalt  }
0x82: {  	_ =	shalt  }
0x83: {  	_ =	shalt  }
0x84: {  	_ =	shalt  }
0x85: {  	_ =	shalt  }
0x86: {  	_ =	shalt  }
0x87: {  	_ =	shalt  }
.Lfunc_end0:
.L_simem_size_0:
called_computation_lowered:
.L_overlay_start_0:
0x88: {  	s2 =	sld [smem:$0x3FD9]  }
0x89: {  	s3 =	sld [smem:$0x3FFE];
	_ =	sdelay $0x1  }
0x8a: {  	s1 =	srdreg.scid  }
0x8b: {  	s0 =	sand.u32 $0x1, s1  }
0x8c: {  	s16 =	sshll.u32 s0, $0xA;
	s2 =	sadd.s32 s3, s2  }
0x8d: {  	s2 =	sadd.s32 s2, s16  }
0x8e: {  	[smem:$0x3FBB] =	sst s2  }
0x8f: {  	_ = 	snop  }
0x90: {  	(tm) =	ssettm $0x1  }
0x91: {  	s17 =	sld [smem:$0x3FFB];
	_ =	sdelay $0x3  }
0x92: {  	_ =	strace s17  }
0x93: {  	s2 =	sld [smem:$0x3FFC];
	_ =	sdelay $0x3  }
0x94: {  	_ =	strace s2  }
0x95: {  	s2 =	sld [smem:$0x3FFD];
	_ =	sdelay $0x3  }
0x96: {  	_ =	strace s2  }
0x97: {  	_ =	strace $0x8FFFFFFF  }
0x98: {  	s18 =	sld [smem:$0x3FDB];
	_ =	sdelay $0x1  }
0x99: {  	s19 =	simm.s32 $_scs_section_size  }
0x9a: {  	s4 =	simm.s32 $_size__tile_overlayer_lowered;
	s5 =	simm.s32 $_tile_overlayer_lowered  }
0x9b: {  	s22 =	simm.s32 $0x1BFF;
	s21 =	sshll.u32 s5, $0x1;
	s2 =	sadd.s32 s19, s18  }
0x9c: {  	s6 =	simm.s32 $0x0;
	s20 =	sshll.u32 s4, $0x1;
	s4 =	sadd.s32 s21, s2  }
0x9d: {  	[timem:s6], [sflag:s22] =	dma.local [hbm:s4], s20  }
0x9e: {  	_ =	swait.ge [sflag:s22], s20  }
0x9f: {  	s3 =	ssub.s32 $0x0, s20;
	[sflag:s22] =	ssyncset.done $0x0  }
0xa0: {  	[sflag:s22] =	ssyncadd.s32 s3;
	_ =	sdelay $0x1  }
0xa1: {  	s23 =	simm.s32 $0x1B8B  }
0xa2: {  	_ =	swait.ge [sflag:s23], $0x1  }
0xa3: {  	[sflag:s23] =	ssyncset.done $0x0  }
0xa4: {  	s25 =	simm.s32 $0x1B8E;
	s24 =	sld [smem:$0x3FFE];
	[sflag:s23] =	ssyncadd.s32 $0xFFFFFFFF  }
0xa5: {  	s26 =	simm.s32 $execute0_lowered;
	[smem:$0x3FD2] =	sst s25  }
0xa6: {  	s4 =	sshll.u32 s26, $0x1;
	_ =	strace $0x80000046;
	[dreg:$0x1] =	wrdreg $0xFFFFFFFF  }
0xa7: {  	s28 =	simm.s32 $_size_execute0_lowered;
	s2 =	sadd.s32 s2, s4;
	[dreg:$0x0] =	wrdreg $0x0  }
0xa8: {  	s4 =	sshll.u32 s28, $0x1;
	[dreg:$0x2] =	wrdreg s2  }
0xa9: {  	[dreg:$0x3] =	wrdreg s4  }
0xaa: {  	[dreg:$0x4] =	wrdreg $0xC0  }
0xab: {  	_ =	task [dreg:s6], $0x5FFFF  }
0xac: {  	[dreg:$0x1] =	wrdreg $0xFFFFFFFF  }
0xad: {  	[dreg:$0x0] =	wrdreg $0x60  }
0xae: {  	[dreg:$0x2] =	wrdreg s24  }
0xaf: {  	[dreg:$0x3] =	wrdreg $0xC6200  }
0xb0: {  	[dreg:$0x4] =	wrdreg $0x9  }
0xb1: {  	_ =	task.clear_ibuf [dreg:s6], $0x5FFFF;
	_ =	strace $0x90000046  }
0xb2: {  	s29 =	simm.s32 $0x9;
	_ =	strace $0x80000048  }
0xb3: {  	_ =	swait.ge [sflag:s29], $0x1  }
0xb4: {  	[sflag:s29] =	ssyncadd.s32 $0xFFFFFFFF  }
0xb5: {  	_ =	strace $0x90000048  }
0xb6: {  	_ =	sfence  }
0xb7: {  	s30 =	sld [smem:$0x0];
	_ =	sdelay $0x2  }
0xb8: {  	s31 =	sshll.u32 s1, $0xD;
	s1 =	sshrl.u32 s1, $0x2  }
0xb9: {  	s3 =	sand.u32 $0x4000, s31;
	s1 =	sadd.s32 s1, s30  }
0xba: {  	s0 =	sor.u32 s3, s0;
	s1 =	sshll.u32 s1, $0x11  }
0xbb: {  	s0 =	sor.u32 s1, s0  }
0xbc: {  	s0 =	sadd.s32 $0x8F2B, s0  }
0xbd: {  	[sflag:s0] =	ssyncadd.remote.s32 $0x1  }
0xbe: {  	_ =	sfence.sel $0xFFFF  }
0xbf: {  	[dreg:$0x0] =	wrdreg $0xFFFFFFFF;
	(pc) =	sbr.abs _section_cstart, $3  }
0xc0: {  	[dreg:$0x1] =	wrdreg $0xFFFFFFFF  }
0xc1: {  	_ =	task.clear_ibuf [dreg:s6], $0x2FFFF;
	_ =	strace $0x9FFFFFFF  }
0xc2: {  	(tm) =	ssettm $0x7FFFFFFF  }
0xc3: {  	_ =	shalt  }
tec
execute0_lowered:
.L_overlay_start_1:
0x0: {  	(tag) =	ssettag $0x1  }
0x1: {  	s1 =	rddreg [dreg:$0x0]  }
0x2: {  	s0 =	srdreg.scid;
	s2 =	rddreg [dreg:$0x1];
	s3 =	simm.s32 $0x0  }
0x3: {  	s12 =	simm.s32 $0x4;
	s13 =	simm.s32 $0x2710;
	s14 =	simm.s32 $0x50  }
0x4: {  	s15 =	simm.s32 $0x4E20;
	s16 =	simm.s32 $0x7620;
	s17 =	simm.s32 $0xA0  }
0x5: {  	s18 =	simm.s32 $0x9E20;
	s19 =	simm.s32 $0x1;
	s20 =	simm.s32 $0x2  }
0x6: {  	s21 =	simm.s32 $0x3;
	s22 =	simm.s32 $0x4C90;
	s23 =	simm.s32 $0x2670  }
0x7: {  	s24 =	simm.s32 $0x4CE0;
	s25 =	simm.s32 $0x26C0;
	s5 =	sand.u32 $0x1, s0  }
0x8: {  	s26 =	simm.s32 $0x4D30;
	s0 =	stileid.u32;
	s4 =	smul.u32 $0x27100, s5  }
0x9: {  	s28 =	simm.s32 $0x4D80;
	s29 =	simm.s32 $0x4DD0;
	s6 =	smul.u32 $0x2710, s0  }
0xa: {  	s30 =	simm.s32 $0x0;
	[smem:$0x7FF] =	sst s3;
	s31 =	smul.u32 $0x1F400, s0  }
0xb: {  	s8 =	smul.u32 $0x138800, s5;
	_ =	strace $0x80000047;
	s5 =	ssub.s32 $0x2, s5  }
0xc: {  	p0 =	sgt.u32 s0, $0x9;
	s10 =	sshrl.u32 s5, $0x1;
	s4 =	sadd.s32 s6, s4  }
0xd: {  	s9 =	sshrl.u32 s31, $0x3;
	s8 =	sadd.s32 s31, s8;
	s10 =	ssub.s32 s5, s10  }
0xe: {  	s11 =	sadd.s32 s31, s2;
	s7 =	sshrl.u32 s4, $0x3;
	s4 =	sadd.s32 $0x17200, s1  }
0xf: {  	s9 =	sadd.s32 s9, s1;
	s8 =	sshrl.u32 s8, $0x3;
	s11 =	sshrl.u32 @!p0 s11, $0x3  }
0x10: {  	s7 =	sadd.s32 s7, s1;
	s1 =	sadd.s32 s8, s1;
	s5 =	sadd.s32 $0x3E400, s9  }
0x11: {  	s9 =	smax.u32 s10, $0x1;
	s8 =	sadd.s32 $0x65600, s1;
	s1 =	sshll.u32 @!p0 s0, $0x6  }
0x12: {  	s6 =	sadd.s32 $0xD400, s7;
	s7 =	sadd.s32 $0x3600, s7;
	s10 =	sor.u32 @!p0 $0x1C04, s1  }
.LBB2_1:
0x13: {  	[spmem:s11], [sflag:s10] =	dma.local @!p0 [hbm:s5], $0x3E80  }
0x14: {  	s1 =	simm.s32 @!p0 $0x4  }
0x15: {  	_ =	swait.ge @!p0 [sflag:s1], $0x3E80  }
0x16: {  	[sflag:s1] =	ssyncset.done @!p0 $0x0  }
0x17: {  	[sflag:s1] =	ssyncadd.s32 @!p0 $0xFFFFC180  }
0x18: {  	[tilespmem:s3], [sflag:$0x4] =	stream.linear.gather [hbm4b:s6+s3], $0x2710, $0x38;
	[tilespmem:$0x1FEA0] =	vst v63  }
0x19: {  	_ =	swait.ge [sflag:s12], $0x2710  }
0x1a: {  	[sflag:s12] =	ssyncset.done $0x0  }
0x1b: {  	[sflag:s12] =	ssyncadd.s32 $0xFFFFD8F0  }
0x1c: {  	[tilespmem:s13], [sflag:$0x4] =	stream.linear.gather [hbm4b:s7+s3], $0x2710, $0x38;
	[tilespmem:$0x1FEA0] =	vst v63  }
0x1d: {  	_ =	swait.ge [sflag:s12], $0x2710  }
0x1e: {  	[sflag:s12] =	ssyncset.done $0x0  }
0x1f: {  	[sflag:s12] =	ssyncadd.s32 $0xFFFFD8F0  }
0x20: {  	[bflag:$0x0] =	sbarrier.arrive $0xFFFF  }
0x21: {  	[tilespmem:s15], [sflag:$0x1] =	stream.indirect.gather [hbm4b:s4+s14], $0x80, s3, s14, $0xb8;
	[tilespmem:$0x1FEA0] =	vst v63  }
0x22: {  	_ = 	snop  }
0x23: {  	[tilespmem:s16], [sflag:$0x2] =	stream.indirect.gather [hbm4b:s4+s14], $0x80, s14, s14, $0xb8;
	[tilespmem:$0x1FEA0] =	vst v63  }
0x24: {  	_ = 	snop  }
0x25: {  	[tilespmem:s18], [sflag:$0x3] =	stream.indirect.gather [hbm4b:s4+s14], $0x80, s17, s14, $0xb8;
	[tilespmem:$0x1FEA0] =	vst v63  }
0x26: {  	_ =	swait.ge [sflag:s19], $0x2800  }
0x27: {  	[sflag:s19] =	ssyncset.done $0x0  }
0x28: {  	s0 =	simm.s32 $0x2710;
	[sflag:s19] =	ssyncadd.s32 $0xFFFFD800  }
0x29: {  	[spmem:s2] =	stream.indirect.scatter.add.f32 [tilespmem:s15], [sflag:$0x4], $0x80, s0, s14, $0xb8;
	[tilespmem:$0x1FEA0] =	vst v63  }
0x2a: {  	_ =	swait.ge [sflag:s12], $0x2800  }
0x2b: {  	[sflag:s12] =	ssyncset.done $0x0  }
0x2c: {  	s0 =	simm.s32 $0xF0;
	[sflag:s12] =	ssyncadd.s32 $0xFFFFD800  }
0x2d: {  	[tilespmem:s15], [sflag:$0x1] =	stream.indirect.gather [hbm4b:s4+s14], $0x80, s0, s14, $0xb8;
	[tilespmem:$0x1FEA0] =	vst v63  }
0x2e: {  	_ =	swait.ge [sflag:s20], $0x2800  }
0x2f: {  	[sflag:s20] =	ssyncset.done $0x0  }
0x30: {  	s0 =	simm.s32 $0x2760;
	[sflag:s20] =	ssyncadd.s32 $0xFFFFD800  }
0x31: {  	[spmem:s2] =	stream.indirect.scatter.add.f32 [tilespmem:s16], [sflag:$0x4], $0x80, s0, s14, $0xb8;
	[tilespmem:$0x1FEA0] =	vst v63  }
0x32: {  	_ =	swait.ge [sflag:s12], $0x2800  }
0x33: {  	[sflag:s12] =	ssyncset.done $0x0  }
0x34: {  	s0 =	simm.s32 $0x140;
	[sflag:s12] =	ssyncadd.s32 $0xFFFFD800  }
0x35: {  	[tilespmem:s16], [sflag:$0x2] =	stream.indirect.gather [hbm4b:s4+s14], $0x80, s0, s14, $0xb8;
	[tilespmem:$0x1FEA0] =	vst v63  }
0x36: {  	_ =	swait.ge [sflag:s21], $0x2800  }
0x37: {  	[sflag:s21] =	ssyncset.done $0x0  }
0x38: {  	s0 =	simm.s32 $0x27B0;
	[sflag:s21] =	ssyncadd.s32 $0xFFFFD800  }
0x39: {  	[spmem:s2] =	stream.indirect.scatter.add.f32 [tilespmem:s18], [sflag:$0x4], $0x80, s0, s14, $0xb8;
	[tilespmem:$0x1FEA0] =	vst v63  }
0x3a: {  	_ =	swait.ge [sflag:s12], $0x2800  }
0x3b: {  	[sflag:s12] =	ssyncset.done $0x0  }
0x3c: {  	s31 =	simm.s32 $0x3C0;
	s1 =	simm.s32 $0x190;
	[sflag:s12] =	ssyncadd.s32 $0xFFFFD800  }
.LBB2_2:
0x3d: {  	[tilespmem:s18], [sflag:$0x3] =	stream.indirect.gather [hbm4b:s4+s14], $0x80, s1, s14, $0xb8;
	[tilespmem:$0x1FEA0] =	vst v63  }
0x3e: {  	s1 =	smov.u32 s31  }
0x3f: {  	p1 =	sne.s32 s31, $0x9240;
	s31 =	sadd.s32 $0x3C0, s31;
	_ =	swait.ge [sflag:s19], $0x2800  }
0x40: {  	s1 =	sshra.s32 s1, $0x2;
	[sflag:s19] =	ssyncset.done $0x0  }
0x41: {  	s0 =	sadd.s32 $0x2710, s1;
	[sflag:s19] =	ssyncadd.s32 $0xFFFFD800  }
0x42: {  	[spmem:s2] =	stream.indirect.scatter.add.f32 [tilespmem:s15], [sflag:$0x4], $0x80, s0, s14, $0xb8;
	[tilespmem:$0x1FEA0] =	vst v63  }
0x43: {  	_ =	swait.ge [sflag:s12], $0x2800  }
0x44: {  	[sflag:s12] =	ssyncset.done $0x0  }
0x45: {  	s0 =	sadd.s32 $0xF0, s1;
	[sflag:s12] =	ssyncadd.s32 $0xFFFFD800  }
0x46: {  	[tilespmem:s15], [sflag:$0x1] =	stream.indirect.gather [hbm4b:s4+s14], $0x80, s0, s14, $0xb8;
	[tilespmem:$0x1FEA0] =	vst v63  }
0x47: {  	_ =	swait.ge [sflag:s20], $0x2800  }
0x48: {  	[sflag:s20] =	ssyncset.done $0x0  }
0x49: {  	s0 =	sadd.s32 $0x2760, s1;
	[sflag:s20] =	ssyncadd.s32 $0xFFFFD800  }
0x4a: {  	[spmem:s2] =	stream.indirect.scatter.add.f32 [tilespmem:s16], [sflag:$0x4], $0x80, s0, s14, $0xb8;
	[tilespmem:$0x1FEA0] =	vst v63  }
0x4b: {  	_ =	swait.ge [sflag:s12], $0x2800  }
0x4c: {  	[sflag:s12] =	ssyncset.done $0x0  }
0x4d: {  	s0 =	sadd.s32 $0x140, s1;
	[sflag:s12] =	ssyncadd.s32 $0xFFFFD800  }
0x4e: {  	[tilespmem:s16], [sflag:$0x2] =	stream.indirect.gather [hbm4b:s4+s14], $0x80, s0, s14, $0xb8;
	[tilespmem:$0x1FEA0] =	vst v63  }
0x4f: {  	_ =	swait.ge [sflag:s21], $0x2800  }
0x50: {  	[sflag:s21] =	ssyncset.done $0x0  }
.Ltmp0:
0x51: {  	s0 =	sadd.s32 $0x27B0, s1;
	[sflag:s21] =	ssyncadd.s32 $0xFFFFD800;
	(pc) =	sbr.rel @p1 .LBB2_2-.Ltmp0, $4  }
0x52: {  	[spmem:s2] =	stream.indirect.scatter.add.f32 [tilespmem:s18], [sflag:$0x4], $0x80, s0, s14, $0xb8;
	[tilespmem:$0x1FEA0] =	vst v63  }
0x53: {  	_ =	swait.ge [sflag:s12], $0x2800  }
0x54: {  	[sflag:s12] =	ssyncset.done $0x0  }
0x55: {  	s1 =	sadd.s32 $0x190, s1;
	[sflag:s12] =	ssyncadd.s32 $0xFFFFD800  }
0x56: {  	[tilespmem:s18], [sflag:$0x3] =	stream.indirect.gather [hbm4b:s4+s14], $0x80, s1, s14, $0xb8;
	[tilespmem:$0x1FEA0] =	vst v63  }
0x57: {  	_ =	swait.ge [sflag:s19], $0x2800  }
0x58: {  	[sflag:s19] =	ssyncset.done $0x0  }
0x59: {  	[sflag:s19] =	ssyncadd.s32 $0xFFFFD800  }
0x5a: {  	[spmem:s2] =	stream.indirect.scatter.add.f32 [tilespmem:s15], [sflag:$0x4], $0x80, s22, s14, $0xb8;
	[tilespmem:$0x1FEA0] =	vst v63  }
0x5b: {  	_ =	swait.ge [sflag:s12], $0x2800  }
0x5c: {  	[sflag:s12] =	ssyncset.done $0x0  }
0x5d: {  	[sflag:s12] =	ssyncadd.s32 $0xFFFFD800  }
0x5e: {  	[tilespmem:s15], [sflag:$0x1] =	stream.indirect.gather [hbm4b:s4+s14], $0x80, s23, s14, $0xb8;
	[tilespmem:$0x1FEA0] =	vst v63  }
0x5f: {  	_ =	swait.ge [sflag:s20], $0x2800  }
0x60: {  	[sflag:s20] =	ssyncset.done $0x0  }
0x61: {  	[sflag:s20] =	ssyncadd.s32 $0xFFFFD800  }
0x62: {  	[spmem:s2] =	stream.indirect.scatter.add.f32 [tilespmem:s16], [sflag:$0x4], $0x80, s24, s14, $0xb8;
	[tilespmem:$0x1FEA0] =	vst v63  }
0x63: {  	_ =	swait.ge [sflag:s12], $0x2800  }
0x64: {  	[sflag:s12] =	ssyncset.done $0x0  }
0x65: {  	[sflag:s12] =	ssyncadd.s32 $0xFFFFD800  }
0x66: {  	[tilespmem:s16], [sflag:$0x2] =	stream.indirect.gather [hbm4b:s4+s14], $0x80, s25, s14, $0xb8;
	[tilespmem:$0x1FEA0] =	vst v63  }
0x67: {  	_ =	swait.ge [sflag:s21], $0x2800  }
0x68: {  	[sflag:s21] =	ssyncset.done $0x0  }
0x69: {  	[sflag:s21] =	ssyncadd.s32 $0xFFFFD800  }
0x6a: {  	[spmem:s2] =	stream.indirect.scatter.add.f32 [tilespmem:s18], [sflag:$0x4], $0x80, s26, s14, $0xb8;
	[tilespmem:$0x1FEA0] =	vst v63  }
0x6b: {  	_ =	swait.ge [sflag:s12], $0x2800  }
0x6c: {  	[sflag:s12] =	ssyncset.done $0x0  }
0x6d: {  	[sflag:s12] =	ssyncadd.s32 $0xFFFFD800  }
0x6e: {  	_ =	swait.ge [sflag:s19], $0x2800  }
0x6f: {  	[sflag:s19] =	ssyncset.done $0x0  }
0x70: {  	[sflag:s19] =	ssyncadd.s32 $0xFFFFD800  }
0x71: {  	[spmem:s2] =	stream.indirect.scatter.add.f32 [tilespmem:s15], [sflag:$0x4], $0x80, s28, s14, $0xb8;
	[tilespmem:$0x1FEA0] =	vst v63  }
0x72: {  	_ =	swait.ge [sflag:s12], $0x2800  }
0x73: {  	[sflag:s12] =	ssyncset.done $0x0  }
0x74: {  	[sflag:s12] =	ssyncadd.s32 $0xFFFFD800  }
0x75: {  	_ =	swait.ge [sflag:s20], $0x2800  }
0x76: {  	[sflag:s20] =	ssyncset.done $0x0  }
0x77: {  	[sflag:s20] =	ssyncadd.s32 $0xFFFFD800  }
0x78: {  	[spmem:s2] =	stream.indirect.scatter.add.f32 [tilespmem:s16], [sflag:$0x4], $0x80, s29, s14, $0xb8;
	[tilespmem:$0x1FEA0] =	vst v63  }
0x79: {  	_ =	swait.ge [sflag:s12], $0x2800  }
0x7a: {  	s30 =	sadd.s32 $0x1, s30;
	[sflag:s12] =	ssyncset.done $0x0  }
0x7b: {  	p1 =	sne.s32 s30, s9;
	[sflag:s12] =	ssyncadd.s32 $0xFFFFD800  }
.Ltmp1:
0x7c: {  	s0 =	simm.s32 @!p0 $0x4;
	[bflag:$0x0] =	sbarrier.arrive $0xFFFF;
	(pc) =	sbr.rel @p1 .LBB2_1-.Ltmp1, $4  }
0x7d: {  	[hbm:s8], [sflag:s10] =	dma.local @!p0 [spmem:s11], $0x3E80  }
0x7e: {  	_ =	swait.ge @!p0 [sflag:s0], $0x3E80  }
0x7f: {  	[sflag:s0] =	ssyncset.done @!p0 $0x0  }
0x80: {  	[sflag:s0] =	ssyncadd.s32 @!p0 $0xFFFFC180  }
0x81: {  	_ =	sfence.sel $0x180000  }
0x82: {  	[bflag:$0x0] =	sbarrier.arrive $0xFFFF  }
0x83: {  	_ =	strace $0x90000047  }
0x84: {  	s0 =	stileid.u32;
	[bflag:$0x2] =	sbarrier.arrive $0xFFFF  }
0x85: {  	p0 =	sne.s32 s0, $0x0;
	s0 =	rddreg [dreg:$0x2]  }
0x86: {  	s0 =	sadd.s32 @!p0 $0x100000, s0  }
0x87: {  	[sflag:s0] =	ssyncadd.tile.s32 @!p0 $0x1;
	_ =	shalt  }
.Lfunc_end2:
_tile_overlayer_lowered:
.L_overlay_start_2:
0x88: {  	(tag) =	ssettag $0x2  }
0x89: {  	s0 =	rddreg [dreg:$0x0];
	s2 =	stileid.u32  }
0x8a: {  	s1 =	rddreg [dreg:$0x1];
	p0 =	sne.s32 s2, $0x0  }
0x8b: {  	s3 =	rddreg [dreg:$0x2];
	[bflag:$0x3] =	sbarrier.arrive $0xFFFF;
	s2 =	simm.s32 @!p0 $0x1C04  }
0x8c: {  	[timem:s3], [sflag:s2] =	dma.local @!p0 [hbm:s0], s1  }
0x8d: {  	s0 =	simm.s32 @!p0 $0x4  }
0x8e: {  	_ =	swait.ge @!p0 [sflag:s0], s1  }
0x8f: {  	s1 =	ssub.s32 @!p0 $0x0, s1;
	[sflag:s0] =	ssyncset.done @!p0 $0x0  }
0x90: {  	[sflag:s0] =	ssyncadd.s32 @!p0 s1  }
0x91: {  	[bflag:$0x3] =	sbarrier.arrive $0xFFFF  }
0x92: {  	_ =	shalt  }

</sc_bundles>
